<compile_context>
chip_gen: v7x
topology: tpu7x:2x2x1
jax: 0.10.2.dev20260603
libtpu: 0.0.44.dev20260713+nightly
codegen_flags: <defaults>
</compile_context>

<pallas_src>
import math

import jax
import jax.numpy as jnp
from jax import lax
from jax.experimental import pallas as pl
from jax.experimental.pallas import tpu as pltpu
from jax.experimental.pallas import tpu_sc as plsc

D = 128
B = 4096 * 200
NC, NS, L = 2, 16, 16
NW = NC * NS
BPW = B // NW
CHUNK = 128
NCHUNK = BPW // CHUNK
NBUF = 6
SCALE = math.sqrt(float(D))


def _emb_body(idx_hbm, table_hbm, out_hbm, idx_v, *scratch):
    rows = scratch[:NBUF]
    gs = scratch[NBUF:2 * NBUF]
    os_ = scratch[2 * NBUF:3 * NBUF]

    wid = lax.axis_index("c") * NS + lax.axis_index("s")
    pltpu.sync_copy(idx_hbm.at[wid], idx_v)
    base = wid * BPW

    for b in range(NBUF):
        pltpu.async_copy(table_hbm.at[idx_v.at[b]], rows[b], gs[b])

    def chunk_step(j, b):
        pltpu.make_async_copy(
            table_hbm.at[idx_v.at[0]], rows[b], gs[b]
        ).wait()

        def row_body(i, c):
            for k in range(D // L):
                sl = pl.ds(k * L, L)
                rows[b][i, sl] = rows[b][i, sl] * SCALE
            return c

        lax.fori_loop(0, CHUNK, row_body, 0, unroll=2)
        pltpu.async_copy(
            rows[b], out_hbm.at[pl.ds(base + j * CHUNK, CHUNK)], os_[b]
        )

        bp2 = (b - 2) % NBUF
        jn = j - 2 + NBUF

        @pl.when(jnp.logical_and(j >= 2, jn < NCHUNK))
        def _():
            pltpu.make_async_copy(
                rows[bp2], out_hbm.at[pl.ds(base, CHUNK)], os_[bp2]
            ).wait()
            pltpu.async_copy(table_hbm.at[idx_v.at[jn]], rows[bp2], gs[bp2])

    def outer(t, carry):
        for b in range(NBUF):
            chunk_step(t * NBUF + b, b)
        return carry

    nfull = NCHUNK // NBUF
    lax.fori_loop(0, nfull, outer, 0)
    for b in range(NCHUNK - nfull * NBUF):
        chunk_step(nfull * NBUF + b, b)

    for b in range(NBUF):
        pltpu.make_async_copy(
            rows[b], out_hbm.at[pl.ds(base, CHUNK)], os_[b]
        ).wait()


@jax.jit
def kernel(x, table):
    idx = x.reshape(NW, NCHUNK, CHUNK)
    mesh = plsc.VectorSubcoreMesh(
        core_axis_name="c", subcore_axis_name="s", num_cores=NC, num_subcores=NS
    )
    scratch = (
        [pltpu.VMEM((NCHUNK, CHUNK), jnp.int32)]
        + [pltpu.VMEM((CHUNK, D), jnp.float32) for _ in range(NBUF)]
        + [pltpu.SemaphoreType.DMA for _ in range(2 * NBUF)]
    )
    out = pl.kernel(
        _emb_body,
        out_type=jax.ShapeDtypeStruct((B, D), jnp.float32),
        mesh=mesh,
        scratch_types=scratch,
    )(idx, table)
    return out.reshape(x.shape[0], x.shape[1], D)

# --- scband reference (transcript-rebuilt; emitter-appended) ---
"""Pipeline reference for scband-token-embedding-20925080666183 (READ-ONLY COPY).

The authoritative reference and input builder live on the scoring server;
editing this copy changes nothing except your own understanding.
"""

import jax, jax.numpy as jnp
import numpy as np
import math

VOCAB = 1000000
D_MODEL = 128
PADDING_IDX = 0

def setup_inputs(seed: int = 0) -> dict:
    key = jax.random.key(seed)
    k1, k2 = jax.random.split(key)
    x = jax.random.randint(k1, (4096, 200), 0, VOCAB, dtype=jnp.int32)
    table = jax.random.normal(k2, (VOCAB, D_MODEL), dtype=jnp.float32)
    # padding_idx row is zero-initialized in torch nn.Embedding
    table = table.at[PADDING_IDX].set(0.0)
    return {"x": x, "table": table}

def reference(x, table):
    # dropout p=0.0 (identity); embedding lookup scaled by sqrt(d_model)
    emb = jnp.take(table, x, axis=0)
    return emb * math.sqrt(D_MODEL)

if __name__ == "__main__":
    import jax
    _d = setup_inputs()
    print(jax.jit(kernel)(*tuple(_d.values())))

</pallas_src>

<mosaic_0001>
#map = affine_map<(d0, d1) -> (0, 0, 0)>
#map1 = affine_map<(d0, d1) -> (0, 0)>
module attributes {stable_mosaic.version = 14 : i64} {
  func.func @_emb_body(%arg0: i32, %arg1: i32, %arg2: memref<32x200x128xi32, #tpu.memory_space<hbm>>, %arg3: memref<1000000x128xf32, #tpu.memory_space<hbm>>, %arg4: memref<819200x128xf32, #tpu.memory_space<hbm>>, %arg5: memref<200x128xi32, #tpu.memory_space<vmem>>, %arg6: memref<128x128xf32, #tpu.memory_space<vmem>>, %arg7: memref<128x128xf32, #tpu.memory_space<vmem>>, %arg8: memref<128x128xf32, #tpu.memory_space<vmem>>, %arg9: memref<128x128xf32, #tpu.memory_space<vmem>>, %arg10: memref<128x128xf32, #tpu.memory_space<vmem>>, %arg11: memref<128x128xf32, #tpu.memory_space<vmem>>, %arg12: memref<!tpu.dma_semaphore, #tpu.memory_space<semaphore_mem>>, %arg13: memref<!tpu.dma_semaphore, #tpu.memory_space<semaphore_mem>>, %arg14: memref<!tpu.dma_semaphore, #tpu.memory_space<semaphore_mem>>, %arg15: memref<!tpu.dma_semaphore, #tpu.memory_space<semaphore_mem>>, %arg16: memref<!tpu.dma_semaphore, #tpu.memory_space<semaphore_mem>>, %arg17: memref<!tpu.dma_semaphore, #tpu.memory_space<semaphore_mem>>, %arg18: memref<!tpu.dma_semaphore, #tpu.memory_space<semaphore_mem>>, %arg19: memref<!tpu.dma_semaphore, #tpu.memory_space<semaphore_mem>>, %arg20: memref<!tpu.dma_semaphore, #tpu.memory_space<semaphore_mem>>, %arg21: memref<!tpu.dma_semaphore, #tpu.memory_space<semaphore_mem>>, %arg22: memref<!tpu.dma_semaphore, #tpu.memory_space<semaphore_mem>>, %arg23: memref<!tpu.dma_semaphore, #tpu.memory_space<semaphore_mem>>) attributes {dimension_semantics = [#tpu.dimension_semantics<core_parallel>, #tpu.dimension_semantics<subcore_parallel>], iteration_bounds = array<i64: 2, 16>, scalar_prefetch = 0 : i64, scratch_operands = 19 : i64, tpu.core_type = #tpu.core_type<sc_vector_subcore>, window_params = [{transform_indices = #map}, {transform_indices = #map1}, {transform_indices = #map1}]} {
    %mul3A = arith.constant 16 : i32
    %mul3A_0 = arith.muli %arg0, %mul3A : i32
    %add3A = arith.addi %mul3A_0, %arg1 : i32
    "tpu.region"() ({
      %run_scoped3A = tpu.sem_alloc : memref<!tpu.dma_semaphore, #tpu.memory_space<semaphore_mem>>
      %dma_start3A_119 = arith.constant 0 : i32
      %dma_start3A_120 = arith.constant 0 : i32
      %dma_start3A_121 = tpu.memref_slice %arg2[%add3A, %dma_start3A_119, %dma_start3A_120] : memref<32x200x128xi32, #tpu.memory_space<hbm>> -> memref<1x200x128xi32, #tpu.memory_space<hbm>>
      %dma_start3A_122 = tpu.memref_squeeze %dma_start3A_121 : memref<1x200x128xi32, #tpu.memory_space<hbm>> -> memref<200x128xi32, #tpu.memory_space<hbm>>
      %dma_start3A_123 = arith.constant 0 : i32
      %dma_start3A_124 = arith.constant 0 : i32
      %dma_start3A_125 = tpu.memref_slice %arg2[%add3A, %dma_start3A_123, %dma_start3A_124] : memref<32x200x128xi32, #tpu.memory_space<hbm>> -> memref<1x200x128xi32, #tpu.memory_space<hbm>>
      %dma_start3A_126 = tpu.memref_squeeze %dma_start3A_125 : memref<1x200x128xi32, #tpu.memory_space<hbm>> -> memref<200x128xi32, #tpu.memory_space<hbm>>
      tpu.enqueue_dma source(%dma_start3A_126 : memref<200x128xi32, #tpu.memory_space<hbm>>) target(%arg5 : memref<200x128xi32, #tpu.memory_space<vmem>>) target_semaphore(%run_scoped3A : memref<!tpu.dma_semaphore, #tpu.memory_space<semaphore_mem>>)
      %dma_wait3A_127 = arith.constant 0 : i32
      %dma_wait3A_128 = arith.constant 0 : i32
      %dma_wait3A_129 = tpu.memref_slice %arg2[%add3A, %dma_wait3A_127, %dma_wait3A_128] : memref<32x200x128xi32, #tpu.memory_space<hbm>> -> memref<1x200x128xi32, #tpu.memory_space<hbm>>
      %dma_wait3A_130 = tpu.memref_squeeze %dma_wait3A_129 : memref<1x200x128xi32, #tpu.memory_space<hbm>> -> memref<200x128xi32, #tpu.memory_space<hbm>>
      %dma_wait3A_131 = arith.constant 0 : i32
      %dma_wait3A_132 = arith.constant 0 : i32
      %dma_wait3A_133 = tpu.memref_slice %arg2[%add3A, %dma_wait3A_131, %dma_wait3A_132] : memref<32x200x128xi32, #tpu.memory_space<hbm>> -> memref<1x200x128xi32, #tpu.memory_space<hbm>>
      %dma_wait3A_134 = tpu.memref_squeeze %dma_wait3A_133 : memref<1x200x128xi32, #tpu.memory_space<hbm>> -> memref<200x128xi32, #tpu.memory_space<hbm>>
      tpu.wait_dma2 semaphore(%run_scoped3A : memref<!tpu.dma_semaphore, #tpu.memory_space<semaphore_mem>>) src(%dma_wait3A_134 : memref<200x128xi32, #tpu.memory_space<hbm>>) dst(%arg5 : memref<200x128xi32, #tpu.memory_space<vmem>>)
      tpu.yield
    }) : () -> ()
    %mul3A_1 = arith.constant 25600 : i32
    %mul3A_2 = arith.muli %add3A, %mul3A_1 : i32
    %dma_start3A = arith.constant 0 : i32
    %dma_start3A_3 = arith.constant 0 : i32
    %dma_start3A_4 = tpu.memref_slice %arg5[%dma_start3A, %dma_start3A_3] : memref<200x128xi32, #tpu.memory_space<vmem>> -> memref<1x128xi32, #tpu.memory_space<vmem>>
    %dma_start3A_5 = tpu.memref_squeeze %dma_start3A_4 : memref<1x128xi32, #tpu.memory_space<vmem>> -> memref<128xi32, #tpu.memory_space<vmem>>
    %dma_start3A_6 = arith.constant 0 : i32
    %dma_start3A_7 = arith.constant 0 : i32
    %dma_start3A_8 = tpu.memref_slice %arg3[%dma_start3A_6, %dma_start3A_7] : memref<1000000x128xf32, #tpu.memory_space<hbm>> -> memref<1000000x128xf32, #tpu.memory_space<hbm>>
    tpu.enqueue_indirect_dma source(%dma_start3A_8 : memref<1000000x128xf32, #tpu.memory_space<hbm>>) target(%arg6 : memref<128x128xf32, #tpu.memory_space<vmem>>) offsets(%dma_start3A_5 : memref<128xi32, #tpu.memory_space<vmem>>) semaphore(%arg12 : memref<!tpu.dma_semaphore, #tpu.memory_space<semaphore_mem>>)
    %dma_start3A_9 = arith.constant 1 : i32
    %dma_start3A_10 = arith.constant 0 : i32
    %dma_start3A_11 = tpu.memref_slice %arg5[%dma_start3A_9, %dma_start3A_10] : memref<200x128xi32, #tpu.memory_space<vmem>> -> memref<1x128xi32, #tpu.memory_space<vmem>>
    %dma_start3A_12 = tpu.memref_squeeze %dma_start3A_11 : memref<1x128xi32, #tpu.memory_space<vmem>> -> memref<128xi32, #tpu.memory_space<vmem>>
    %dma_start3A_13 = arith.constant 0 : i32
    %dma_start3A_14 = arith.constant 0 : i32
    %dma_start3A_15 = tpu.memref_slice %arg3[%dma_start3A_13, %dma_start3A_14] : memref<1000000x128xf32, #tpu.memory_space<hbm>> -> memref<1000000x128xf32, #tpu.memory_space<hbm>>
    tpu.enqueue_indirect_dma source(%dma_start3A_15 : memref<1000000x128xf32, #tpu.memory_space<hbm>>) target(%arg7 : memref<128x128xf32, #tpu.memory_space<vmem>>) offsets(%dma_start3A_12 : memref<128xi32, #tpu.memory_space<vmem>>) semaphore(%arg13 : memref<!tpu.dma_semaphore, #tpu.memory_space<semaphore_mem>>)
    %dma_start3A_16 = arith.constant 2 : i32
    %dma_start3A_17 = arith.constant 0 : i32
    %dma_start3A_18 = tpu.memref_slice %arg5[%dma_start3A_16, %dma_start3A_17] : memref<200x128xi32, #tpu.memory_space<vmem>> -> memref<1x128xi32, #tpu.memory_space<vmem>>
    %dma_start3A_19 = tpu.memref_squeeze %dma_start3A_18 : memref<1x128xi32, #tpu.memory_space<vmem>> -> memref<128xi32, #tpu.memory_space<vmem>>
    %dma_start3A_20 = arith.constant 0 : i32
    %dma_start3A_21 = arith.constant 0 : i32
    %dma_start3A_22 = tpu.memref_slice %arg3[%dma_start3A_20, %dma_start3A_21] : memref<1000000x128xf32, #tpu.memory_space<hbm>> -> memref<1000000x128xf32, #tpu.memory_space<hbm>>
    tpu.enqueue_indirect_dma source(%dma_start3A_22 : memref<1000000x128xf32, #tpu.memory_space<hbm>>) target(%arg8 : memref<128x128xf32, #tpu.memory_space<vmem>>) offsets(%dma_start3A_19 : memref<128xi32, #tpu.memory_space<vmem>>) semaphore(%arg14 : memref<!tpu.dma_semaphore, #tpu.memory_space<semaphore_mem>>)
    %dma_start3A_23 = arith.constant 3 : i32
    %dma_start3A_24 = arith.constant 0 : i32
    %dma_start3A_25 = tpu.memref_slice %arg5[%dma_start3A_23, %dma_start3A_24] : memref<200x128xi32, #tpu.memory_space<vmem>> -> memref<1x128xi32, #tpu.memory_space<vmem>>
    %dma_start3A_26 = tpu.memref_squeeze %dma_start3A_25 : memref<1x128xi32, #tpu.memory_space<vmem>> -> memref<128xi32, #tpu.memory_space<vmem>>
    %dma_start3A_27 = arith.constant 0 : i32
    %dma_start3A_28 = arith.constant 0 : i32
    %dma_start3A_29 = tpu.memref_slice %arg3[%dma_start3A_27, %dma_start3A_28] : memref<1000000x128xf32, #tpu.memory_space<hbm>> -> memref<1000000x128xf32, #tpu.memory_space<hbm>>
    tpu.enqueue_indirect_dma source(%dma_start3A_29 : memref<1000000x128xf32, #tpu.memory_space<hbm>>) target(%arg9 : memref<128x128xf32, #tpu.memory_space<vmem>>) offsets(%dma_start3A_26 : memref<128xi32, #tpu.memory_space<vmem>>) semaphore(%arg15 : memref<!tpu.dma_semaphore, #tpu.memory_space<semaphore_mem>>)
    %dma_start3A_30 = arith.constant 4 : i32
    %dma_start3A_31 = arith.constant 0 : i32
    %dma_start3A_32 = tpu.memref_slice %arg5[%dma_start3A_30, %dma_start3A_31] : memref<200x128xi32, #tpu.memory_space<vmem>> -> memref<1x128xi32, #tpu.memory_space<vmem>>
    %dma_start3A_33 = tpu.memref_squeeze %dma_start3A_32 : memref<1x128xi32, #tpu.memory_space<vmem>> -> memref<128xi32, #tpu.memory_space<vmem>>
    %dma_start3A_34 = arith.constant 0 : i32
    %dma_start3A_35 = arith.constant 0 : i32
    %dma_start3A_36 = tpu.memref_slice %arg3[%dma_start3A_34, %dma_start3A_35] : memref<1000000x128xf32, #tpu.memory_space<hbm>> -> memref<1000000x128xf32, #tpu.memory_space<hbm>>
    tpu.enqueue_indirect_dma source(%dma_start3A_36 : memref<1000000x128xf32, #tpu.memory_space<hbm>>) target(%arg10 : memref<128x128xf32, #tpu.memory_space<vmem>>) offsets(%dma_start3A_33 : memref<128xi32, #tpu.memory_space<vmem>>) semaphore(%arg16 : memref<!tpu.dma_semaphore, #tpu.memory_space<semaphore_mem>>)
    %dma_start3A_37 = arith.constant 5 : i32
    %dma_start3A_38 = arith.constant 0 : i32
    %dma_start3A_39 = tpu.memref_slice %arg5[%dma_start3A_37, %dma_start3A_38] : memref<200x128xi32, #tpu.memory_space<vmem>> -> memref<1x128xi32, #tpu.memory_space<vmem>>
    %dma_start3A_40 = tpu.memref_squeeze %dma_start3A_39 : memref<1x128xi32, #tpu.memory_space<vmem>> -> memref<128xi32, #tpu.memory_space<vmem>>
    %dma_start3A_41 = arith.constant 0 : i32
    %dma_start3A_42 = arith.constant 0 : i32
    %dma_start3A_43 = tpu.memref_slice %arg3[%dma_start3A_41, %dma_start3A_42] : memref<1000000x128xf32, #tpu.memory_space<hbm>> -> memref<1000000x128xf32, #tpu.memory_space<hbm>>
    tpu.enqueue_indirect_dma source(%dma_start3A_43 : memref<1000000x128xf32, #tpu.memory_space<hbm>>) target(%arg11 : memref<128x128xf32, #tpu.memory_space<vmem>>) offsets(%dma_start3A_40 : memref<128xi32, #tpu.memory_space<vmem>>) semaphore(%arg17 : memref<!tpu.dma_semaphore, #tpu.memory_space<semaphore_mem>>)
    %scan3A = arith.constant 0 : i32
    %scan3A_44 = arith.constant 0 : i32
    %scan3A_45 = arith.constant 33 : i32
    %scan3A_46 = arith.addi %scan3A_44, %scan3A_45 : i32
    %scan3A_47 = arith.constant 1 : i32
    scf.for %scan3A_119 = %scan3A_44 to %scan3A_46 step %scan3A_47  : i32 {
      %mul3A_120 = arith.constant 6 : i32
      %mul3A_121 = arith.muli %scan3A_119, %mul3A_120 : i32
      %add3A_122 = arith.constant 0 : i32
      %add3A_123 = arith.addi %mul3A_121, %add3A_122 : i32
      %dma_wait3A_124 = arith.constant 0 : i32
      %dma_wait3A_125 = arith.constant 0 : i32
      %dma_wait3A_126 = tpu.memref_slice %arg5[%dma_wait3A_124, %dma_wait3A_125] : memref<200x128xi32, #tpu.memory_space<vmem>> -> memref<1x128xi32, #tpu.memory_space<vmem>>
      %dma_wait3A_127 = tpu.memref_squeeze %dma_wait3A_126 : memref<1x128xi32, #tpu.memory_space<vmem>> -> memref<128xi32, #tpu.memory_space<vmem>>
      %dma_wait3A_128 = arith.constant 0 : i32
      %dma_wait3A_129 = arith.constant 0 : i32
      %dma_wait3A_130 = tpu.memref_slice %arg3[%dma_wait3A_128, %dma_wait3A_129] : memref<1000000x128xf32, #tpu.memory_space<hbm>> -> memref<1000000x128xf32, #tpu.memory_space<hbm>>
      tpu.wait_indirect_dma semaphore(%arg12 : memref<!tpu.dma_semaphore, #tpu.memory_space<semaphore_mem>>) src(%dma_wait3A_130 : memref<1000000x128xf32, #tpu.memory_space<hbm>>) dst(%arg6 : memref<128x128xf32, #tpu.memory_space<vmem>>)
      %scan3A_131 = arith.constant 0 : i32
      %scan3A_132 = arith.constant 0 : i32
      %scan3A_133 = arith.constant 128 : i32
      %scan3A_134 = arith.addi %scan3A_132, %scan3A_133 : i32
      %scan3A_135 = arith.constant 2 : i32
      scf.for %scan3A_333 = %scan3A_132 to %scan3A_134 step %scan3A_135  : i32 {
        %get3A = arith.index_cast %scan3A_333 : i32 to index
        %get3A_334 = arith.constant 0 : index
        %get3A_335 = tpu.vector_load %arg6[%get3A, %get3A_334] {strides = array<i32>} : memref<128x128xf32, #tpu.memory_space<vmem>>, vector<1x16xf32>,
        %get3A_336 = vector.shape_cast %get3A_335 : vector<1x16xf32> to vector<16xf32>
        %mul3A_337 = arith.constant 11.3137083 : f32
        %mul3A_338 = vector.broadcast %mul3A_337 : f32 to vector<16xf32>
        %mul3A_339 = arith.mulf %get3A_336, %mul3A_338 : vector<16xf32>
        %swap3A = arith.index_cast %scan3A_333 : i32 to index
        %swap3A_340 = arith.constant 0 : index
        %swap3A_341 = tpu.vector_load %arg6[%swap3A, %swap3A_340] {strides = array<i32>} : memref<128x128xf32, #tpu.memory_space<vmem>>, vector<1x16xf32>,
        %swap3A_342 = vector.shape_cast %swap3A_341 : vector<1x16xf32> to vector<16xf32>
        %swap3A_343 = vector.shape_cast %mul3A_339 : vector<16xf32> to vector<1x16xf32>
        tpu.vector_store %arg6[%swap3A, %swap3A_340], %swap3A_343 {strides = array<i32>} : memref<128x128xf32, #tpu.memory_space<vmem>>, vector<1x16xf32>,
        %get3A_344 = arith.index_cast %scan3A_333 : i32 to index
        %get3A_345 = arith.constant 16 : index
        %get3A_346 = tpu.vector_load %arg6[%get3A_344, %get3A_345] {strides = array<i32>} : memref<128x128xf32, #tpu.memory_space<vmem>>, vector<1x16xf32>,
        %get3A_347 = vector.shape_cast %get3A_346 : vector<1x16xf32> to vector<16xf32>
        %mul3A_348 = arith.constant 11.3137083 : f32
        %mul3A_349 = vector.broadcast %mul3A_348 : f32 to vector<16xf32>
        %mul3A_350 = arith.mulf %get3A_347, %mul3A_349 : vector<16xf32>
        %swap3A_351 = arith.index_cast %scan3A_333 : i32 to index
        %swap3A_352 = arith.constant 16 : index
        %swap3A_353 = tpu.vector_load %arg6[%swap3A_351, %swap3A_352] {strides = array<i32>} : memref<128x128xf32, #tpu.memory_space<vmem>>, vector<1x16xf32>,
        %swap3A_354 = vector.shape_cast %swap3A_353 : vector<1x16xf32> to vector<16xf32>
        %swap3A_355 = vector.shape_cast %mul3A_350 : vector<16xf32> to vector<1x16xf32>
        tpu.vector_store %arg6[%swap3A_351, %swap3A_352], %swap3A_355 {strides = array<i32>} : memref<128x128xf32, #tpu.memory_space<vmem>>, vector<1x16xf32>,
        %get3A_356 = arith.index_cast %scan3A_333 : i32 to index
        %get3A_357 = arith.constant 32 : index
        %get3A_358 = tpu.vector_load %arg6[%get3A_356, %get3A_357] {strides = array<i32>} : memref<128x128xf32, #tpu.memory_space<vmem>>, vector<1x16xf32>,
        %get3A_359 = vector.shape_cast %get3A_358 : vector<1x16xf32> to vector<16xf32>
        %mul3A_360 = arith.constant 11.3137083 : f32
        %mul3A_361 = vector.broadcast %mul3A_360 : f32 to vector<16xf32>
        %mul3A_362 = arith.mulf %get3A_359, %mul3A_361 : vector<16xf32>
        %swap3A_363 = arith.index_cast %scan3A_333 : i32 to index
        %swap3A_364 = arith.constant 32 : index
        %swap3A_365 = tpu.vector_load %arg6[%swap3A_363, %swap3A_364] {strides = array<i32>} : memref<128x128xf32, #tpu.memory_space<vmem>>, vector<1x16xf32>,
        %swap3A_366 = vector.shape_cast %swap3A_365 : vector<1x16xf32> to vector<16xf32>
        %swap3A_367 = vector.shape_cast %mul3A_362 : vector<16xf32> to vector<1x16xf32>
        tpu.vector_store %arg6[%swap3A_363, %swap3A_364], %swap3A_367 {strides = array<i32>} : memref<128x128xf32, #tpu.memory_space<vmem>>, vector<1x16xf32>,
        %get3A_368 = arith.index_cast %scan3A_333 : i32 to index
        %get3A_369 = arith.constant 48 : index
        %get3A_370 = tpu.vector_load %arg6[%get3A_368, %get3A_369] {strides = array<i32>} : memref<128x128xf32, #tpu.memory_space<vmem>>, vector<1x16xf32>,
        %get3A_371 = vector.shape_cast %get3A_370 : vector<1x16xf32> to vector<16xf32>
        %mul3A_372 = arith.constant 11.3137083 : f32
        %mul3A_373 = vector.broadcast %mul3A_372 : f32 to vector<16xf32>
        %mul3A_374 = arith.mulf %get3A_371, %mul3A_373 : vector<16xf32>
        %swap3A_375 = arith.index_cast %scan3A_333 : i32 to index
        %swap3A_376 = arith.constant 48 : index
        %swap3A_377 = tpu.vector_load %arg6[%swap3A_375, %swap3A_376] {strides = array<i32>} : memref<128x128xf32, #tpu.memory_space<vmem>>, vector<1x16xf32>,
        %swap3A_378 = vector.shape_cast %swap3A_377 : vector<1x16xf32> to vector<16xf32>
        %swap3A_379 = vector.shape_cast %mul3A_374 : vector<16xf32> to vector<1x16xf32>
        tpu.vector_store %arg6[%swap3A_375, %swap3A_376], %swap3A_379 {strides = array<i32>} : memref<128x128xf32, #tpu.memory_space<vmem>>, vector<1x16xf32>,
        %get3A_380 = arith.index_cast %scan3A_333 : i32 to index
        %get3A_381 = arith.constant 64 : index
        %get3A_382 = tpu.vector_load %arg6[%get3A_380, %get3A_381] {strides = array<i32>} : memref<128x128xf32, #tpu.memory_space<vmem>>, vector<1x16xf32>,
        %get3A_383 = vector.shape_cast %get3A_382 : vector<1x16xf32> to vector<16xf32>
        %mul3A_384 = arith.constant 11.3137083 : f32
        %mul3A_385 = vector.broadcast %mul3A_384 : f32 to vector<16xf32>
        %mul3A_386 = arith.mulf %get3A_383, %mul3A_385 : vector<16xf32>
        %swap3A_387 = arith.index_cast %scan3A_333 : i32 to index
        %swap3A_388 = arith.constant 64 : index
        %swap3A_389 = tpu.vector_load %arg6[%swap3A_387, %swap3A_388] {strides = array<i32>} : memref<128x128xf32, #tpu.memory_space<vmem>>, vector<1x16xf32>,
        %swap3A_390 = vector.shape_cast %swap3A_389 : vector<1x16xf32> to vector<16xf32>
        %swap3A_391 = vector.shape_cast %mul3A_386 : vector<16xf32> to vector<1x16xf32>
        tpu.vector_store %arg6[%swap3A_387, %swap3A_388], %swap3A_391 {strides = array<i32>} : memref<128x128xf32, #tpu.memory_space<vmem>>, vector<1x16xf32>,
        %get3A_392 = arith.index_cast %scan3A_333 : i32 to index
        %get3A_393 = arith.constant 80 : index
        %get3A_394 = tpu.vector_load %arg6[%get3A_392, %get3A_393] {strides = array<i32>} : memref<128x128xf32, #tpu.memory_space<vmem>>, vector<1x16xf32>,
        %get3A_395 = vector.shape_cast %get3A_394 : vector<1x16xf32> to vector<16xf32>
        %mul3A_396 = arith.constant 11.3137083 : f32
        %mul3A_397 = vector.broadcast %mul3A_396 : f32 to vector<16xf32>
        %mul3A_398 = arith.mulf %get3A_395, %mul3A_397 : vector<16xf32>
        %swap3A_399 = arith.index_cast %scan3A_333 : i32 to index
        %swap3A_400 = arith.constant 80 : index
        %swap3A_401 = tpu.vector_load %arg6[%swap3A_399, %swap3A_400] {strides = array<i32>} : memref<128x128xf32, #tpu.memory_space<vmem>>, vector<1x16xf32>,
        %swap3A_402 = vector.shape_cast %swap3A_401 : vector<1x16xf32> to vector<16xf32>
        %swap3A_403 = vector.shape_cast %mul3A_398 : vector<16xf32> to vector<1x16xf32>
        tpu.vector_store %arg6[%swap3A_399, %swap3A_400], %swap3A_403 {strides = array<i32>} : memref<128x128xf32, #tpu.memory_space<vmem>>, vector<1x16xf32>,
        %get3A_404 = arith.index_cast %scan3A_333 : i32 to index
        %get3A_405 = arith.constant 96 : index
        %get3A_406 = tpu.vector_load %arg6[%get3A_404, %get3A_405] {strides = array<i32>} : memref<128x128xf32, #tpu.memory_space<vmem>>, vector<1x16xf32>,
        %get3A_407 = vector.shape_cast %get3A_406 : vector<1x16xf32> to vector<16xf32>
        %mul3A_408 = arith.constant 11.3137083 : f32
        %mul3A_409 = vector.broadcast %mul3A_408 : f32 to vector<16xf32>
        %mul3A_410 = arith.mulf %get3A_407, %mul3A_409 : vector<16xf32>
        %swap3A_411 = arith.index_cast %scan3A_333 : i32 to index
        %swap3A_412 = arith.constant 96 : index
        %swap3A_413 = tpu.vector_load %arg6[%swap3A_411, %swap3A_412] {strides = array<i32>} : memref<128x128xf32, #tpu.memory_space<vmem>>, vector<1x16xf32>,
        %swap3A_414 = vector.shape_cast %swap3A_413 : vector<1x16xf32> to vector<16xf32>
        %swap3A_415 = vector.shape_cast %mul3A_410 : vector<16xf32> to vector<1x16xf32>
        tpu.vector_store %arg6[%swap3A_411, %swap3A_412], %swap3A_415 {strides = array<i32>} : memref<128x128xf32, #tpu.memory_space<vmem>>, vector<1x16xf32>,
        %get3A_416 = arith.index_cast %scan3A_333 : i32 to index
        %get3A_417 = arith.constant 112 : index
        %get3A_418 = tpu.vector_load %arg6[%get3A_416, %get3A_417] {strides = array<i32>} : memref<128x128xf32, #tpu.memory_space<vmem>>, vector<1x16xf32>,
        %get3A_419 = vector.shape_cast %get3A_418 : vector<1x16xf32> to vector<16xf32>
        %mul3A_420 = arith.constant 11.3137083 : f32
        %mul3A_421 = vector.broadcast %mul3A_420 : f32 to vector<16xf32>
        %mul3A_422 = arith.mulf %get3A_419, %mul3A_421 : vector<16xf32>
        %swap3A_423 = arith.index_cast %scan3A_333 : i32 to index
        %swap3A_424 = arith.constant 112 : index
        %swap3A_425 = tpu.vector_load %arg6[%swap3A_423, %swap3A_424] {strides = array<i32>} : memref<128x128xf32, #tpu.memory_space<vmem>>, vector<1x16xf32>,
        %swap3A_426 = vector.shape_cast %swap3A_425 : vector<1x16xf32> to vector<16xf32>
        %swap3A_427 = vector.shape_cast %mul3A_422 : vector<16xf32> to vector<1x16xf32>
        tpu.vector_store %arg6[%swap3A_423, %swap3A_424], %swap3A_427 {strides = array<i32>} : memref<128x128xf32, #tpu.memory_space<vmem>>, vector<1x16xf32>,
        %scan3A_428 = arith.constant 1 : i32
        %scan3A_429 = arith.addi %scan3A_333, %scan3A_428 : i32
        %get3A_430 = arith.index_cast %scan3A_429 : i32 to index
        %get3A_431 = arith.constant 0 : index
        %get3A_432 = tpu.vector_load %arg6[%get3A_430, %get3A_431] {strides = array<i32>} : memref<128x128xf32, #tpu.memory_space<vmem>>, vector<1x16xf32>,
        %get3A_433 = vector.shape_cast %get3A_432 : vector<1x16xf32> to vector<16xf32>
        %mul3A_434 = arith.constant 11.3137083 : f32
        %mul3A_435 = vector.broadcast %mul3A_434 : f32 to vector<16xf32>
        %mul3A_436 = arith.mulf %get3A_433, %mul3A_435 : vector<16xf32>
        %swap3A_437 = arith.index_cast %scan3A_429 : i32 to index
        %swap3A_438 = arith.constant 0 : index
        %swap3A_439 = tpu.vector_load %arg6[%swap3A_437, %swap3A_438] {strides = array<i32>} : memref<128x128xf32, #tpu.memory_space<vmem>>, vector<1x16xf32>,
        %swap3A_440 = vector.shape_cast %swap3A_439 : vector<1x16xf32> to vector<16xf32>
        %swap3A_441 = vector.shape_cast %mul3A_436 : vector<16xf32> to vector<1x16xf32>
        tpu.vector_store %arg6[%swap3A_437, %swap3A_438], %swap3A_441 {strides = array<i32>} : memref<128x128xf32, #tpu.memory_space<vmem>>, vector<1x16xf32>,
        %get3A_442 = arith.index_cast %scan3A_429 : i32 to index
        %get3A_443 = arith.constant 16 : index
        %get3A_444 = tpu.vector_load %arg6[%get3A_442, %get3A_443] {strides = array<i32>} : memref<128x128xf32, #tpu.memory_space<vmem>>, vector<1x16xf32>,
        %get3A_445 = vector.shape_cast %get3A_444 : vector<1x16xf32> to vector<16xf32>
        %mul3A_446 = arith.constant 11.3137083 : f32
        %mul3A_447 = vector.broadcast %mul3A_446 : f32 to vector<16xf32>
        %mul3A_448 = arith.mulf %get3A_445, %mul3A_447 : vector<16xf32>
        %swap3A_449 = arith.index_cast %scan3A_429 : i32 to index
        %swap3A_450 = arith.constant 16 : index
        %swap3A_451 = tpu.vector_load %arg6[%swap3A_449, %swap3A_450] {strides = array<i32>} : memref<128x128xf32, #tpu.memory_space<vmem>>, vector<1x16xf32>,
        %swap3A_452 = vector.shape_cast %swap3A_451 : vector<1x16xf32> to vector<16xf32>
        %swap3A_453 = vector.shape_cast %mul3A_448 : vector<16xf32> to vector<1x16xf32>
        tpu.vector_store %arg6[%swap3A_449, %swap3A_450], %swap3A_453 {strides = array<i32>} : memref<128x128xf32, #tpu.memory_space<vmem>>, vector<1x16xf32>,
        %get3A_454 = arith.index_cast %scan3A_429 : i32 to index
        %get3A_455 = arith.constant 32 : index
        %get3A_456 = tpu.vector_load %arg6[%get3A_454, %get3A_455] {strides = array<i32>} : memref<128x128xf32, #tpu.memory_space<vmem>>, vector<1x16xf32>,
        %get3A_457 = vector.shape_cast %get3A_456 : vector<1x16xf32> to vector<16xf32>
        %mul3A_458 = arith.constant 11.3137083 : f32
        %mul3A_459 = vector.broadcast %mul3A_458 : f32 to vector<16xf32>
        %mul3A_460 = arith.mulf %get3A_457, %mul3A_459 : vector<16xf32>
        %swap3A_461 = arith.index_cast %scan3A_429 : i32 to index
        %swap3A_462 = arith.constant 32 : index
        %swap3A_463 = tpu.vector_load %arg6[%swap3A_461, %swap3A_462] {strides = array<i32>} : memref<128x128xf32, #tpu.memory_space<vmem>>, vector<1x16xf32>,
        %swap3A_464 = vector.shape_cast %swap3A_463 : vector<1x16xf32> to vector<16xf32>
        %swap3A_465 = vector.shape_cast %mul3A_460 : vector<16xf32> to vector<1x16xf32>
        tpu.vector_store %arg6[%swap3A_461, %swap3A_462], %swap3A_465 {strides = array<i32>} : memref<128x128xf32, #tpu.memory_space<vmem>>, vector<1x16xf32>,
        %get3A_466 = arith.index_cast %scan3A_429 : i32 to index
        %get3A_467 = arith.constant 48 : index
        %get3A_468 = tpu.vector_load %arg6[%get3A_466, %get3A_467] {strides = array<i32>} : memref<128x128xf32, #tpu.memory_space<vmem>>, vector<1x16xf32>,
        %get3A_469 = vector.shape_cast %get3A_468 : vector<1x16xf32> to vector<16xf32>
        %mul3A_470 = arith.constant 11.3137083 : f32
        %mul3A_471 = vector.broadcast %mul3A_470 : f32 to vector<16xf32>
        %mul3A_472 = arith.mulf %get3A_469, %mul3A_471 : vector<16xf32>
        %swap3A_473 = arith.index_cast %scan3A_429 : i32 to index
        %swap3A_474 = arith.constant 48 : index
        %swap3A_475 = tpu.vector_load %arg6[%swap3A_473, %swap3A_474] {strides = array<i32>} : memref<128x128xf32, #tpu.memory_space<vmem>>, vector<1x16xf32>,
        %swap3A_476 = vector.shape_cast %swap3A_475 : vector<1x16xf32> to vector<16xf32>
        %swap3A_477 = vector.shape_cast %mul3A_472 : vector<16xf32> to vector<1x16xf32>
        tpu.vector_store %arg6[%swap3A_473, %swap3A_474], %swap3A_477 {strides = array<i32>} : memref<128x128xf32, #tpu.memory_space<vmem>>, vector<1x16xf32>,
        %get3A_478 = arith.index_cast %scan3A_429 : i32 to index
        %get3A_479 = arith.constant 64 : index
        %get3A_480 = tpu.vector_load %arg6[%get3A_478, %get3A_479] {strides = array<i32>} : memref<128x128xf32, #tpu.memory_space<vmem>>, vector<1x16xf32>,
        %get3A_481 = vector.shape_cast %get3A_480 : vector<1x16xf32> to vector<16xf32>
        %mul3A_482 = arith.constant 11.3137083 : f32
        %mul3A_483 = vector.broadcast %mul3A_482 : f32 to vector<16xf32>
        %mul3A_484 = arith.mulf %get3A_481, %mul3A_483 : vector<16xf32>
        %swap3A_485 = arith.index_cast %scan3A_429 : i32 to index
        %swap3A_486 = arith.constant 64 : index
        %swap3A_487 = tpu.vector_load %arg6[%swap3A_485, %swap3A_486] {strides = array<i32>} : memref<128x128xf32, #tpu.memory_space<vmem>>, vector<1x16xf32>,
        %swap3A_488 = vector.shape_cast %swap3A_487 : vector<1x16xf32> to vector<16xf32>
        %swap3A_489 = vector.shape_cast %mul3A_484 : vector<16xf32> to vector<1x16xf32>
        tpu.vector_store %arg6[%swap3A_485, %swap3A_486], %swap3A_489 {strides = array<i32>} : memref<128x128xf32, #tpu.memory_space<vmem>>, vector<1x16xf32>,
        %get3A_490 = arith.index_cast %scan3A_429 : i32 to index
        %get3A_491 = arith.constant 80 : index
        %get3A_492 = tpu.vector_load %arg6[%get3A_490, %get3A_491] {strides = array<i32>} : memref<128x128xf32, #tpu.memory_space<vmem>>, vector<1x16xf32>,
        %get3A_493 = vector.shape_cast %get3A_492 : vector<1x16xf32> to vector<16xf32>
        %mul3A_494 = arith.constant 11.3137083 : f32
        %mul3A_495 = vector.broadcast %mul3A_494 : f32 to vector<16xf32>
        %mul3A_496 = arith.mulf %get3A_493, %mul3A_495 : vector<16xf32>
        %swap3A_497 = arith.index_cast %scan3A_429 : i32 to index
        %swap3A_498 = arith.constant 80 : index
        %swap3A_499 = tpu.vector_load %arg6[%swap3A_497, %swap3A_498] {strides = array<i32>} : memref<128x128xf32, #tpu.memory_space<vmem>>, vector<1x16xf32>,
        %swap3A_500 = vector.shape_cast %swap3A_499 : vector<1x16xf32> to vector<16xf32>
        %swap3A_501 = vector.shape_cast %mul3A_496 : vector<16xf32> to vector<1x16xf32>
        tpu.vector_store %arg6[%swap3A_497, %swap3A_498], %swap3A_501 {strides = array<i32>} : memref<128x128xf32, #tpu.memory_space<vmem>>, vector<1x16xf32>,
        %get3A_502 = arith.index_cast %scan3A_429 : i32 to index
        %get3A_503 = arith.constant 96 : index
        %get3A_504 = tpu.vector_load %arg6[%get3A_502, %get3A_503] {strides = array<i32>} : memref<128x128xf32, #tpu.memory_space<vmem>>, vector<1x16xf32>,
        %get3A_505 = vector.shape_cast %get3A_504 : vector<1x16xf32> to vector<16xf32>
        %mul3A_506 = arith.constant 11.3137083 : f32
        %mul3A_507 = vector.broadcast %mul3A_506 : f32 to vector<16xf32>
        %mul3A_508 = arith.mulf %get3A_505, %mul3A_507 : vector<16xf32>
        %swap3A_509 = arith.index_cast %scan3A_429 : i32 to index
        %swap3A_510 = arith.constant 96 : index
        %swap3A_511 = tpu.vector_load %arg6[%swap3A_509, %swap3A_510] {strides = array<i32>} : memref<128x128xf32, #tpu.memory_space<vmem>>, vector<1x16xf32>,
        %swap3A_512 = vector.shape_cast %swap3A_511 : vector<1x16xf32> to vector<16xf32>
        %swap3A_513 = vector.shape_cast %mul3A_508 : vector<16xf32> to vector<1x16xf32>
        tpu.vector_store %arg6[%swap3A_509, %swap3A_510], %swap3A_513 {strides = array<i32>} : memref<128x128xf32, #tpu.memory_space<vmem>>, vector<1x16xf32>,
        %get3A_514 = arith.index_cast %scan3A_429 : i32 to index
        %get3A_515 = arith.constant 112 : index
        %get3A_516 = tpu.vector_load %arg6[%get3A_514, %get3A_515] {strides = array<i32>} : memref<128x128xf32, #tpu.memory_space<vmem>>, vector<1x16xf32>,
        %get3A_517 = vector.shape_cast %get3A_516 : vector<1x16xf32> to vector<16xf32>
        %mul3A_518 = arith.constant 11.3137083 : f32
        %mul3A_519 = vector.broadcast %mul3A_518 : f32 to vector<16xf32>
        %mul3A_520 = arith.mulf %get3A_517, %mul3A_519 : vector<16xf32>
        %swap3A_521 = arith.index_cast %scan3A_429 : i32 to index
        %swap3A_522 = arith.constant 112 : index
        %swap3A_523 = tpu.vector_load %arg6[%swap3A_521, %swap3A_522] {strides = array<i32>} : memref<128x128xf32, #tpu.memory_space<vmem>>, vector<1x16xf32>,
        %swap3A_524 = vector.shape_cast %swap3A_523 : vector<1x16xf32> to vector<16xf32>
        %swap3A_525 = vector.shape_cast %mul3A_520 : vector<16xf32> to vector<1x16xf32>
        tpu.vector_store %arg6[%swap3A_521, %swap3A_522], %swap3A_525 {strides = array<i32>} : memref<128x128xf32, #tpu.memory_space<vmem>>, vector<1x16xf32>,
      }
      %scan3A_136 = arith.constant 128 : i32
      %mul3A_137 = arith.constant 128 : i32
      %mul3A_138 = arith.muli %add3A_123, %mul3A_137 : i32
      %add3A_139 = arith.addi %mul3A_2, %mul3A_138 : i32
      %dma_start3A_140 = arith.constant 0 : i32
      %dma_start3A_141 = tpu.memref_slice %arg4[%add3A_139, %dma_start3A_140] : memref<819200x128xf32, #tpu.memory_space<hbm>> -> memref<128x128xf32, #tpu.memory_space<hbm>>
      %dma_start3A_142 = arith.constant 0 : i32
      %dma_start3A_143 = tpu.memref_slice %arg4[%add3A_139, %dma_start3A_142] : memref<819200x128xf32, #tpu.memory_space<hbm>> -> memref<128x128xf32, #tpu.memory_space<hbm>>
      tpu.enqueue_dma source(%arg6 : memref<128x128xf32, #tpu.memory_space<vmem>>) target(%dma_start3A_143 : memref<128x128xf32, #tpu.memory_space<hbm>>) target_semaphore(%arg18 : memref<!tpu.dma_semaphore, #tpu.memory_space<semaphore_mem>>)
      %sub3A = arith.constant 2 : i32
      %sub3A_144 = arith.subi %add3A_123, %sub3A : i32
      %add3A_145 = arith.constant 6 : i32
      %add3A_146 = arith.addi %sub3A_144, %add3A_145 : i32
      %ge3A = arith.constant 2 : i32
      %ge3A_147 = arith.cmpi sge, %add3A_123, %ge3A : i32
      %lt3A = arith.constant 200 : i32
      %lt3A_148 = arith.cmpi slt, %add3A_146, %lt3A : i32
      %and3A_149 = arith.andi %ge3A_147, %lt3A_148 : i1
      %convert_element_type3A_150 = arith.extui %and3A_149 : i1 to i32
      %cond3A_151 = arith.constant 0 : i32
      %cond3A_152 = arith.cmpi ne, %convert_element_type3A_150, %cond3A_151 : i32
      scf.if %cond3A_152 {
        %dma_wait3A_333 = arith.constant 0 : i32
        %dma_wait3A_334 = tpu.memref_slice %arg4[%mul3A_2, %dma_wait3A_333] : memref<819200x128xf32, #tpu.memory_space<hbm>> -> memref<128x128xf32, #tpu.memory_space<hbm>>
        %dma_wait3A_335 = arith.constant 0 : i32
        %dma_wait3A_336 = tpu.memref_slice %arg4[%mul3A_2, %dma_wait3A_335] : memref<819200x128xf32, #tpu.memory_space<hbm>> -> memref<128x128xf32, #tpu.memory_space<hbm>>
        tpu.wait_dma2 semaphore(%arg22 : memref<!tpu.dma_semaphore, #tpu.memory_space<semaphore_mem>>) src(%arg10 : memref<128x128xf32, #tpu.memory_space<vmem>>) dst(%dma_wait3A_336 : memref<128x128xf32, #tpu.memory_space<hbm>>)
        %dma_start3A_337 = arith.constant 0 : i32
        %dma_start3A_338 = tpu.memref_slice %arg5[%add3A_146, %dma_start3A_337] : memref<200x128xi32, #tpu.memory_space<vmem>> -> memref<1x128xi32, #tpu.memory_space<vmem>>
        %dma_start3A_339 = tpu.memref_squeeze %dma_start3A_338 : memref<1x128xi32, #tpu.memory_space<vmem>> -> memref<128xi32, #tpu.memory_space<vmem>>
        %dma_start3A_340 = arith.constant 0 : i32
        %dma_start3A_341 = arith.constant 0 : i32
        %dma_start3A_342 = tpu.memref_slice %arg3[%dma_start3A_340, %dma_start3A_341] : memref<1000000x128xf32, #tpu.memory_space<hbm>> -> memref<1000000x128xf32, #tpu.memory_space<hbm>>
        tpu.enqueue_indirect_dma source(%dma_start3A_342 : memref<1000000x128xf32, #tpu.memory_space<hbm>>) target(%arg10 : memref<128x128xf32, #tpu.memory_space<vmem>>) offsets(%dma_start3A_339 : memref<128xi32, #tpu.memory_space<vmem>>) semaphore(%arg16 : memref<!tpu.dma_semaphore, #tpu.memory_space<semaphore_mem>>)
      } else {
      }
      %mul3A_153 = arith.constant 6 : i32
      %mul3A_154 = arith.muli %scan3A_119, %mul3A_153 : i32
      %add3A_155 = arith.constant 1 : i32
      %add3A_156 = arith.addi %mul3A_154, %add3A_155 : i32
      %dma_wait3A_157 = arith.constant 0 : i32
      %dma_wait3A_158 = arith.constant 0 : i32
      %dma_wait3A_159 = tpu.memref_slice %arg5[%dma_wait3A_157, %dma_wait3A_158] : memref<200x128xi32, #tpu.memory_space<vmem>> -> memref<1x128xi32, #tpu.memory_space<vmem>>
      %dma_wait3A_160 = tpu.memref_squeeze %dma_wait3A_159 : memref<1x128xi32, #tpu.memory_space<vmem>> -> memref<128xi32, #tpu.memory_space<vmem>>
      %dma_wait3A_161 = arith.constant 0 : i32
      %dma_wait3A_162 = arith.constant 0 : i32
      %dma_wait3A_163 = tpu.memref_slice %arg3[%dma_wait3A_161, %dma_wait3A_162] : memref<1000000x128xf32, #tpu.memory_space<hbm>> -> memref<1000000x128xf32, #tpu.memory_space<hbm>>
      tpu.wait_indirect_dma semaphore(%arg13 : memref<!tpu.dma_semaphore, #tpu.memory_space<semaphore_mem>>) src(%dma_wait3A_163 : memref<1000000x128xf32, #tpu.memory_space<hbm>>) dst(%arg7 : memref<128x128xf32, #tpu.memory_space<vmem>>)
      %scan3A_164 = arith.constant 0 : i32
      %scan3A_165 = arith.constant 0 : i32
      %scan3A_166 = arith.constant 128 : i32
      %scan3A_167 = arith.addi %scan3A_165, %scan3A_166 : i32
      %scan3A_168 = arith.constant 2 : i32
      scf.for %scan3A_333 = %scan3A_165 to %scan3A_167 step %scan3A_168  : i32 {
        %get3A = arith.index_cast %scan3A_333 : i32 to index
        %get3A_334 = arith.constant 0 : index
        %get3A_335 = tpu.vector_load %arg7[%get3A, %get3A_334] {strides = array<i32>} : memref<128x128xf32, #tpu.memory_space<vmem>>, vector<1x16xf32>,
        %get3A_336 = vector.shape_cast %get3A_335 : vector<1x16xf32> to vector<16xf32>
        %mul3A_337 = arith.constant 11.3137083 : f32
        %mul3A_338 = vector.broadcast %mul3A_337 : f32 to vector<16xf32>
        %mul3A_339 = arith.mulf %get3A_336, %mul3A_338 : vector<16xf32>
        %swap3A = arith.index_cast %scan3A_333 : i32 to index
        %swap3A_340 = arith.constant 0 : index
        %swap3A_341 = tpu.vector_load %arg7[%swap3A, %swap3A_340] {strides = array<i32>} : memref<128x128xf32, #tpu.memory_space<vmem>>, vector<1x16xf32>,
        %swap3A_342 = vector.shape_cast %swap3A_341 : vector<1x16xf32> to vector<16xf32>
        %swap3A_343 = vector.shape_cast %mul3A_339 : vector<16xf32> to vector<1x16xf32>
        tpu.vector_store %arg7[%swap3A, %swap3A_340], %swap3A_343 {strides = array<i32>} : memref<128x128xf32, #tpu.memory_space<vmem>>, vector<1x16xf32>,
        %get3A_344 = arith.index_cast %scan3A_333 : i32 to index
        %get3A_345 = arith.constant 16 : index
        %get3A_346 = tpu.vector_load %arg7[%get3A_344, %get3A_345] {strides = array<i32>} : memref<128x128xf32, #tpu.memory_space<vmem>>, vector<1x16xf32>,
        %get3A_347 = vector.shape_cast %get3A_346 : vector<1x16xf32> to vector<16xf32>
        %mul3A_348 = arith.constant 11.3137083 : f32
        %mul3A_349 = vector.broadcast %mul3A_348 : f32 to vector<16xf32>
        %mul3A_350 = arith.mulf %get3A_347, %mul3A_349 : vector<16xf32>
        %swap3A_351 = arith.index_cast %scan3A_333 : i32 to index
        %swap3A_352 = arith.constant 16 : index
        %swap3A_353 = tpu.vector_load %arg7[%swap3A_351, %swap3A_352] {strides = array<i32>} : memref<128x128xf32, #tpu.memory_space<vmem>>, vector<1x16xf32>,
        %swap3A_354 = vector.shape_cast %swap3A_353 : vector<1x16xf32> to vector<16xf32>
        %swap3A_355 = vector.shape_cast %mul3A_350 : vector<16xf32> to vector<1x16xf32>
        tpu.vector_store %arg7[%swap3A_351, %swap3A_352], %swap3A_355 {strides = array<i32>} : memref<128x128xf32, #tpu.memory_space<vmem>>, vector<1x16xf32>,
        %get3A_356 = arith.index_cast %scan3A_333 : i32 to index
        %get3A_357 = arith.constant 32 : index
        %get3A_358 = tpu.vector_load %arg7[%get3A_356, %get3A_357] {strides = array<i32>} : memref<128x128xf32, #tpu.memory_space<vmem>>, vector<1x16xf32>,
        %get3A_359 = vector.shape_cast %get3A_358 : vector<1x16xf32> to vector<16xf32>
        %mul3A_360 = arith.constant 11.3137083 : f32
        %mul3A_361 = vector.broadcast %mul3A_360 : f32 to vector<16xf32>
        %mul3A_362 = arith.mulf %get3A_359, %mul3A_361 : vector<16xf32>
        %swap3A_363 = arith.index_cast %scan3A_333 : i32 to index
        %swap3A_364 = arith.constant 32 : index
        %swap3A_365 = tpu.vector_load %arg7[%swap3A_363, %swap3A_364] {strides = array<i32>} : memref<128x128xf32, #tpu.memory_space<vmem>>, vector<1x16xf32>,
        %swap3A_366 = vector.shape_cast %swap3A_365 : vector<1x16xf32> to vector<16xf32>
        %swap3A_367 = vector.shape_cast %mul3A_362 : vector<16xf32> to vector<1x16xf32>
        tpu.vector_store %arg7[%swap3A_363, %swap3A_364], %swap3A_367 {strides = array<i32>} : memref<128x128xf32, #tpu.memory_space<vmem>>, vector<1x16xf32>,
        %get3A_368 = arith.index_cast %scan3A_333 : i32 to index
        %get3A_369 = arith.constant 48 : index
        %get3A_370 = tpu.vector_load %arg7[%get3A_368, %get3A_369] {strides = array<i32>} : memref<128x128xf32, #tpu.memory_space<vmem>>, vector<1x16xf32>,
        %get3A_371 = vector.shape_cast %get3A_370 : vector<1x16xf32> to vector<16xf32>
        %mul3A_372 = arith.constant 11.3137083 : f32
        %mul3A_373 = vector.broadcast %mul3A_372 : f32 to vector<16xf32>
        %mul3A_374 = arith.mulf %get3A_371, %mul3A_373 : vector<16xf32>
        %swap3A_375 = arith.index_cast %scan3A_333 : i32 to index
        %swap3A_376 = arith.constant 48 : index
        %swap3A_377 = tpu.vector_load %arg7[%swap3A_375, %swap3A_376] {strides = array<i32>} : memref<128x128xf32, #tpu.memory_space<vmem>>, vector<1x16xf32>,
        %swap3A_378 = vector.shape_cast %swap3A_377 : vector<1x16xf32> to vector<16xf32>
        %swap3A_379 = vector.shape_cast %mul3A_374 : vector<16xf32> to vector<1x16xf32>
        tpu.vector_store %arg7[%swap3A_375, %swap3A_376], %swap3A_379 {strides = array<i32>} : memref<128x128xf32, #tpu.memory_space<vmem>>, vector<1x16xf32>,
        %get3A_380 = arith.index_cast %scan3A_333 : i32 to index
        %get3A_381 = arith.constant 64 : index
        %get3A_382 = tpu.vector_load %arg7[%get3A_380, %get3A_381] {strides = array<i32>} : memref<128x128xf32, #tpu.memory_space<vmem>>, vector<1x16xf32>,
        %get3A_383 = vector.shape_cast %get3A_382 : vector<1x16xf32> to vector<16xf32>
        %mul3A_384 = arith.constant 11.3137083 : f32
        %mul3A_385 = vector.broadcast %mul3A_384 : f32 to vector<16xf32>
        %mul3A_386 = arith.mulf %get3A_383, %mul3A_385 : vector<16xf32>
        %swap3A_387 = arith.index_cast %scan3A_333 : i32 to index
        %swap3A_388 = arith.constant 64 : index
        %swap3A_389 = tpu.vector_load %arg7[%swap3A_387, %swap3A_388] {strides = array<i32>} : memref<128x128xf32, #tpu.memory_space<vmem>>, vector<1x16xf32>,
        %swap3A_390 = vector.shape_cast %swap3A_389 : vector<1x16xf32> to vector<16xf32>
        %swap3A_391 = vector.shape_cast %mul3A_386 : vector<16xf32> to vector<1x16xf32>
        tpu.vector_store %arg7[%swap3A_387, %swap3A_388], %swap3A_391 {strides = array<i32>} : memref<128x128xf32, #tpu.memory_space<vmem>>, vector<1x16xf32>,
        %get3A_392 = arith.index_cast %scan3A_333 : i32 to index
        %get3A_393 = arith.constant 80 : index
        %get3A_394 = tpu.vector_load %arg7[%get3A_392, %get3A_393] {strides = array<i32>} : memref<128x128xf32, #tpu.memory_space<vmem>>, vector<1x16xf32>,
        %get3A_395 = vector.shape_cast %get3A_394 : vector<1x16xf32> to vector<16xf32>
        %mul3A_396 = arith.constant 11.3137083 : f32
        %mul3A_397 = vector.broadcast %mul3A_396 : f32 to vector<16xf32>
        %mul3A_398 = arith.mulf %get3A_395, %mul3A_397 : vector<16xf32>
        %swap3A_399 = arith.index_cast %scan3A_333 : i32 to index
        %swap3A_400 = arith.constant 80 : index
        %swap3A_401 = tpu.vector_load %arg7[%swap3A_399, %swap3A_400] {strides = array<i32>} : memref<128x128xf32, #tpu.memory_space<vmem>>, vector<1x16xf32>,
        %swap3A_402 = vector.shape_cast %swap3A_401 : vector<1x16xf32> to vector<16xf32>
        %swap3A_403 = vector.shape_cast %mul3A_398 : vector<16xf32> to vector<1x16xf32>
        tpu.vector_store %arg7[%swap3A_399, %swap3A_400], %swap3A_403 {strides = array<i32>} : memref<128x128xf32, #tpu.memory_space<vmem>>, vector<1x16xf32>,
        %get3A_404 = arith.index_cast %scan3A_333 : i32 to index
        %get3A_405 = arith.constant 96 : index
        %get3A_406 = tpu.vector_load %arg7[%get3A_404, %get3A_405] {strides = array<i32>} : memref<128x128xf32, #tpu.memory_space<vmem>>, vector<1x16xf32>,
        %get3A_407 = vector.shape_cast %get3A_406 : vector<1x16xf32> to vector<16xf32>
        %mul3A_408 = arith.constant 11.3137083 : f32
        %mul3A_409 = vector.broadcast %mul3A_408 : f32 to vector<16xf32>
        %mul3A_410 = arith.mulf %get3A_407, %mul3A_409 : vector<16xf32>
        %swap3A_411 = arith.index_cast %scan3A_333 : i32 to index
        %swap3A_412 = arith.constant 96 : index
        %swap3A_413 = tpu.vector_load %arg7[%swap3A_411, %swap3A_412] {strides = array<i32>} : memref<128x128xf32, #tpu.memory_space<vmem>>, vector<1x16xf32>,
        %swap3A_414 = vector.shape_cast %swap3A_413 : vector<1x16xf32> to vector<16xf32>
        %swap3A_415 = vector.shape_cast %mul3A_410 : vector<16xf32> to vector<1x16xf32>
        tpu.vector_store %arg7[%swap3A_411, %swap3A_412], %swap3A_415 {strides = array<i32>} : memref<128x128xf32, #tpu.memory_space<vmem>>, vector<1x16xf32>,
        %get3A_416 = arith.index_cast %scan3A_333 : i32 to index
        %get3A_417 = arith.constant 112 : index
        %get3A_418 = tpu.vector_load %arg7[%get3A_416, %get3A_417] {strides = array<i32>} : memref<128x128xf32, #tpu.memory_space<vmem>>, vector<1x16xf32>,
        %get3A_419 = vector.shape_cast %get3A_418 : vector<1x16xf32> to vector<16xf32>
        %mul3A_420 = arith.constant 11.3137083 : f32
        %mul3A_421 = vector.broadcast %mul3A_420 : f32 to vector<16xf32>
        %mul3A_422 = arith.mulf %get3A_419, %mul3A_421 : vector<16xf32>
        %swap3A_423 = arith.index_cast %scan3A_333 : i32 to index
        %swap3A_424 = arith.constant 112 : index
        %swap3A_425 = tpu.vector_load %arg7[%swap3A_423, %swap3A_424] {strides = array<i32>} : memref<128x128xf32, #tpu.memory_space<vmem>>, vector<1x16xf32>,
        %swap3A_426 = vector.shape_cast %swap3A_425 : vector<1x16xf32> to vector<16xf32>
        %swap3A_427 = vector.shape_cast %mul3A_422 : vector<16xf32> to vector<1x16xf32>
        tpu.vector_store %arg7[%swap3A_423, %swap3A_424], %swap3A_427 {strides = array<i32>} : memref<128x128xf32, #tpu.memory_space<vmem>>, vector<1x16xf32>,
        %scan3A_428 = arith.constant 1 : i32
        %scan3A_429 = arith.addi %scan3A_333, %scan3A_428 : i32
        %get3A_430 = arith.index_cast %scan3A_429 : i32 to index
        %get3A_431 = arith.constant 0 : index
        %get3A_432 = tpu.vector_load %arg7[%get3A_430, %get3A_431] {strides = array<i32>} : memref<128x128xf32, #tpu.memory_space<vmem>>, vector<1x16xf32>,
        %get3A_433 = vector.shape_cast %get3A_432 : vector<1x16xf32> to vector<16xf32>
        %mul3A_434 = arith.constant 11.3137083 : f32
        %mul3A_435 = vector.broadcast %mul3A_434 : f32 to vector<16xf32>
        %mul3A_436 = arith.mulf %get3A_433, %mul3A_435 : vector<16xf32>
        %swap3A_437 = arith.index_cast %scan3A_429 : i32 to index
        %swap3A_438 = arith.constant 0 : index
        %swap3A_439 = tpu.vector_load %arg7[%swap3A_437, %swap3A_438] {strides = array<i32>} : memref<128x128xf32, #tpu.memory_space<vmem>>, vector<1x16xf32>,
        %swap3A_440 = vector.shape_cast %swap3A_439 : vector<1x16xf32> to vector<16xf32>
        %swap3A_441 = vector.shape_cast %mul3A_436 : vector<16xf32> to vector<1x16xf32>
        tpu.vector_store %arg7[%swap3A_437, %swap3A_438], %swap3A_441 {strides = array<i32>} : memref<128x128xf32, #tpu.memory_space<vmem>>, vector<1x16xf32>,
        %get3A_442 = arith.index_cast %scan3A_429 : i32 to index
        %get3A_443 = arith.constant 16 : index
        %get3A_444 = tpu.vector_load %arg7[%get3A_442, %get3A_443] {strides = array<i32>} : memref<128x128xf32, #tpu.memory_space<vmem>>, vector<1x16xf32>,
        %get3A_445 = vector.shape_cast %get3A_444 : vector<1x16xf32> to vector<16xf32>
        %mul3A_446 = arith.constant 11.3137083 : f32
        %mul3A_447 = vector.broadcast %mul3A_446 : f32 to vector<16xf32>
        %mul3A_448 = arith.mulf %get3A_445, %mul3A_447 : vector<16xf32>
        %swap3A_449 = arith.index_cast %scan3A_429 : i32 to index
        %swap3A_450 = arith.constant 16 : index
        %swap3A_451 = tpu.vector_load %arg7[%swap3A_449, %swap3A_450] {strides = array<i32>} : memref<128x128xf32, #tpu.memory_space<vmem>>, vector<1x16xf32>,
        %swap3A_452 = vector.shape_cast %swap3A_451 : vector<1x16xf32> to vector<16xf32>
        %swap3A_453 = vector.shape_cast %mul3A_448 : vector<16xf32> to vector<1x16xf32>
        tpu.vector_store %arg7[%swap3A_449, %swap3A_450], %swap3A_453 {strides = array<i32>} : memref<128x128xf32, #tpu.memory_space<vmem>>, vector<1x16xf32>,
        %get3A_454 = arith.index_cast %scan3A_429 : i32 to index
        %get3A_455 = arith.constant 32 : index
        %get3A_456 = tpu.vector_load %arg7[%get3A_454, %get3A_455] {strides = array<i32>} : memref<128x128xf32, #tpu.memory_space<vmem>>, vector<1x16xf32>,
        %get3A_457 = vector.shape_cast %get3A_456 : vector<1x16xf32> to vector<16xf32>
        %mul3A_458 = arith.constant 11.3137083 : f32
        %mul3A_459 = vector.broadcast %mul3A_458 : f32 to vector<16xf32>
        %mul3A_460 = arith.mulf %get3A_457, %mul3A_459 : vector<16xf32>
        %swap3A_461 = arith.index_cast %scan3A_429 : i32 to index
        %swap3A_462 = arith.constant 32 : index
        %swap3A_463 = tpu.vector_load %arg7[%swap3A_461, %swap3A_462] {strides = array<i32>} : memref<128x128xf32, #tpu.memory_space<vmem>>, vector<1x16xf32>,
        %swap3A_464 = vector.shape_cast %swap3A_463 : vector<1x16xf32> to vector<16xf32>
        %swap3A_465 = vector.shape_cast %mul3A_460 : vector<16xf32> to vector<1x16xf32>
        tpu.vector_store %arg7[%swap3A_461, %swap3A_462], %swap3A_465 {strides = array<i32>} : memref<128x128xf32, #tpu.memory_space<vmem>>, vector<1x16xf32>,
        %get3A_466 = arith.index_cast %scan3A_429 : i32 to index
        %get3A_467 = arith.constant 48 : index
        %get3A_468 = tpu.vector_load %arg7[%get3A_466, %get3A_467] {strides = array<i32>} : memref<128x128xf32, #tpu.memory_space<vmem>>, vector<1x16xf32>,
        %get3A_469 = vector.shape_cast %get3A_468 : vector<1x16xf32> to vector<16xf32>
        %mul3A_470 = arith.constant 11.3137083 : f32
        %mul3A_471 = vector.broadcast %mul3A_470 : f32 to vector<16xf32>
        %mul3A_472 = arith.mulf %get3A_469, %mul3A_471 : vector<16xf32>
        %swap3A_473 = arith.index_cast %scan3A_429 : i32 to index
        %swap3A_474 = arith.constant 48 : index
        %swap3A_475 = tpu.vector_load %arg7[%swap3A_473, %swap3A_474] {strides = array<i32>} : memref<128x128xf32, #tpu.memory_space<vmem>>, vector<1x16xf32>,
        %swap3A_476 = vector.shape_cast %swap3A_475 : vector<1x16xf32> to vector<16xf32>
        %swap3A_477 = vector.shape_cast %mul3A_472 : vector<16xf32> to vector<1x16xf32>
        tpu.vector_store %arg7[%swap3A_473, %swap3A_474], %swap3A_477 {strides = array<i32>} : memref<128x128xf32, #tpu.memory_space<vmem>>, vector<1x16xf32>,
        %get3A_478 = arith.index_cast %scan3A_429 : i32 to index
        %get3A_479 = arith.constant 64 : index
        %get3A_480 = tpu.vector_load %arg7[%get3A_478, %get3A_479] {strides = array<i32>} : memref<128x128xf32, #tpu.memory_space<vmem>>, vector<1x16xf32>,
        %get3A_481 = vector.shape_cast %get3A_480 : vector<1x16xf32> to vector<16xf32>
        %mul3A_482 = arith.constant 11.3137083 : f32
        %mul3A_483 = vector.broadcast %mul3A_482 : f32 to vector<16xf32>
        %mul3A_484 = arith.mulf %get3A_481, %mul3A_483 : vector<16xf32>
        %swap3A_485 = arith.index_cast %scan3A_429 : i32 to index
        %swap3A_486 = arith.constant 64 : index
        %swap3A_487 = tpu.vector_load %arg7[%swap3A_485, %swap3A_486] {strides = array<i32>} : memref<128x128xf32, #tpu.memory_space<vmem>>, vector<1x16xf32>,
        %swap3A_488 = vector.shape_cast %swap3A_487 : vector<1x16xf32> to vector<16xf32>
        %swap3A_489 = vector.shape_cast %mul3A_484 : vector<16xf32> to vector<1x16xf32>
        tpu.vector_store %arg7[%swap3A_485, %swap3A_486], %swap3A_489 {strides = array<i32>} : memref<128x128xf32, #tpu.memory_space<vmem>>, vector<1x16xf32>,
        %get3A_490 = arith.index_cast %scan3A_429 : i32 to index
        %get3A_491 = arith.constant 80 : index
        %get3A_492 = tpu.vector_load %arg7[%get3A_490, %get3A_491] {strides = array<i32>} : memref<128x128xf32, #tpu.memory_space<vmem>>, vector<1x16xf32>,
        %get3A_493 = vector.shape_cast %get3A_492 : vector<1x16xf32> to vector<16xf32>
        %mul3A_494 = arith.constant 11.3137083 : f32
        %mul3A_495 = vector.broadcast %mul3A_494 : f32 to vector<16xf32>
        %mul3A_496 = arith.mulf %get3A_493, %mul3A_495 : vector<16xf32>
        %swap3A_497 = arith.index_cast %scan3A_429 : i32 to index
        %swap3A_498 = arith.constant 80 : index
        %swap3A_499 = tpu.vector_load %arg7[%swap3A_497, %swap3A_498] {strides = array<i32>} : memref<128x128xf32, #tpu.memory_space<vmem>>, vector<1x16xf32>,
        %swap3A_500 = vector.shape_cast %swap3A_499 : vector<1x16xf32> to vector<16xf32>
        %swap3A_501 = vector.shape_cast %mul3A_496 : vector<16xf32> to vector<1x16xf32>
        tpu.vector_store %arg7[%swap3A_497, %swap3A_498], %swap3A_501 {strides = array<i32>} : memref<128x128xf32, #tpu.memory_space<vmem>>, vector<1x16xf32>,
        %get3A_502 = arith.index_cast %scan3A_429 : i32 to index
        %get3A_503 = arith.constant 96 : index
        %get3A_504 = tpu.vector_load %arg7[%get3A_502, %get3A_503] {strides = array<i32>} : memref<128x128xf32, #tpu.memory_space<vmem>>, vector<1x16xf32>,
        %get3A_505 = vector.shape_cast %get3A_504 : vector<1x16xf32> to vector<16xf32>
        %mul3A_506 = arith.constant 11.3137083 : f32
        %mul3A_507 = vector.broadcast %mul3A_506 : f32 to vector<16xf32>
        %mul3A_508 = arith.mulf %get3A_505, %mul3A_507 : vector<16xf32>
        %swap3A_509 = arith.index_cast %scan3A_429 : i32 to index
        %swap3A_510 = arith.constant 96 : index
        %swap3A_511 = tpu.vector_load %arg7[%swap3A_509, %swap3A_510] {strides = array<i32>} : memref<128x128xf32, #tpu.memory_space<vmem>>, vector<1x16xf32>,
        %swap3A_512 = vector.shape_cast %swap3A_511 : vector<1x16xf32> to vector<16xf32>
        %swap3A_513 = vector.shape_cast %mul3A_508 : vector<16xf32> to vector<1x16xf32>
        tpu.vector_store %arg7[%swap3A_509, %swap3A_510], %swap3A_513 {strides = array<i32>} : memref<128x128xf32, #tpu.memory_space<vmem>>, vector<1x16xf32>,
        %get3A_514 = arith.index_cast %scan3A_429 : i32 to index
        %get3A_515 = arith.constant 112 : index
        %get3A_516 = tpu.vector_load %arg7[%get3A_514, %get3A_515] {strides = array<i32>} : memref<128x128xf32, #tpu.memory_space<vmem>>, vector<1x16xf32>,
        %get3A_517 = vector.shape_cast %get3A_516 : vector<1x16xf32> to vector<16xf32>
        %mul3A_518 = arith.constant 11.3137083 : f32
        %mul3A_519 = vector.broadcast %mul3A_518 : f32 to vector<16xf32>
        %mul3A_520 = arith.mulf %get3A_517, %mul3A_519 : vector<16xf32>
        %swap3A_521 = arith.index_cast %scan3A_429 : i32 to index
        %swap3A_522 = arith.constant 112 : index
        %swap3A_523 = tpu.vector_load %arg7[%swap3A_521, %swap3A_522] {strides = array<i32>} : memref<128x128xf32, #tpu.memory_space<vmem>>, vector<1x16xf32>,
        %swap3A_524 = vector.shape_cast %swap3A_523 : vector<1x16xf32> to vector<16xf32>
        %swap3A_525 = vector.shape_cast %mul3A_520 : vector<16xf32> to vector<1x16xf32>
        tpu.vector_store %arg7[%swap3A_521, %swap3A_522], %swap3A_525 {strides = array<i32>} : memref<128x128xf32, #tpu.memory_space<vmem>>, vector<1x16xf32>,
      }
      %scan3A_169 = arith.constant 128 : i32
      %mul3A_170 = arith.constant 128 : i32
      %mul3A_171 = arith.muli %add3A_156, %mul3A_170 : i32
      %add3A_172 = arith.addi %mul3A_2, %mul3A_171 : i32
      %dma_start3A_173 = arith.constant 0 : i32
      %dma_start3A_174 = tpu.memref_slice %arg4[%add3A_172, %dma_start3A_173] : memref<819200x128xf32, #tpu.memory_space<hbm>> -> memref<128x128xf32, #tpu.memory_space<hbm>>
      %dma_start3A_175 = arith.constant 0 : i32
      %dma_start3A_176 = tpu.memref_slice %arg4[%add3A_172, %dma_start3A_175] : memref<819200x128xf32, #tpu.memory_space<hbm>> -> memref<128x128xf32, #tpu.memory_space<hbm>>
      tpu.enqueue_dma source(%arg7 : memref<128x128xf32, #tpu.memory_space<vmem>>) target(%dma_start3A_176 : memref<128x128xf32, #tpu.memory_space<hbm>>) target_semaphore(%arg19 : memref<!tpu.dma_semaphore, #tpu.memory_space<semaphore_mem>>)
      %sub3A_177 = arith.constant 2 : i32
      %sub3A_178 = arith.subi %add3A_156, %sub3A_177 : i32
      %add3A_179 = arith.constant 6 : i32
      %add3A_180 = arith.addi %sub3A_178, %add3A_179 : i32
      %ge3A_181 = arith.constant 2 : i32
      %ge3A_182 = arith.cmpi sge, %add3A_156, %ge3A_181 : i32
      %lt3A_183 = arith.constant 200 : i32
      %lt3A_184 = arith.cmpi slt, %add3A_180, %lt3A_183 : i32
      %and3A_185 = arith.andi %ge3A_182, %lt3A_184 : i1
      %convert_element_type3A_186 = arith.extui %and3A_185 : i1 to i32
      %cond3A_187 = arith.constant 0 : i32
      %cond3A_188 = arith.cmpi ne, %convert_element_type3A_186, %cond3A_187 : i32
      scf.if %cond3A_188 {
        %dma_wait3A_333 = arith.constant 0 : i32
        %dma_wait3A_334 = tpu.memref_slice %arg4[%mul3A_2, %dma_wait3A_333] : memref<819200x128xf32, #tpu.memory_space<hbm>> -> memref<128x128xf32, #tpu.memory_space<hbm>>
        %dma_wait3A_335 = arith.constant 0 : i32
        %dma_wait3A_336 = tpu.memref_slice %arg4[%mul3A_2, %dma_wait3A_335] : memref<819200x128xf32, #tpu.memory_space<hbm>> -> memref<128x128xf32, #tpu.memory_space<hbm>>
        tpu.wait_dma2 semaphore(%arg23 : memref<!tpu.dma_semaphore, #tpu.memory_space<semaphore_mem>>) src(%arg11 : memref<128x128xf32, #tpu.memory_space<vmem>>) dst(%dma_wait3A_336 : memref<128x128xf32, #tpu.memory_space<hbm>>)
        %dma_start3A_337 = arith.constant 0 : i32
        %dma_start3A_338 = tpu.memref_slice %arg5[%add3A_180, %dma_start3A_337] : memref<200x128xi32, #tpu.memory_space<vmem>> -> memref<1x128xi32, #tpu.memory_space<vmem>>
        %dma_start3A_339 = tpu.memref_squeeze %dma_start3A_338 : memref<1x128xi32, #tpu.memory_space<vmem>> -> memref<128xi32, #tpu.memory_space<vmem>>
        %dma_start3A_340 = arith.constant 0 : i32
        %dma_start3A_341 = arith.constant 0 : i32
        %dma_start3A_342 = tpu.memref_slice %arg3[%dma_start3A_340, %dma_start3A_341] : memref<1000000x128xf32, #tpu.memory_space<hbm>> -> memref<1000000x128xf32, #tpu.memory_space<hbm>>
        tpu.enqueue_indirect_dma source(%dma_start3A_342 : memref<1000000x128xf32, #tpu.memory_space<hbm>>) target(%arg11 : memref<128x128xf32, #tpu.memory_space<vmem>>) offsets(%dma_start3A_339 : memref<128xi32, #tpu.memory_space<vmem>>) semaphore(%arg17 : memref<!tpu.dma_semaphore, #tpu.memory_space<semaphore_mem>>)
      } else {
      }
      %mul3A_189 = arith.constant 6 : i32
      %mul3A_190 = arith.muli %scan3A_119, %mul3A_189 : i32
      %add3A_191 = arith.constant 2 : i32
      %add3A_192 = arith.addi %mul3A_190, %add3A_191 : i32
      %dma_wait3A_193 = arith.constant 0 : i32
      %dma_wait3A_194 = arith.constant 0 : i32
      %dma_wait3A_195 = tpu.memref_slice %arg5[%dma_wait3A_193, %dma_wait3A_194] : memref<200x128xi32, #tpu.memory_space<vmem>> -> memref<1x128xi32, #tpu.memory_space<vmem>>
      %dma_wait3A_196 = tpu.memref_squeeze %dma_wait3A_195 : memref<1x128xi32, #tpu.memory_space<vmem>> -> memref<128xi32, #tpu.memory_space<vmem>>
      %dma_wait3A_197 = arith.constant 0 : i32
      %dma_wait3A_198 = arith.constant 0 : i32
      %dma_wait3A_199 = tpu.memref_slice %arg3[%dma_wait3A_197, %dma_wait3A_198] : memref<1000000x128xf32, #tpu.memory_space<hbm>> -> memref<1000000x128xf32, #tpu.memory_space<hbm>>
      tpu.wait_indirect_dma semaphore(%arg14 : memref<!tpu.dma_semaphore, #tpu.memory_space<semaphore_mem>>) src(%dma_wait3A_199 : memref<1000000x128xf32, #tpu.memory_space<hbm>>) dst(%arg8 : memref<128x128xf32, #tpu.memory_space<vmem>>)
      %scan3A_200 = arith.constant 0 : i32
      %scan3A_201 = arith.constant 0 : i32
      %scan3A_202 = arith.constant 128 : i32
      %scan3A_203 = arith.addi %scan3A_201, %scan3A_202 : i32
      %scan3A_204 = arith.constant 2 : i32
      scf.for %scan3A_333 = %scan3A_201 to %scan3A_203 step %scan3A_204  : i32 {
        %get3A = arith.index_cast %scan3A_333 : i32 to index
        %get3A_334 = arith.constant 0 : index
        %get3A_335 = tpu.vector_load %arg8[%get3A, %get3A_334] {strides = array<i32>} : memref<128x128xf32, #tpu.memory_space<vmem>>, vector<1x16xf32>,
        %get3A_336 = vector.shape_cast %get3A_335 : vector<1x16xf32> to vector<16xf32>
        %mul3A_337 = arith.constant 11.3137083 : f32
        %mul3A_338 = vector.broadcast %mul3A_337 : f32 to vector<16xf32>
        %mul3A_339 = arith.mulf %get3A_336, %mul3A_338 : vector<16xf32>
        %swap3A = arith.index_cast %scan3A_333 : i32 to index
        %swap3A_340 = arith.constant 0 : index
        %swap3A_341 = tpu.vector_load %arg8[%swap3A, %swap3A_340] {strides = array<i32>} : memref<128x128xf32, #tpu.memory_space<vmem>>, vector<1x16xf32>,
        %swap3A_342 = vector.shape_cast %swap3A_341 : vector<1x16xf32> to vector<16xf32>
        %swap3A_343 = vector.shape_cast %mul3A_339 : vector<16xf32> to vector<1x16xf32>
        tpu.vector_store %arg8[%swap3A, %swap3A_340], %swap3A_343 {strides = array<i32>} : memref<128x128xf32, #tpu.memory_space<vmem>>, vector<1x16xf32>,
        %get3A_344 = arith.index_cast %scan3A_333 : i32 to index
        %get3A_345 = arith.constant 16 : index
        %get3A_346 = tpu.vector_load %arg8[%get3A_344, %get3A_345] {strides = array<i32>} : memref<128x128xf32, #tpu.memory_space<vmem>>, vector<1x16xf32>,
        %get3A_347 = vector.shape_cast %get3A_346 : vector<1x16xf32> to vector<16xf32>
        %mul3A_348 = arith.constant 11.3137083 : f32
        %mul3A_349 = vector.broadcast %mul3A_348 : f32 to vector<16xf32>
        %mul3A_350 = arith.mulf %get3A_347, %mul3A_349 : vector<16xf32>
        %swap3A_351 = arith.index_cast %scan3A_333 : i32 to index
        %swap3A_352 = arith.constant 16 : index
        %swap3A_353 = tpu.vector_load %arg8[%swap3A_351, %swap3A_352] {strides = array<i32>} : memref<128x128xf32, #tpu.memory_space<vmem>>, vector<1x16xf32>,
        %swap3A_354 = vector.shape_cast %swap3A_353 : vector<1x16xf32> to vector<16xf32>
        %swap3A_355 = vector.shape_cast %mul3A_350 : vector<16xf32> to vector<1x16xf32>
        tpu.vector_store %arg8[%swap3A_351, %swap3A_352], %swap3A_355 {strides = array<i32>} : memref<128x128xf32, #tpu.memory_space<vmem>>, vector<1x16xf32>,
        %get3A_356 = arith.index_cast %scan3A_333 : i32 to index
        %get3A_357 = arith.constant 32 : index
        %get3A_358 = tpu.vector_load %arg8[%get3A_356, %get3A_357] {strides = array<i32>} : memref<128x128xf32, #tpu.memory_space<vmem>>, vector<1x16xf32>,
        %get3A_359 = vector.shape_cast %get3A_358 : vector<1x16xf32> to vector<16xf32>
        %mul3A_360 = arith.constant 11.3137083 : f32
        %mul3A_361 = vector.broadcast %mul3A_360 : f32 to vector<16xf32>
        %mul3A_362 = arith.mulf %get3A_359, %mul3A_361 : vector<16xf32>
        %swap3A_363 = arith.index_cast %scan3A_333 : i32 to index
        %swap3A_364 = arith.constant 32 : index
        %swap3A_365 = tpu.vector_load %arg8[%swap3A_363, %swap3A_364] {strides = array<i32>} : memref<128x128xf32, #tpu.memory_space<vmem>>, vector<1x16xf32>,
        %swap3A_366 = vector.shape_cast %swap3A_365 : vector<1x16xf32> to vector<16xf32>
        %swap3A_367 = vector.shape_cast %mul3A_362 : vector<16xf32> to vector<1x16xf32>
        tpu.vector_store %arg8[%swap3A_363, %swap3A_364], %swap3A_367 {strides = array<i32>} : memref<128x128xf32, #tpu.memory_space<vmem>>, vector<1x16xf32>,
        %get3A_368 = arith.index_cast %scan3A_333 : i32 to index
        %get3A_369 = arith.constant 48 : index
        %get3A_370 = tpu.vector_load %arg8[%get3A_368, %get3A_369] {strides = array<i32>} : memref<128x128xf32, #tpu.memory_space<vmem>>, vector<1x16xf32>,
        %get3A_371 = vector.shape_cast %get3A_370 : vector<1x16xf32> to vector<16xf32>
        %mul3A_372 = arith.constant 11.3137083 : f32
        %mul3A_373 = vector.broadcast %mul3A_372 : f32 to vector<16xf32>
        %mul3A_374 = arith.mulf %get3A_371, %mul3A_373 : vector<16xf32>
        %swap3A_375 = arith.index_cast %scan3A_333 : i32 to index
        %swap3A_376 = arith.constant 48 : index
        %swap3A_377 = tpu.vector_load %arg8[%swap3A_375, %swap3A_376] {strides = array<i32>} : memref<128x128xf32, #tpu.memory_space<vmem>>, vector<1x16xf32>,
        %swap3A_378 = vector.shape_cast %swap3A_377 : vector<1x16xf32> to vector<16xf32>
        %swap3A_379 = vector.shape_cast %mul3A_374 : vector<16xf32> to vector<1x16xf32>
        tpu.vector_store %arg8[%swap3A_375, %swap3A_376], %swap3A_379 {strides = array<i32>} : memref<128x128xf32, #tpu.memory_space<vmem>>, vector<1x16xf32>,
        %get3A_380 = arith.index_cast %scan3A_333 : i32 to index
        %get3A_381 = arith.constant 64 : index
        %get3A_382 = tpu.vector_load %arg8[%get3A_380, %get3A_381] {strides = array<i32>} : memref<128x128xf32, #tpu.memory_space<vmem>>, vector<1x16xf32>,
        %get3A_383 = vector.shape_cast %get3A_382 : vector<1x16xf32> to vector<16xf32>
        %mul3A_384 = arith.constant 11.3137083 : f32
        %mul3A_385 = vector.broadcast %mul3A_384 : f32 to vector<16xf32>
        %mul3A_386 = arith.mulf %get3A_383, %mul3A_385 : vector<16xf32>
        %swap3A_387 = arith.index_cast %scan3A_333 : i32 to index
        %swap3A_388 = arith.constant 64 : index
        %swap3A_389 = tpu.vector_load %arg8[%swap3A_387, %swap3A_388] {strides = array<i32>} : memref<128x128xf32, #tpu.memory_space<vmem>>, vector<1x16xf32>,
        %swap3A_390 = vector.shape_cast %swap3A_389 : vector<1x16xf32> to vector<16xf32>
        %swap3A_391 = vector.shape_cast %mul3A_386 : vector<16xf32> to vector<1x16xf32>
        tpu.vector_store %arg8[%swap3A_387, %swap3A_388], %swap3A_391 {strides = array<i32>} : memref<128x128xf32, #tpu.memory_space<vmem>>, vector<1x16xf32>,
        %get3A_392 = arith.index_cast %scan3A_333 : i32 to index
        %get3A_393 = arith.constant 80 : index
        %get3A_394 = tpu.vector_load %arg8[%get3A_392, %get3A_393] {strides = array<i32>} : memref<128x128xf32, #tpu.memory_space<vmem>>, vector<1x16xf32>,
        %get3A_395 = vector.shape_cast %get3A_394 : vector<1x16xf32> to vector<16xf32>
        %mul3A_396 = arith.constant 11.3137083 : f32
        %mul3A_397 = vector.broadcast %mul3A_396 : f32 to vector<16xf32>
        %mul3A_398 = arith.mulf %get3A_395, %mul3A_397 : vector<16xf32>
        %swap3A_399 = arith.index_cast %scan3A_333 : i32 to index
        %swap3A_400 = arith.constant 80 : index
        %swap3A_401 = tpu.vector_load %arg8[%swap3A_399, %swap3A_400] {strides = array<i32>} : memref<128x128xf32, #tpu.memory_space<vmem>>, vector<1x16xf32>,
        %swap3A_402 = vector.shape_cast %swap3A_401 : vector<1x16xf32> to vector<16xf32>
        %swap3A_403 = vector.shape_cast %mul3A_398 : vector<16xf32> to vector<1x16xf32>
        tpu.vector_store %arg8[%swap3A_399, %swap3A_400], %swap3A_403 {strides = array<i32>} : memref<128x128xf32, #tpu.memory_space<vmem>>, vector<1x16xf32>,
        %get3A_404 = arith.index_cast %scan3A_333 : i32 to index
        %get3A_405 = arith.constant 96 : index
        %get3A_406 = tpu.vector_load %arg8[%get3A_404, %get3A_405] {strides = array<i32>} : memref<128x128xf32, #tpu.memory_space<vmem>>, vector<1x16xf32>,
        %get3A_407 = vector.shape_cast %get3A_406 : vector<1x16xf32> to vector<16xf32>
        %mul3A_408 = arith.constant 11.3137083 : f32
        %mul3A_409 = vector.broadcast %mul3A_408 : f32 to vector<16xf32>
        %mul3A_410 = arith.mulf %get3A_407, %mul3A_409 : vector<16xf32>
        %swap3A_411 = arith.index_cast %scan3A_333 : i32 to index
        %swap3A_412 = arith.constant 96 : index
        %swap3A_413 = tpu.vector_load %arg8[%swap3A_411, %swap3A_412] {strides = array<i32>} : memref<128x128xf32, #tpu.memory_space<vmem>>, vector<1x16xf32>,
        %swap3A_414 = vector.shape_cast %swap3A_413 : vector<1x16xf32> to vector<16xf32>
        %swap3A_415 = vector.shape_cast %mul3A_410 : vector<16xf32> to vector<1x16xf32>
        tpu.vector_store %arg8[%swap3A_411, %swap3A_412], %swap3A_415 {strides = array<i32>} : memref<128x128xf32, #tpu.memory_space<vmem>>, vector<1x16xf32>,
        %get3A_416 = arith.index_cast %scan3A_333 : i32 to index
        %get3A_417 = arith.constant 112 : index
        %get3A_418 = tpu.vector_load %arg8[%get3A_416, %get3A_417] {strides = array<i32>} : memref<128x128xf32, #tpu.memory_space<vmem>>, vector<1x16xf32>,
        %get3A_419 = vector.shape_cast %get3A_418 : vector<1x16xf32> to vector<16xf32>
        %mul3A_420 = arith.constant 11.3137083 : f32
        %mul3A_421 = vector.broadcast %mul3A_420 : f32 to vector<16xf32>
        %mul3A_422 = arith.mulf %get3A_419, %mul3A_421 : vector<16xf32>
        %swap3A_423 = arith.index_cast %scan3A_333 : i32 to index
        %swap3A_424 = arith.constant 112 : index
        %swap3A_425 = tpu.vector_load %arg8[%swap3A_423, %swap3A_424] {strides = array<i32>} : memref<128x128xf32, #tpu.memory_space<vmem>>, vector<1x16xf32>,
        %swap3A_426 = vector.shape_cast %swap3A_425 : vector<1x16xf32> to vector<16xf32>
        %swap3A_427 = vector.shape_cast %mul3A_422 : vector<16xf32> to vector<1x16xf32>
        tpu.vector_store %arg8[%swap3A_423, %swap3A_424], %swap3A_427 {strides = array<i32>} : memref<128x128xf32, #tpu.memory_space<vmem>>, vector<1x16xf32>,
        %scan3A_428 = arith.constant 1 : i32
        %scan3A_429 = arith.addi %scan3A_333, %scan3A_428 : i32
        %get3A_430 = arith.index_cast %scan3A_429 : i32 to index
        %get3A_431 = arith.constant 0 : index
        %get3A_432 = tpu.vector_load %arg8[%get3A_430, %get3A_431] {strides = array<i32>} : memref<128x128xf32, #tpu.memory_space<vmem>>, vector<1x16xf32>,
        %get3A_433 = vector.shape_cast %get3A_432 : vector<1x16xf32> to vector<16xf32>
        %mul3A_434 = arith.constant 11.3137083 : f32
        %mul3A_435 = vector.broadcast %mul3A_434 : f32 to vector<16xf32>
        %mul3A_436 = arith.mulf %get3A_433, %mul3A_435 : vector<16xf32>
        %swap3A_437 = arith.index_cast %scan3A_429 : i32 to index
        %swap3A_438 = arith.constant 0 : index
        %swap3A_439 = tpu.vector_load %arg8[%swap3A_437, %swap3A_438] {strides = array<i32>} : memref<128x128xf32, #tpu.memory_space<vmem>>, vector<1x16xf32>,
        %swap3A_440 = vector.shape_cast %swap3A_439 : vector<1x16xf32> to vector<16xf32>
        %swap3A_441 = vector.shape_cast %mul3A_436 : vector<16xf32> to vector<1x16xf32>
        tpu.vector_store %arg8[%swap3A_437, %swap3A_438], %swap3A_441 {strides = array<i32>} : memref<128x128xf32, #tpu.memory_space<vmem>>, vector<1x16xf32>,
        %get3A_442 = arith.index_cast %scan3A_429 : i32 to index
        %get3A_443 = arith.constant 16 : index
        %get3A_444 = tpu.vector_load %arg8[%get3A_442, %get3A_443] {strides = array<i32>} : memref<128x128xf32, #tpu.memory_space<vmem>>, vector<1x16xf32>,
        %get3A_445 = vector.shape_cast %get3A_444 : vector<1x16xf32> to vector<16xf32>
        %mul3A_446 = arith.constant 11.3137083 : f32
        %mul3A_447 = vector.broadcast %mul3A_446 : f32 to vector<16xf32>
        %mul3A_448 = arith.mulf %get3A_445, %mul3A_447 : vector<16xf32>
        %swap3A_449 = arith.index_cast %scan3A_429 : i32 to index
        %swap3A_450 = arith.constant 16 : index
        %swap3A_451 = tpu.vector_load %arg8[%swap3A_449, %swap3A_450] {strides = array<i32>} : memref<128x128xf32, #tpu.memory_space<vmem>>, vector<1x16xf32>,
        %swap3A_452 = vector.shape_cast %swap3A_451 : vector<1x16xf32> to vector<16xf32>
        %swap3A_453 = vector.shape_cast %mul3A_448 : vector<16xf32> to vector<1x16xf32>
        tpu.vector_store %arg8[%swap3A_449, %swap3A_450], %swap3A_453 {strides = array<i32>} : memref<128x128xf32, #tpu.memory_space<vmem>>, vector<1x16xf32>,
        %get3A_454 = arith.index_cast %scan3A_429 : i32 to index
        %get3A_455 = arith.constant 32 : index
        %get3A_456 = tpu.vector_load %arg8[%get3A_454, %get3A_455] {strides = array<i32>} : memref<128x128xf32, #tpu.memory_space<vmem>>, vector<1x16xf32>,
        %get3A_457 = vector.shape_cast %get3A_456 : vector<1x16xf32> to vector<16xf32>
        %mul3A_458 = arith.constant 11.3137083 : f32
        %mul3A_459 = vector.broadcast %mul3A_458 : f32 to vector<16xf32>
        %mul3A_460 = arith.mulf %get3A_457, %mul3A_459 : vector<16xf32>
        %swap3A_461 = arith.index_cast %scan3A_429 : i32 to index
        %swap3A_462 = arith.constant 32 : index
        %swap3A_463 = tpu.vector_load %arg8[%swap3A_461, %swap3A_462] {strides = array<i32>} : memref<128x128xf32, #tpu.memory_space<vmem>>, vector<1x16xf32>,
        %swap3A_464 = vector.shape_cast %swap3A_463 : vector<1x16xf32> to vector<16xf32>
        %swap3A_465 = vector.shape_cast %mul3A_460 : vector<16xf32> to vector<1x16xf32>
        tpu.vector_store %arg8[%swap3A_461, %swap3A_462], %swap3A_465 {strides = array<i32>} : memref<128x128xf32, #tpu.memory_space<vmem>>, vector<1x16xf32>,
        %get3A_466 = arith.index_cast %scan3A_429 : i32 to index
        %get3A_467 = arith.constant 48 : index
        %get3A_468 = tpu.vector_load %arg8[%get3A_466, %get3A_467] {strides = array<i32>} : memref<128x128xf32, #tpu.memory_space<vmem>>, vector<1x16xf32>,
        %get3A_469 = vector.shape_cast %get3A_468 : vector<1x16xf32> to vector<16xf32>
        %mul3A_470 = arith.constant 11.3137083 : f32
        %mul3A_471 = vector.broadcast %mul3A_470 : f32 to vector<16xf32>
        %mul3A_472 = arith.mulf %get3A_469, %mul3A_471 : vector<16xf32>
        %swap3A_473 = arith.index_cast %scan3A_429 : i32 to index
        %swap3A_474 = arith.constant 48 : index
        %swap3A_475 = tpu.vector_load %arg8[%swap3A_473, %swap3A_474] {strides = array<i32>} : memref<128x128xf32, #tpu.memory_space<vmem>>, vector<1x16xf32>,
        %swap3A_476 = vector.shape_cast %swap3A_475 : vector<1x16xf32> to vector<16xf32>
        %swap3A_477 = vector.shape_cast %mul3A_472 : vector<16xf32> to vector<1x16xf32>
        tpu.vector_store %arg8[%swap3A_473, %swap3A_474], %swap3A_477 {strides = array<i32>} : memref<128x128xf32, #tpu.memory_space<vmem>>, vector<1x16xf32>,
        %get3A_478 = arith.index_cast %scan3A_429 : i32 to index
        %get3A_479 = arith.constant 64 : index
        %get3A_480 = tpu.vector_load %arg8[%get3A_478, %get3A_479] {strides = array<i32>} : memref<128x128xf32, #tpu.memory_space<vmem>>, vector<1x16xf32>,
        %get3A_481 = vector.shape_cast %get3A_480 : vector<1x16xf32> to vector<16xf32>
        %mul3A_482 = arith.constant 11.3137083 : f32
        %mul3A_483 = vector.broadcast %mul3A_482 : f32 to vector<16xf32>
        %mul3A_484 = arith.mulf %get3A_481, %mul3A_483 : vector<16xf32>
        %swap3A_485 = arith.index_cast %scan3A_429 : i32 to index
        %swap3A_486 = arith.constant 64 : index
        %swap3A_487 = tpu.vector_load %arg8[%swap3A_485, %swap3A_486] {strides = array<i32>} : memref<128x128xf32, #tpu.memory_space<vmem>>, vector<1x16xf32>,
        %swap3A_488 = vector.shape_cast %swap3A_487 : vector<1x16xf32> to vector<16xf32>
        %swap3A_489 = vector.shape_cast %mul3A_484 : vector<16xf32> to vector<1x16xf32>
        tpu.vector_store %arg8[%swap3A_485, %swap3A_486], %swap3A_489 {strides = array<i32>} : memref<128x128xf32, #tpu.memory_space<vmem>>, vector<1x16xf32>,
        %get3A_490 = arith.index_cast %scan3A_429 : i32 to index
        %get3A_491 = arith.constant 80 : index
        %get3A_492 = tpu.vector_load %arg8[%get3A_490, %get3A_491] {strides = array<i32>} : memref<128x128xf32, #tpu.memory_space<vmem>>, vector<1x16xf32>,
        %get3A_493 = vector.shape_cast %get3A_492 : vector<1x16xf32> to vector<16xf32>
        %mul3A_494 = arith.constant 11.3137083 : f32
        %mul3A_495 = vector.broadcast %mul3A_494 : f32 to vector<16xf32>
        %mul3A_496 = arith.mulf %get3A_493, %mul3A_495 : vector<16xf32>
        %swap3A_497 = arith.index_cast %scan3A_429 : i32 to index
        %swap3A_498 = arith.constant 80 : index
        %swap3A_499 = tpu.vector_load %arg8[%swap3A_497, %swap3A_498] {strides = array<i32>} : memref<128x128xf32, #tpu.memory_space<vmem>>, vector<1x16xf32>,
        %swap3A_500 = vector.shape_cast %swap3A_499 : vector<1x16xf32> to vector<16xf32>
        %swap3A_501 = vector.shape_cast %mul3A_496 : vector<16xf32> to vector<1x16xf32>
        tpu.vector_store %arg8[%swap3A_497, %swap3A_498], %swap3A_501 {strides = array<i32>} : memref<128x128xf32, #tpu.memory_space<vmem>>, vector<1x16xf32>,
        %get3A_502 = arith.index_cast %scan3A_429 : i32 to index
        %get3A_503 = arith.constant 96 : index
        %get3A_504 = tpu.vector_load %arg8[%get3A_502, %get3A_503] {strides = array<i32>} : memref<128x128xf32, #tpu.memory_space<vmem>>, vector<1x16xf32>,
        %get3A_505 = vector.shape_cast %get3A_504 : vector<1x16xf32> to vector<16xf32>
        %mul3A_506 = arith.constant 11.3137083 : f32
        %mul3A_507 = vector.broadcast %mul3A_506 : f32 to vector<16xf32>
        %mul3A_508 = arith.mulf %get3A_505, %mul3A_507 : vector<16xf32>
        %swap3A_509 = arith.index_cast %scan3A_429 : i32 to index
        %swap3A_510 = arith.constant 96 : index
        %swap3A_511 = tpu.vector_load %arg8[%swap3A_509, %swap3A_510] {strides = array<i32>} : memref<128x128xf32, #tpu.memory_space<vmem>>, vector<1x16xf32>,
        %swap3A_512 = vector.shape_cast %swap3A_511 : vector<1x16xf32> to vector<16xf32>
        %swap3A_513 = vector.shape_cast %mul3A_508 : vector<16xf32> to vector<1x16xf32>
        tpu.vector_store %arg8[%swap3A_509, %swap3A_510], %swap3A_513 {strides = array<i32>} : memref<128x128xf32, #tpu.memory_space<vmem>>, vector<1x16xf32>,
        %get3A_514 = arith.index_cast %scan3A_429 : i32 to index
        %get3A_515 = arith.constant 112 : index
        %get3A_516 = tpu.vector_load %arg8[%get3A_514, %get3A_515] {strides = array<i32>} : memref<128x128xf32, #tpu.memory_space<vmem>>, vector<1x16xf32>,
        %get3A_517 = vector.shape_cast %get3A_516 : vector<1x16xf32> to vector<16xf32>
        %mul3A_518 = arith.constant 11.3137083 : f32
        %mul3A_519 = vector.broadcast %mul3A_518 : f32 to vector<16xf32>
        %mul3A_520 = arith.mulf %get3A_517, %mul3A_519 : vector<16xf32>
        %swap3A_521 = arith.index_cast %scan3A_429 : i32 to index
        %swap3A_522 = arith.constant 112 : index
        %swap3A_523 = tpu.vector_load %arg8[%swap3A_521, %swap3A_522] {strides = array<i32>} : memref<128x128xf32, #tpu.memory_space<vmem>>, vector<1x16xf32>,
        %swap3A_524 = vector.shape_cast %swap3A_523 : vector<1x16xf32> to vector<16xf32>
        %swap3A_525 = vector.shape_cast %mul3A_520 : vector<16xf32> to vector<1x16xf32>
        tpu.vector_store %arg8[%swap3A_521, %swap3A_522], %swap3A_525 {strides = array<i32>} : memref<128x128xf32, #tpu.memory_space<vmem>>, vector<1x16xf32>,
      }
      %scan3A_205 = arith.constant 128 : i32
      %mul3A_206 = arith.constant 128 : i32
      %mul3A_207 = arith.muli %add3A_192, %mul3A_206 : i32
      %add3A_208 = arith.addi %mul3A_2, %mul3A_207 : i32
      %dma_start3A_209 = arith.constant 0 : i32
      %dma_start3A_210 = tpu.memref_slice %arg4[%add3A_208, %dma_start3A_209] : memref<819200x128xf32, #tpu.memory_space<hbm>> -> memref<128x128xf32, #tpu.memory_space<hbm>>
      %dma_start3A_211 = arith.constant 0 : i32
      %dma_start3A_212 = tpu.memref_slice %arg4[%add3A_208, %dma_start3A_211] : memref<819200x128xf32, #tpu.memory_space<hbm>> -> memref<128x128xf32, #tpu.memory_space<hbm>>
      tpu.enqueue_dma source(%arg8 : memref<128x128xf32, #tpu.memory_space<vmem>>) target(%dma_start3A_212 : memref<128x128xf32, #tpu.memory_space<hbm>>) target_semaphore(%arg20 : memref<!tpu.dma_semaphore, #tpu.memory_space<semaphore_mem>>)
      %sub3A_213 = arith.constant 2 : i32
      %sub3A_214 = arith.subi %add3A_192, %sub3A_213 : i32
      %add3A_215 = arith.constant 6 : i32
      %add3A_216 = arith.addi %sub3A_214, %add3A_215 : i32
      %ge3A_217 = arith.constant 2 : i32
      %ge3A_218 = arith.cmpi sge, %add3A_192, %ge3A_217 : i32
      %lt3A_219 = arith.constant 200 : i32
      %lt3A_220 = arith.cmpi slt, %add3A_216, %lt3A_219 : i32
      %and3A_221 = arith.andi %ge3A_218, %lt3A_220 : i1
      %convert_element_type3A_222 = arith.extui %and3A_221 : i1 to i32
      %cond3A_223 = arith.constant 0 : i32
      %cond3A_224 = arith.cmpi ne, %convert_element_type3A_222, %cond3A_223 : i32
      scf.if %cond3A_224 {
        %dma_wait3A_333 = arith.constant 0 : i32
        %dma_wait3A_334 = tpu.memref_slice %arg4[%mul3A_2, %dma_wait3A_333] : memref<819200x128xf32, #tpu.memory_space<hbm>> -> memref<128x128xf32, #tpu.memory_space<hbm>>
        %dma_wait3A_335 = arith.constant 0 : i32
        %dma_wait3A_336 = tpu.memref_slice %arg4[%mul3A_2, %dma_wait3A_335] : memref<819200x128xf32, #tpu.memory_space<hbm>> -> memref<128x128xf32, #tpu.memory_space<hbm>>
        tpu.wait_dma2 semaphore(%arg18 : memref<!tpu.dma_semaphore, #tpu.memory_space<semaphore_mem>>) src(%arg6 : memref<128x128xf32, #tpu.memory_space<vmem>>) dst(%dma_wait3A_336 : memref<128x128xf32, #tpu.memory_space<hbm>>)
        %dma_start3A_337 = arith.constant 0 : i32
        %dma_start3A_338 = tpu.memref_slice %arg5[%add3A_216, %dma_start3A_337] : memref<200x128xi32, #tpu.memory_space<vmem>> -> memref<1x128xi32, #tpu.memory_space<vmem>>
        %dma_start3A_339 = tpu.memref_squeeze %dma_start3A_338 : memref<1x128xi32, #tpu.memory_space<vmem>> -> memref<128xi32, #tpu.memory_space<vmem>>
        %dma_start3A_340 = arith.constant 0 : i32
        %dma_start3A_341 = arith.constant 0 : i32
        %dma_start3A_342 = tpu.memref_slice %arg3[%dma_start3A_340, %dma_start3A_341] : memref<1000000x128xf32, #tpu.memory_space<hbm>> -> memref<1000000x128xf32, #tpu.memory_space<hbm>>
        tpu.enqueue_indirect_dma source(%dma_start3A_342 : memref<1000000x128xf32, #tpu.memory_space<hbm>>) target(%arg6 : memref<128x128xf32, #tpu.memory_space<vmem>>) offsets(%dma_start3A_339 : memref<128xi32, #tpu.memory_space<vmem>>) semaphore(%arg12 : memref<!tpu.dma_semaphore, #tpu.memory_space<semaphore_mem>>)
      } else {
      }
      %mul3A_225 = arith.constant 6 : i32
      %mul3A_226 = arith.muli %scan3A_119, %mul3A_225 : i32
      %add3A_227 = arith.constant 3 : i32
      %add3A_228 = arith.addi %mul3A_226, %add3A_227 : i32
      %dma_wait3A_229 = arith.constant 0 : i32
      %dma_wait3A_230 = arith.constant 0 : i32
      %dma_wait3A_231 = tpu.memref_slice %arg5[%dma_wait3A_229, %dma_wait3A_230] : memref<200x128xi32, #tpu.memory_space<vmem>> -> memref<1x128xi32, #tpu.memory_space<vmem>>
      %dma_wait3A_232 = tpu.memref_squeeze %dma_wait3A_231 : memref<1x128xi32, #tpu.memory_space<vmem>> -> memref<128xi32, #tpu.memory_space<vmem>>
      %dma_wait3A_233 = arith.constant 0 : i32
      %dma_wait3A_234 = arith.constant 0 : i32
      %dma_wait3A_235 = tpu.memref_slice %arg3[%dma_wait3A_233, %dma_wait3A_234] : memref<1000000x128xf32, #tpu.memory_space<hbm>> -> memref<1000000x128xf32, #tpu.memory_space<hbm>>
      tpu.wait_indirect_dma semaphore(%arg15 : memref<!tpu.dma_semaphore, #tpu.memory_space<semaphore_mem>>) src(%dma_wait3A_235 : memref<1000000x128xf32, #tpu.memory_space<hbm>>) dst(%arg9 : memref<128x128xf32, #tpu.memory_space<vmem>>)
      %scan3A_236 = arith.constant 0 : i32
      %scan3A_237 = arith.constant 0 : i32
      %scan3A_238 = arith.constant 128 : i32
      %scan3A_239 = arith.addi %scan3A_237, %scan3A_238 : i32
      %scan3A_240 = arith.constant 2 : i32
      scf.for %scan3A_333 = %scan3A_237 to %scan3A_239 step %scan3A_240  : i32 {
        %get3A = arith.index_cast %scan3A_333 : i32 to index
        %get3A_334 = arith.constant 0 : index
        %get3A_335 = tpu.vector_load %arg9[%get3A, %get3A_334] {strides = array<i32>} : memref<128x128xf32, #tpu.memory_space<vmem>>, vector<1x16xf32>,
        %get3A_336 = vector.shape_cast %get3A_335 : vector<1x16xf32> to vector<16xf32>
        %mul3A_337 = arith.constant 11.3137083 : f32
        %mul3A_338 = vector.broadcast %mul3A_337 : f32 to vector<16xf32>
        %mul3A_339 = arith.mulf %get3A_336, %mul3A_338 : vector<16xf32>
        %swap3A = arith.index_cast %scan3A_333 : i32 to index
        %swap3A_340 = arith.constant 0 : index
        %swap3A_341 = tpu.vector_load %arg9[%swap3A, %swap3A_340] {strides = array<i32>} : memref<128x128xf32, #tpu.memory_space<vmem>>, vector<1x16xf32>,
        %swap3A_342 = vector.shape_cast %swap3A_341 : vector<1x16xf32> to vector<16xf32>
        %swap3A_343 = vector.shape_cast %mul3A_339 : vector<16xf32> to vector<1x16xf32>
        tpu.vector_store %arg9[%swap3A, %swap3A_340], %swap3A_343 {strides = array<i32>} : memref<128x128xf32, #tpu.memory_space<vmem>>, vector<1x16xf32>,
        %get3A_344 = arith.index_cast %scan3A_333 : i32 to index
        %get3A_345 = arith.constant 16 : index
        %get3A_346 = tpu.vector_load %arg9[%get3A_344, %get3A_345] {strides = array<i32>} : memref<128x128xf32, #tpu.memory_space<vmem>>, vector<1x16xf32>,
        %get3A_347 = vector.shape_cast %get3A_346 : vector<1x16xf32> to vector<16xf32>
        %mul3A_348 = arith.constant 11.3137083 : f32
        %mul3A_349 = vector.broadcast %mul3A_348 : f32 to vector<16xf32>
        %mul3A_350 = arith.mulf %get3A_347, %mul3A_349 : vector<16xf32>
        %swap3A_351 = arith.index_cast %scan3A_333 : i32 to index
        %swap3A_352 = arith.constant 16 : index
        %swap3A_353 = tpu.vector_load %arg9[%swap3A_351, %swap3A_352] {strides = array<i32>} : memref<128x128xf32, #tpu.memory_space<vmem>>, vector<1x16xf32>,
        %swap3A_354 = vector.shape_cast %swap3A_353 : vector<1x16xf32> to vector<16xf32>
        %swap3A_355 = vector.shape_cast %mul3A_350 : vector<16xf32> to vector<1x16xf32>
        tpu.vector_store %arg9[%swap3A_351, %swap3A_352], %swap3A_355 {strides = array<i32>} : memref<128x128xf32, #tpu.memory_space<vmem>>, vector<1x16xf32>,
        %get3A_356 = arith.index_cast %scan3A_333 : i32 to index
        %get3A_357 = arith.constant 32 : index
        %get3A_358 = tpu.vector_load %arg9[%get3A_356, %get3A_357] {strides = array<i32>} : memref<128x128xf32, #tpu.memory_space<vmem>>, vector<1x16xf32>,
        %get3A_359 = vector.shape_cast %get3A_358 : vector<1x16xf32> to vector<16xf32>
        %mul3A_360 = arith.constant 11.3137083 : f32
        %mul3A_361 = vector.broadcast %mul3A_360 : f32 to vector<16xf32>
        %mul3A_362 = arith.mulf %get3A_359, %mul3A_361 : vector<16xf32>
        %swap3A_363 = arith.index_cast %scan3A_333 : i32 to index
        %swap3A_364 = arith.constant 32 : index
        %swap3A_365 = tpu.vector_load %arg9[%swap3A_363, %swap3A_364] {strides = array<i32>} : memref<128x128xf32, #tpu.memory_space<vmem>>, vector<1x16xf32>,
        %swap3A_366 = vector.shape_cast %swap3A_365 : vector<1x16xf32> to vector<16xf32>
        %swap3A_367 = vector.shape_cast %mul3A_362 : vector<16xf32> to vector<1x16xf32>
        tpu.vector_store %arg9[%swap3A_363, %swap3A_364], %swap3A_367 {strides = array<i32>} : memref<128x128xf32, #tpu.memory_space<vmem>>, vector<1x16xf32>,
        %get3A_368 = arith.index_cast %scan3A_333 : i32 to index
        %get3A_369 = arith.constant 48 : index
        %get3A_370 = tpu.vector_load %arg9[%get3A_368, %get3A_369] {strides = array<i32>} : memref<128x128xf32, #tpu.memory_space<vmem>>, vector<1x16xf32>,
        %get3A_371 = vector.shape_cast %get3A_370 : vector<1x16xf32> to vector<16xf32>
        %mul3A_372 = arith.constant 11.3137083 : f32
        %mul3A_373 = vector.broadcast %mul3A_372 : f32 to vector<16xf32>
        %mul3A_374 = arith.mulf %get3A_371, %mul3A_373 : vector<16xf32>
        %swap3A_375 = arith.index_cast %scan3A_333 : i32 to index
        %swap3A_376 = arith.constant 48 : index
        %swap3A_377 = tpu.vector_load %arg9[%swap3A_375, %swap3A_376] {strides = array<i32>} : memref<128x128xf32, #tpu.memory_space<vmem>>, vector<1x16xf32>,
        %swap3A_378 = vector.shape_cast %swap3A_377 : vector<1x16xf32> to vector<16xf32>
        %swap3A_379 = vector.shape_cast %mul3A_374 : vector<16xf32> to vector<1x16xf32>
        tpu.vector_store %arg9[%swap3A_375, %swap3A_376], %swap3A_379 {strides = array<i32>} : memref<128x128xf32, #tpu.memory_space<vmem>>, vector<1x16xf32>,
        %get3A_380 = arith.index_cast %scan3A_333 : i32 to index
        %get3A_381 = arith.constant 64 : index
        %get3A_382 = tpu.vector_load %arg9[%get3A_380, %get3A_381] {strides = array<i32>} : memref<128x128xf32, #tpu.memory_space<vmem>>, vector<1x16xf32>,
        %get3A_383 = vector.shape_cast %get3A_382 : vector<1x16xf32> to vector<16xf32>
        %mul3A_384 = arith.constant 11.3137083 : f32
        %mul3A_385 = vector.broadcast %mul3A_384 : f32 to vector<16xf32>
        %mul3A_386 = arith.mulf %get3A_383, %mul3A_385 : vector<16xf32>
        %swap3A_387 = arith.index_cast %scan3A_333 : i32 to index
        %swap3A_388 = arith.constant 64 : index
        %swap3A_389 = tpu.vector_load %arg9[%swap3A_387, %swap3A_388] {strides = array<i32>} : memref<128x128xf32, #tpu.memory_space<vmem>>, vector<1x16xf32>,
        %swap3A_390 = vector.shape_cast %swap3A_389 : vector<1x16xf32> to vector<16xf32>
        %swap3A_391 = vector.shape_cast %mul3A_386 : vector<16xf32> to vector<1x16xf32>
        tpu.vector_store %arg9[%swap3A_387, %swap3A_388], %swap3A_391 {strides = array<i32>} : memref<128x128xf32, #tpu.memory_space<vmem>>, vector<1x16xf32>,
        %get3A_392 = arith.index_cast %scan3A_333 : i32 to index
        %get3A_393 = arith.constant 80 : index
        %get3A_394 = tpu.vector_load %arg9[%get3A_392, %get3A_393] {strides = array<i32>} : memref<128x128xf32, #tpu.memory_space<vmem>>, vector<1x16xf32>,
        %get3A_395 = vector.shape_cast %get3A_394 : vector<1x16xf32> to vector<16xf32>
        %mul3A_396 = arith.constant 11.3137083 : f32
        %mul3A_397 = vector.broadcast %mul3A_396 : f32 to vector<16xf32>
        %mul3A_398 = arith.mulf %get3A_395, %mul3A_397 : vector<16xf32>
        %swap3A_399 = arith.index_cast %scan3A_333 : i32 to index
        %swap3A_400 = arith.constant 80 : index
        %swap3A_401 = tpu.vector_load %arg9[%swap3A_399, %swap3A_400] {strides = array<i32>} : memref<128x128xf32, #tpu.memory_space<vmem>>, vector<1x16xf32>,
        %swap3A_402 = vector.shape_cast %swap3A_401 : vector<1x16xf32> to vector<16xf32>
        %swap3A_403 = vector.shape_cast %mul3A_398 : vector<16xf32> to vector<1x16xf32>
        tpu.vector_store %arg9[%swap3A_399, %swap3A_400], %swap3A_403 {strides = array<i32>} : memref<128x128xf32, #tpu.memory_space<vmem>>, vector<1x16xf32>,
        %get3A_404 = arith.index_cast %scan3A_333 : i32 to index
        %get3A_405 = arith.constant 96 : index
        %get3A_406 = tpu.vector_load %arg9[%get3A_404, %get3A_405] {strides = array<i32>} : memref<128x128xf32, #tpu.memory_space<vmem>>, vector<1x16xf32>,
        %get3A_407 = vector.shape_cast %get3A_406 : vector<1x16xf32> to vector<16xf32>
        %mul3A_408 = arith.constant 11.3137083 : f32
        %mul3A_409 = vector.broadcast %mul3A_408 : f32 to vector<16xf32>
        %mul3A_410 = arith.mulf %get3A_407, %mul3A_409 : vector<16xf32>
        %swap3A_411 = arith.index_cast %scan3A_333 : i32 to index
        %swap3A_412 = arith.constant 96 : index
        %swap3A_413 = tpu.vector_load %arg9[%swap3A_411, %swap3A_412] {strides = array<i32>} : memref<128x128xf32, #tpu.memory_space<vmem>>, vector<1x16xf32>,
        %swap3A_414 = vector.shape_cast %swap3A_413 : vector<1x16xf32> to vector<16xf32>
        %swap3A_415 = vector.shape_cast %mul3A_410 : vector<16xf32> to vector<1x16xf32>
        tpu.vector_store %arg9[%swap3A_411, %swap3A_412], %swap3A_415 {strides = array<i32>} : memref<128x128xf32, #tpu.memory_space<vmem>>, vector<1x16xf32>,
        %get3A_416 = arith.index_cast %scan3A_333 : i32 to index
        %get3A_417 = arith.constant 112 : index
        %get3A_418 = tpu.vector_load %arg9[%get3A_416, %get3A_417] {strides = array<i32>} : memref<128x128xf32, #tpu.memory_space<vmem>>, vector<1x16xf32>,
        %get3A_419 = vector.shape_cast %get3A_418 : vector<1x16xf32> to vector<16xf32>
        %mul3A_420 = arith.constant 11.3137083 : f32
        %mul3A_421 = vector.broadcast %mul3A_420 : f32 to vector<16xf32>
        %mul3A_422 = arith.mulf %get3A_419, %mul3A_421 : vector<16xf32>
        %swap3A_423 = arith.index_cast %scan3A_333 : i32 to index
        %swap3A_424 = arith.constant 112 : index
        %swap3A_425 = tpu.vector_load %arg9[%swap3A_423, %swap3A_424] {strides = array<i32>} : memref<128x128xf32, #tpu.memory_space<vmem>>, vector<1x16xf32>,
        %swap3A_426 = vector.shape_cast %swap3A_425 : vector<1x16xf32> to vector<16xf32>
        %swap3A_427 = vector.shape_cast %mul3A_422 : vector<16xf32> to vector<1x16xf32>
        tpu.vector_store %arg9[%swap3A_423, %swap3A_424], %swap3A_427 {strides = array<i32>} : memref<128x128xf32, #tpu.memory_space<vmem>>, vector<1x16xf32>,
        %scan3A_428 = arith.constant 1 : i32
        %scan3A_429 = arith.addi %scan3A_333, %scan3A_428 : i32
        %get3A_430 = arith.index_cast %scan3A_429 : i32 to index
        %get3A_431 = arith.constant 0 : index
        %get3A_432 = tpu.vector_load %arg9[%get3A_430, %get3A_431] {strides = array<i32>} : memref<128x128xf32, #tpu.memory_space<vmem>>, vector<1x16xf32>,
        %get3A_433 = vector.shape_cast %get3A_432 : vector<1x16xf32> to vector<16xf32>
        %mul3A_434 = arith.constant 11.3137083 : f32
        %mul3A_435 = vector.broadcast %mul3A_434 : f32 to vector<16xf32>
        %mul3A_436 = arith.mulf %get3A_433, %mul3A_435 : vector<16xf32>
        %swap3A_437 = arith.index_cast %scan3A_429 : i32 to index
        %swap3A_438 = arith.constant 0 : index
        %swap3A_439 = tpu.vector_load %arg9[%swap3A_437, %swap3A_438] {strides = array<i32>} : memref<128x128xf32, #tpu.memory_space<vmem>>, vector<1x16xf32>,
        %swap3A_440 = vector.shape_cast %swap3A_439 : vector<1x16xf32> to vector<16xf32>
        %swap3A_441 = vector.shape_cast %mul3A_436 : vector<16xf32> to vector<1x16xf32>
        tpu.vector_store %arg9[%swap3A_437, %swap3A_438], %swap3A_441 {strides = array<i32>} : memref<128x128xf32, #tpu.memory_space<vmem>>, vector<1x16xf32>,
        %get3A_442 = arith.index_cast %scan3A_429 : i32 to index
        %get3A_443 = arith.constant 16 : index
        %get3A_444 = tpu.vector_load %arg9[%get3A_442, %get3A_443] {strides = array<i32>} : memref<128x128xf32, #tpu.memory_space<vmem>>, vector<1x16xf32>,
        %get3A_445 = vector.shape_cast %get3A_444 : vector<1x16xf32> to vector<16xf32>
        %mul3A_446 = arith.constant 11.3137083 : f32
        %mul3A_447 = vector.broadcast %mul3A_446 : f32 to vector<16xf32>
        %mul3A_448 = arith.mulf %get3A_445, %mul3A_447 : vector<16xf32>
        %swap3A_449 = arith.index_cast %scan3A_429 : i32 to index
        %swap3A_450 = arith.constant 16 : index
        %swap3A_451 = tpu.vector_load %arg9[%swap3A_449, %swap3A_450] {strides = array<i32>} : memref<128x128xf32, #tpu.memory_space<vmem>>, vector<1x16xf32>,
        %swap3A_452 = vector.shape_cast %swap3A_451 : vector<1x16xf32> to vector<16xf32>
        %swap3A_453 = vector.shape_cast %mul3A_448 : vector<16xf32> to vector<1x16xf32>
        tpu.vector_store %arg9[%swap3A_449, %swap3A_450], %swap3A_453 {strides = array<i32>} : memref<128x128xf32, #tpu.memory_space<vmem>>, vector<1x16xf32>,
        %get3A_454 = arith.index_cast %scan3A_429 : i32 to index
        %get3A_455 = arith.constant 32 : index
        %get3A_456 = tpu.vector_load %arg9[%get3A_454, %get3A_455] {strides = array<i32>} : memref<128x128xf32, #tpu.memory_space<vmem>>, vector<1x16xf32>,
        %get3A_457 = vector.shape_cast %get3A_456 : vector<1x16xf32> to vector<16xf32>
        %mul3A_458 = arith.constant 11.3137083 : f32
        %mul3A_459 = vector.broadcast %mul3A_458 : f32 to vector<16xf32>
        %mul3A_460 = arith.mulf %get3A_457, %mul3A_459 : vector<16xf32>
        %swap3A_461 = arith.index_cast %scan3A_429 : i32 to index
        %swap3A_462 = arith.constant 32 : index
        %swap3A_463 = tpu.vector_load %arg9[%swap3A_461, %swap3A_462] {strides = array<i32>} : memref<128x128xf32, #tpu.memory_space<vmem>>, vector<1x16xf32>,
        %swap3A_464 = vector.shape_cast %swap3A_463 : vector<1x16xf32> to vector<16xf32>
        %swap3A_465 = vector.shape_cast %mul3A_460 : vector<16xf32> to vector<1x16xf32>
        tpu.vector_store %arg9[%swap3A_461, %swap3A_462], %swap3A_465 {strides = array<i32>} : memref<128x128xf32, #tpu.memory_space<vmem>>, vector<1x16xf32>,
        %get3A_466 = arith.index_cast %scan3A_429 : i32 to index
        %get3A_467 = arith.constant 48 : index
        %get3A_468 = tpu.vector_load %arg9[%get3A_466, %get3A_467] {strides = array<i32>} : memref<128x128xf32, #tpu.memory_space<vmem>>, vector<1x16xf32>,
        %get3A_469 = vector.shape_cast %get3A_468 : vector<1x16xf32> to vector<16xf32>
        %mul3A_470 = arith.constant 11.3137083 : f32
        %mul3A_471 = vector.broadcast %mul3A_470 : f32 to vector<16xf32>
        %mul3A_472 = arith.mulf %get3A_469, %mul3A_471 : vector<16xf32>
        %swap3A_473 = arith.index_cast %scan3A_429 : i32 to index
        %swap3A_474 = arith.constant 48 : index
        %swap3A_475 = tpu.vector_load %arg9[%swap3A_473, %swap3A_474] {strides = array<i32>} : memref<128x128xf32, #tpu.memory_space<vmem>>, vector<1x16xf32>,
        %swap3A_476 = vector.shape_cast %swap3A_475 : vector<1x16xf32> to vector<16xf32>
        %swap3A_477 = vector.shape_cast %mul3A_472 : vector<16xf32> to vector<1x16xf32>
        tpu.vector_store %arg9[%swap3A_473, %swap3A_474], %swap3A_477 {strides = array<i32>} : memref<128x128xf32, #tpu.memory_space<vmem>>, vector<1x16xf32>,
        %get3A_478 = arith.index_cast %scan3A_429 : i32 to index
        %get3A_479 = arith.constant 64 : index
        %get3A_480 = tpu.vector_load %arg9[%get3A_478, %get3A_479] {strides = array<i32>} : memref<128x128xf32, #tpu.memory_space<vmem>>, vector<1x16xf32>,
        %get3A_481 = vector.shape_cast %get3A_480 : vector<1x16xf32> to vector<16xf32>
        %mul3A_482 = arith.constant 11.3137083 : f32
        %mul3A_483 = vector.broadcast %mul3A_482 : f32 to vector<16xf32>
        %mul3A_484 = arith.mulf %get3A_481, %mul3A_483 : vector<16xf32>
        %swap3A_485 = arith.index_cast %scan3A_429 : i32 to index
        %swap3A_486 = arith.constant 64 : index
        %swap3A_487 = tpu.vector_load %arg9[%swap3A_485, %swap3A_486] {strides = array<i32>} : memref<128x128xf32, #tpu.memory_space<vmem>>, vector<1x16xf32>,
        %swap3A_488 = vector.shape_cast %swap3A_487 : vector<1x16xf32> to vector<16xf32>
        %swap3A_489 = vector.shape_cast %mul3A_484 : vector<16xf32> to vector<1x16xf32>
        tpu.vector_store %arg9[%swap3A_485, %swap3A_486], %swap3A_489 {strides = array<i32>} : memref<128x128xf32, #tpu.memory_space<vmem>>, vector<1x16xf32>,
        %get3A_490 = arith.index_cast %scan3A_429 : i32 to index
        %get3A_491 = arith.constant 80 : index
        %get3A_492 = tpu.vector_load %arg9[%get3A_490, %get3A_491] {strides = array<i32>} : memref<128x128xf32, #tpu.memory_space<vmem>>, vector<1x16xf32>,
        %get3A_493 = vector.shape_cast %get3A_492 : vector<1x16xf32> to vector<16xf32>
        %mul3A_494 = arith.constant 11.3137083 : f32
        %mul3A_495 = vector.broadcast %mul3A_494 : f32 to vector<16xf32>
        %mul3A_496 = arith.mulf %get3A_493, %mul3A_495 : vector<16xf32>
        %swap3A_497 = arith.index_cast %scan3A_429 : i32 to index
        %swap3A_498 = arith.constant 80 : index
        %swap3A_499 = tpu.vector_load %arg9[%swap3A_497, %swap3A_498] {strides = array<i32>} : memref<128x128xf32, #tpu.memory_space<vmem>>, vector<1x16xf32>,
        %swap3A_500 = vector.shape_cast %swap3A_499 : vector<1x16xf32> to vector<16xf32>
        %swap3A_501 = vector.shape_cast %mul3A_496 : vector<16xf32> to vector<1x16xf32>
        tpu.vector_store %arg9[%swap3A_497, %swap3A_498], %swap3A_501 {strides = array<i32>} : memref<128x128xf32, #tpu.memory_space<vmem>>, vector<1x16xf32>,
        %get3A_502 = arith.index_cast %scan3A_429 : i32 to index
        %get3A_503 = arith.constant 96 : index
        %get3A_504 = tpu.vector_load %arg9[%get3A_502, %get3A_503] {strides = array<i32>} : memref<128x128xf32, #tpu.memory_space<vmem>>, vector<1x16xf32>,
        %get3A_505 = vector.shape_cast %get3A_504 : vector<1x16xf32> to vector<16xf32>
        %mul3A_506 = arith.constant 11.3137083 : f32
        %mul3A_507 = vector.broadcast %mul3A_506 : f32 to vector<16xf32>
        %mul3A_508 = arith.mulf %get3A_505, %mul3A_507 : vector<16xf32>
        %swap3A_509 = arith.index_cast %scan3A_429 : i32 to index
        %swap3A_510 = arith.constant 96 : index
        %swap3A_511 = tpu.vector_load %arg9[%swap3A_509, %swap3A_510] {strides = array<i32>} : memref<128x128xf32, #tpu.memory_space<vmem>>, vector<1x16xf32>,
        %swap3A_512 = vector.shape_cast %swap3A_511 : vector<1x16xf32> to vector<16xf32>
        %swap3A_513 = vector.shape_cast %mul3A_508 : vector<16xf32> to vector<1x16xf32>
        tpu.vector_store %arg9[%swap3A_509, %swap3A_510], %swap3A_513 {strides = array<i32>} : memref<128x128xf32, #tpu.memory_space<vmem>>, vector<1x16xf32>,
        %get3A_514 = arith.index_cast %scan3A_429 : i32 to index
        %get3A_515 = arith.constant 112 : index
        %get3A_516 = tpu.vector_load %arg9[%get3A_514, %get3A_515] {strides = array<i32>} : memref<128x128xf32, #tpu.memory_space<vmem>>, vector<1x16xf32>,
        %get3A_517 = vector.shape_cast %get3A_516 : vector<1x16xf32> to vector<16xf32>
        %mul3A_518 = arith.constant 11.3137083 : f32
        %mul3A_519 = vector.broadcast %mul3A_518 : f32 to vector<16xf32>
        %mul3A_520 = arith.mulf %get3A_517, %mul3A_519 : vector<16xf32>
        %swap3A_521 = arith.index_cast %scan3A_429 : i32 to index
        %swap3A_522 = arith.constant 112 : index
        %swap3A_523 = tpu.vector_load %arg9[%swap3A_521, %swap3A_522] {strides = array<i32>} : memref<128x128xf32, #tpu.memory_space<vmem>>, vector<1x16xf32>,
        %swap3A_524 = vector.shape_cast %swap3A_523 : vector<1x16xf32> to vector<16xf32>
        %swap3A_525 = vector.shape_cast %mul3A_520 : vector<16xf32> to vector<1x16xf32>
        tpu.vector_store %arg9[%swap3A_521, %swap3A_522], %swap3A_525 {strides = array<i32>} : memref<128x128xf32, #tpu.memory_space<vmem>>, vector<1x16xf32>,
      }
      %scan3A_241 = arith.constant 128 : i32
      %mul3A_242 = arith.constant 128 : i32
      %mul3A_243 = arith.muli %add3A_228, %mul3A_242 : i32
      %add3A_244 = arith.addi %mul3A_2, %mul3A_243 : i32
      %dma_start3A_245 = arith.constant 0 : i32
      %dma_start3A_246 = tpu.memref_slice %arg4[%add3A_244, %dma_start3A_245] : memref<819200x128xf32, #tpu.memory_space<hbm>> -> memref<128x128xf32, #tpu.memory_space<hbm>>
      %dma_start3A_247 = arith.constant 0 : i32
      %dma_start3A_248 = tpu.memref_slice %arg4[%add3A_244, %dma_start3A_247] : memref<819200x128xf32, #tpu.memory_space<hbm>> -> memref<128x128xf32, #tpu.memory_space<hbm>>
      tpu.enqueue_dma source(%arg9 : memref<128x128xf32, #tpu.memory_space<vmem>>) target(%dma_start3A_248 : memref<128x128xf32, #tpu.memory_space<hbm>>) target_semaphore(%arg21 : memref<!tpu.dma_semaphore, #tpu.memory_space<semaphore_mem>>)
      %sub3A_249 = arith.constant 2 : i32
      %sub3A_250 = arith.subi %add3A_228, %sub3A_249 : i32
      %add3A_251 = arith.constant 6 : i32
      %add3A_252 = arith.addi %sub3A_250, %add3A_251 : i32
      %ge3A_253 = arith.constant 2 : i32
      %ge3A_254 = arith.cmpi sge, %add3A_228, %ge3A_253 : i32
      %lt3A_255 = arith.constant 200 : i32
      %lt3A_256 = arith.cmpi slt, %add3A_252, %lt3A_255 : i32
      %and3A_257 = arith.andi %ge3A_254, %lt3A_256 : i1
      %convert_element_type3A_258 = arith.extui %and3A_257 : i1 to i32
      %cond3A_259 = arith.constant 0 : i32
      %cond3A_260 = arith.cmpi ne, %convert_element_type3A_258, %cond3A_259 : i32
      scf.if %cond3A_260 {
        %dma_wait3A_333 = arith.constant 0 : i32
        %dma_wait3A_334 = tpu.memref_slice %arg4[%mul3A_2, %dma_wait3A_333] : memref<819200x128xf32, #tpu.memory_space<hbm>> -> memref<128x128xf32, #tpu.memory_space<hbm>>
        %dma_wait3A_335 = arith.constant 0 : i32
        %dma_wait3A_336 = tpu.memref_slice %arg4[%mul3A_2, %dma_wait3A_335] : memref<819200x128xf32, #tpu.memory_space<hbm>> -> memref<128x128xf32, #tpu.memory_space<hbm>>
        tpu.wait_dma2 semaphore(%arg19 : memref<!tpu.dma_semaphore, #tpu.memory_space<semaphore_mem>>) src(%arg7 : memref<128x128xf32, #tpu.memory_space<vmem>>) dst(%dma_wait3A_336 : memref<128x128xf32, #tpu.memory_space<hbm>>)
        %dma_start3A_337 = arith.constant 0 : i32
        %dma_start3A_338 = tpu.memref_slice %arg5[%add3A_252, %dma_start3A_337] : memref<200x128xi32, #tpu.memory_space<vmem>> -> memref<1x128xi32, #tpu.memory_space<vmem>>
        %dma_start3A_339 = tpu.memref_squeeze %dma_start3A_338 : memref<1x128xi32, #tpu.memory_space<vmem>> -> memref<128xi32, #tpu.memory_space<vmem>>
        %dma_start3A_340 = arith.constant 0 : i32
        %dma_start3A_341 = arith.constant 0 : i32
        %dma_start3A_342 = tpu.memref_slice %arg3[%dma_start3A_340, %dma_start3A_341] : memref<1000000x128xf32, #tpu.memory_space<hbm>> -> memref<1000000x128xf32, #tpu.memory_space<hbm>>
        tpu.enqueue_indirect_dma source(%dma_start3A_342 : memref<1000000x128xf32, #tpu.memory_space<hbm>>) target(%arg7 : memref<128x128xf32, #tpu.memory_space<vmem>>) offsets(%dma_start3A_339 : memref<128xi32, #tpu.memory_space<vmem>>) semaphore(%arg13 : memref<!tpu.dma_semaphore, #tpu.memory_space<semaphore_mem>>)
      } else {
      }
      %mul3A_261 = arith.constant 6 : i32
      %mul3A_262 = arith.muli %scan3A_119, %mul3A_261 : i32
      %add3A_263 = arith.constant 4 : i32
      %add3A_264 = arith.addi %mul3A_262, %add3A_263 : i32
      %dma_wait3A_265 = arith.constant 0 : i32
      %dma_wait3A_266 = arith.constant 0 : i32
      %dma_wait3A_267 = tpu.memref_slice %arg5[%dma_wait3A_265, %dma_wait3A_266] : memref<200x128xi32, #tpu.memory_space<vmem>> -> memref<1x128xi32, #tpu.memory_space<vmem>>
      %dma_wait3A_268 = tpu.memref_squeeze %dma_wait3A_267 : memref<1x128xi32, #tpu.memory_space<vmem>> -> memref<128xi32, #tpu.memory_space<vmem>>
      %dma_wait3A_269 = arith.constant 0 : i32
      %dma_wait3A_270 = arith.constant 0 : i32
      %dma_wait3A_271 = tpu.memref_slice %arg3[%dma_wait3A_269, %dma_wait3A_270] : memref<1000000x128xf32, #tpu.memory_space<hbm>> -> memref<1000000x128xf32, #tpu.memory_space<hbm>>
      tpu.wait_indirect_dma semaphore(%arg16 : memref<!tpu.dma_semaphore, #tpu.memory_space<semaphore_mem>>) src(%dma_wait3A_271 : memref<1000000x128xf32, #tpu.memory_space<hbm>>) dst(%arg10 : memref<128x128xf32, #tpu.memory_space<vmem>>)
      %scan3A_272 = arith.constant 0 : i32
      %scan3A_273 = arith.constant 0 : i32
      %scan3A_274 = arith.constant 128 : i32
      %scan3A_275 = arith.addi %scan3A_273, %scan3A_274 : i32
      %scan3A_276 = arith.constant 2 : i32
      scf.for %scan3A_333 = %scan3A_273 to %scan3A_275 step %scan3A_276  : i32 {
        %get3A = arith.index_cast %scan3A_333 : i32 to index
        %get3A_334 = arith.constant 0 : index
        %get3A_335 = tpu.vector_load %arg10[%get3A, %get3A_334] {strides = array<i32>} : memref<128x128xf32, #tpu.memory_space<vmem>>, vector<1x16xf32>,
        %get3A_336 = vector.shape_cast %get3A_335 : vector<1x16xf32> to vector<16xf32>
        %mul3A_337 = arith.constant 11.3137083 : f32
        %mul3A_338 = vector.broadcast %mul3A_337 : f32 to vector<16xf32>
        %mul3A_339 = arith.mulf %get3A_336, %mul3A_338 : vector<16xf32>
        %swap3A = arith.index_cast %scan3A_333 : i32 to index
        %swap3A_340 = arith.constant 0 : index
        %swap3A_341 = tpu.vector_load %arg10[%swap3A, %swap3A_340] {strides = array<i32>} : memref<128x128xf32, #tpu.memory_space<vmem>>, vector<1x16xf32>,
        %swap3A_342 = vector.shape_cast %swap3A_341 : vector<1x16xf32> to vector<16xf32>
        %swap3A_343 = vector.shape_cast %mul3A_339 : vector<16xf32> to vector<1x16xf32>
        tpu.vector_store %arg10[%swap3A, %swap3A_340], %swap3A_343 {strides = array<i32>} : memref<128x128xf32, #tpu.memory_space<vmem>>, vector<1x16xf32>,
        %get3A_344 = arith.index_cast %scan3A_333 : i32 to index
        %get3A_345 = arith.constant 16 : index
        %get3A_346 = tpu.vector_load %arg10[%get3A_344, %get3A_345] {strides = array<i32>} : memref<128x128xf32, #tpu.memory_space<vmem>>, vector<1x16xf32>,
        %get3A_347 = vector.shape_cast %get3A_346 : vector<1x16xf32> to vector<16xf32>
        %mul3A_348 = arith.constant 11.3137083 : f32
        %mul3A_349 = vector.broadcast %mul3A_348 : f32 to vector<16xf32>
        %mul3A_350 = arith.mulf %get3A_347, %mul3A_349 : vector<16xf32>
        %swap3A_351 = arith.index_cast %scan3A_333 : i32 to index
        %swap3A_352 = arith.constant 16 : index
        %swap3A_353 = tpu.vector_load %arg10[%swap3A_351, %swap3A_352] {strides = array<i32>} : memref<128x128xf32, #tpu.memory_space<vmem>>, vector<1x16xf32>,
        %swap3A_354 = vector.shape_cast %swap3A_353 : vector<1x16xf32> to vector<16xf32>
        %swap3A_355 = vector.shape_cast %mul3A_350 : vector<16xf32> to vector<1x16xf32>
        tpu.vector_store %arg10[%swap3A_351, %swap3A_352], %swap3A_355 {strides = array<i32>} : memref<128x128xf32, #tpu.memory_space<vmem>>, vector<1x16xf32>,
        %get3A_356 = arith.index_cast %scan3A_333 : i32 to index
        %get3A_357 = arith.constant 32 : index
        %get3A_358 = tpu.vector_load %arg10[%get3A_356, %get3A_357] {strides = array<i32>} : memref<128x128xf32, #tpu.memory_space<vmem>>, vector<1x16xf32>,
        %get3A_359 = vector.shape_cast %get3A_358 : vector<1x16xf32> to vector<16xf32>
        %mul3A_360 = arith.constant 11.3137083 : f32
        %mul3A_361 = vector.broadcast %mul3A_360 : f32 to vector<16xf32>
        %mul3A_362 = arith.mulf %get3A_359, %mul3A_361 : vector<16xf32>
        %swap3A_363 = arith.index_cast %scan3A_333 : i32 to index
        %swap3A_364 = arith.constant 32 : index
        %swap3A_365 = tpu.vector_load %arg10[%swap3A_363, %swap3A_364] {strides = array<i32>} : memref<128x128xf32, #tpu.memory_space<vmem>>, vector<1x16xf32>,
        %swap3A_366 = vector.shape_cast %swap3A_365 : vector<1x16xf32> to vector<16xf32>
        %swap3A_367 = vector.shape_cast %mul3A_362 : vector<16xf32> to vector<1x16xf32>
        tpu.vector_store %arg10[%swap3A_363, %swap3A_364], %swap3A_367 {strides = array<i32>} : memref<128x128xf32, #tpu.memory_space<vmem>>, vector<1x16xf32>,
        %get3A_368 = arith.index_cast %scan3A_333 : i32 to index
        %get3A_369 = arith.constant 48 : index
        %get3A_370 = tpu.vector_load %arg10[%get3A_368, %get3A_369] {strides = array<i32>} : memref<128x128xf32, #tpu.memory_space<vmem>>, vector<1x16xf32>,
        %get3A_371 = vector.shape_cast %get3A_370 : vector<1x16xf32> to vector<16xf32>
        %mul3A_372 = arith.constant 11.3137083 : f32
        %mul3A_373 = vector.broadcast %mul3A_372 : f32 to vector<16xf32>
        %mul3A_374 = arith.mulf %get3A_371, %mul3A_373 : vector<16xf32>
        %swap3A_375 = arith.index_cast %scan3A_333 : i32 to index
        %swap3A_376 = arith.constant 48 : index
        %swap3A_377 = tpu.vector_load %arg10[%swap3A_375, %swap3A_376] {strides = array<i32>} : memref<128x128xf32, #tpu.memory_space<vmem>>, vector<1x16xf32>,
        %swap3A_378 = vector.shape_cast %swap3A_377 : vector<1x16xf32> to vector<16xf32>
        %swap3A_379 = vector.shape_cast %mul3A_374 : vector<16xf32> to vector<1x16xf32>
        tpu.vector_store %arg10[%swap3A_375, %swap3A_376], %swap3A_379 {strides = array<i32>} : memref<128x128xf32, #tpu.memory_space<vmem>>, vector<1x16xf32>,
        %get3A_380 = arith.index_cast %scan3A_333 : i32 to index
        %get3A_381 = arith.constant 64 : index
        %get3A_382 = tpu.vector_load %arg10[%get3A_380, %get3A_381] {strides = array<i32>} : memref<128x128xf32, #tpu.memory_space<vmem>>, vector<1x16xf32>,
        %get3A_383 = vector.shape_cast %get3A_382 : vector<1x16xf32> to vector<16xf32>
        %mul3A_384 = arith.constant 11.3137083 : f32
        %mul3A_385 = vector.broadcast %mul3A_384 : f32 to vector<16xf32>
        %mul3A_386 = arith.mulf %get3A_383, %mul3A_385 : vector<16xf32>
        %swap3A_387 = arith.index_cast %scan3A_333 : i32 to index
        %swap3A_388 = arith.constant 64 : index
        %swap3A_389 = tpu.vector_load %arg10[%swap3A_387, %swap3A_388] {strides = array<i32>} : memref<128x128xf32, #tpu.memory_space<vmem>>, vector<1x16xf32>,
        %swap3A_390 = vector.shape_cast %swap3A_389 : vector<1x16xf32> to vector<16xf32>
        %swap3A_391 = vector.shape_cast %mul3A_386 : vector<16xf32> to vector<1x16xf32>
        tpu.vector_store %arg10[%swap3A_387, %swap3A_388], %swap3A_391 {strides = array<i32>} : memref<128x128xf32, #tpu.memory_space<vmem>>, vector<1x16xf32>,
        %get3A_392 = arith.index_cast %scan3A_333 : i32 to index
        %get3A_393 = arith.constant 80 : index
        %get3A_394 = tpu.vector_load %arg10[%get3A_392, %get3A_393] {strides = array<i32>} : memref<128x128xf32, #tpu.memory_space<vmem>>, vector<1x16xf32>,
        %get3A_395 = vector.shape_cast %get3A_394 : vector<1x16xf32> to vector<16xf32>
        %mul3A_396 = arith.constant 11.3137083 : f32
        %mul3A_397 = vector.broadcast %mul3A_396 : f32 to vector<16xf32>
        %mul3A_398 = arith.mulf %get3A_395, %mul3A_397 : vector<16xf32>
        %swap3A_399 = arith.index_cast %scan3A_333 : i32 to index
        %swap3A_400 = arith.constant 80 : index
        %swap3A_401 = tpu.vector_load %arg10[%swap3A_399, %swap3A_400] {strides = array<i32>} : memref<128x128xf32, #tpu.memory_space<vmem>>, vector<1x16xf32>,
        %swap3A_402 = vector.shape_cast %swap3A_401 : vector<1x16xf32> to vector<16xf32>
        %swap3A_403 = vector.shape_cast %mul3A_398 : vector<16xf32> to vector<1x16xf32>
        tpu.vector_store %arg10[%swap3A_399, %swap3A_400], %swap3A_403 {strides = array<i32>} : memref<128x128xf32, #tpu.memory_space<vmem>>, vector<1x16xf32>,
        %get3A_404 = arith.index_cast %scan3A_333 : i32 to index
        %get3A_405 = arith.constant 96 : index
        %get3A_406 = tpu.vector_load %arg10[%get3A_404, %get3A_405] {strides = array<i32>} : memref<128x128xf32, #tpu.memory_space<vmem>>, vector<1x16xf32>,
        %get3A_407 = vector.shape_cast %get3A_406 : vector<1x16xf32> to vector<16xf32>
        %mul3A_408 = arith.constant 11.3137083 : f32
        %mul3A_409 = vector.broadcast %mul3A_408 : f32 to vector<16xf32>
        %mul3A_410 = arith.mulf %get3A_407, %mul3A_409 : vector<16xf32>
        %swap3A_411 = arith.index_cast %scan3A_333 : i32 to index
        %swap3A_412 = arith.constant 96 : index
        %swap3A_413 = tpu.vector_load %arg10[%swap3A_411, %swap3A_412] {strides = array<i32>} : memref<128x128xf32, #tpu.memory_space<vmem>>, vector<1x16xf32>,
        %swap3A_414 = vector.shape_cast %swap3A_413 : vector<1x16xf32> to vector<16xf32>
        %swap3A_415 = vector.shape_cast %mul3A_410 : vector<16xf32> to vector<1x16xf32>
        tpu.vector_store %arg10[%swap3A_411, %swap3A_412], %swap3A_415 {strides = array<i32>} : memref<128x128xf32, #tpu.memory_space<vmem>>, vector<1x16xf32>,
        %get3A_416 = arith.index_cast %scan3A_333 : i32 to index
        %get3A_417 = arith.constant 112 : index
        %get3A_418 = tpu.vector_load %arg10[%get3A_416, %get3A_417] {strides = array<i32>} : memref<128x128xf32, #tpu.memory_space<vmem>>, vector<1x16xf32>,
        %get3A_419 = vector.shape_cast %get3A_418 : vector<1x16xf32> to vector<16xf32>
        %mul3A_420 = arith.constant 11.3137083 : f32
        %mul3A_421 = vector.broadcast %mul3A_420 : f32 to vector<16xf32>
        %mul3A_422 = arith.mulf %get3A_419, %mul3A_421 : vector<16xf32>
        %swap3A_423 = arith.index_cast %scan3A_333 : i32 to index
        %swap3A_424 = arith.constant 112 : index
        %swap3A_425 = tpu.vector_load %arg10[%swap3A_423, %swap3A_424] {strides = array<i32>} : memref<128x128xf32, #tpu.memory_space<vmem>>, vector<1x16xf32>,
        %swap3A_426 = vector.shape_cast %swap3A_425 : vector<1x16xf32> to vector<16xf32>
        %swap3A_427 = vector.shape_cast %mul3A_422 : vector<16xf32> to vector<1x16xf32>
        tpu.vector_store %arg10[%swap3A_423, %swap3A_424], %swap3A_427 {strides = array<i32>} : memref<128x128xf32, #tpu.memory_space<vmem>>, vector<1x16xf32>,
        %scan3A_428 = arith.constant 1 : i32
        %scan3A_429 = arith.addi %scan3A_333, %scan3A_428 : i32
        %get3A_430 = arith.index_cast %scan3A_429 : i32 to index
        %get3A_431 = arith.constant 0 : index
        %get3A_432 = tpu.vector_load %arg10[%get3A_430, %get3A_431] {strides = array<i32>} : memref<128x128xf32, #tpu.memory_space<vmem>>, vector<1x16xf32>,
        %get3A_433 = vector.shape_cast %get3A_432 : vector<1x16xf32> to vector<16xf32>
        %mul3A_434 = arith.constant 11.3137083 : f32
        %mul3A_435 = vector.broadcast %mul3A_434 : f32 to vector<16xf32>
        %mul3A_436 = arith.mulf %get3A_433, %mul3A_435 : vector<16xf32>
        %swap3A_437 = arith.index_cast %scan3A_429 : i32 to index
        %swap3A_438 = arith.constant 0 : index
        %swap3A_439 = tpu.vector_load %arg10[%swap3A_437, %swap3A_438] {strides = array<i32>} : memref<128x128xf32, #tpu.memory_space<vmem>>, vector<1x16xf32>,
        %swap3A_440 = vector.shape_cast %swap3A_439 : vector<1x16xf32> to vector<16xf32>
        %swap3A_441 = vector.shape_cast %mul3A_436 : vector<16xf32> to vector<1x16xf32>
        tpu.vector_store %arg10[%swap3A_437, %swap3A_438], %swap3A_441 {strides = array<i32>} : memref<128x128xf32, #tpu.memory_space<vmem>>, vector<1x16xf32>,
        %get3A_442 = arith.index_cast %scan3A_429 : i32 to index
        %get3A_443 = arith.constant 16 : index
        %get3A_444 = tpu.vector_load %arg10[%get3A_442, %get3A_443] {strides = array<i32>} : memref<128x128xf32, #tpu.memory_space<vmem>>, vector<1x16xf32>,
        %get3A_445 = vector.shape_cast %get3A_444 : vector<1x16xf32> to vector<16xf32>
        %mul3A_446 = arith.constant 11.3137083 : f32
        %mul3A_447 = vector.broadcast %mul3A_446 : f32 to vector<16xf32>
        %mul3A_448 = arith.mulf %get3A_445, %mul3A_447 : vector<16xf32>
        %swap3A_449 = arith.index_cast %scan3A_429 : i32 to index
        %swap3A_450 = arith.constant 16 : index
        %swap3A_451 = tpu.vector_load %arg10[%swap3A_449, %swap3A_450] {strides = array<i32>} : memref<128x128xf32, #tpu.memory_space<vmem>>, vector<1x16xf32>,
        %swap3A_452 = vector.shape_cast %swap3A_451 : vector<1x16xf32> to vector<16xf32>
        %swap3A_453 = vector.shape_cast %mul3A_448 : vector<16xf32> to vector<1x16xf32>
        tpu.vector_store %arg10[%swap3A_449, %swap3A_450], %swap3A_453 {strides = array<i32>} : memref<128x128xf32, #tpu.memory_space<vmem>>, vector<1x16xf32>,
        %get3A_454 = arith.index_cast %scan3A_429 : i32 to index
        %get3A_455 = arith.constant 32 : index
        %get3A_456 = tpu.vector_load %arg10[%get3A_454, %get3A_455] {strides = array<i32>} : memref<128x128xf32, #tpu.memory_space<vmem>>, vector<1x16xf32>,
        %get3A_457 = vector.shape_cast %get3A_456 : vector<1x16xf32> to vector<16xf32>
        %mul3A_458 = arith.constant 11.3137083 : f32
        %mul3A_459 = vector.broadcast %mul3A_458 : f32 to vector<16xf32>
        %mul3A_460 = arith.mulf %get3A_457, %mul3A_459 : vector<16xf32>
        %swap3A_461 = arith.index_cast %scan3A_429 : i32 to index
        %swap3A_462 = arith.constant 32 : index
        %swap3A_463 = tpu.vector_load %arg10[%swap3A_461, %swap3A_462] {strides = array<i32>} : memref<128x128xf32, #tpu.memory_space<vmem>>, vector<1x16xf32>,
        %swap3A_464 = vector.shape_cast %swap3A_463 : vector<1x16xf32> to vector<16xf32>
        %swap3A_465 = vector.shape_cast %mul3A_460 : vector<16xf32> to vector<1x16xf32>
        tpu.vector_store %arg10[%swap3A_461, %swap3A_462], %swap3A_465 {strides = array<i32>} : memref<128x128xf32, #tpu.memory_space<vmem>>, vector<1x16xf32>,
        %get3A_466 = arith.index_cast %scan3A_429 : i32 to index
        %get3A_467 = arith.constant 48 : index
        %get3A_468 = tpu.vector_load %arg10[%get3A_466, %get3A_467] {strides = array<i32>} : memref<128x128xf32, #tpu.memory_space<vmem>>, vector<1x16xf32>,
        %get3A_469 = vector.shape_cast %get3A_468 : vector<1x16xf32> to vector<16xf32>
        %mul3A_470 = arith.constant 11.3137083 : f32
        %mul3A_471 = vector.broadcast %mul3A_470 : f32 to vector<16xf32>
        %mul3A_472 = arith.mulf %get3A_469, %mul3A_471 : vector<16xf32>
        %swap3A_473 = arith.index_cast %scan3A_429 : i32 to index
        %swap3A_474 = arith.constant 48 : index
        %swap3A_475 = tpu.vector_load %arg10[%swap3A_473, %swap3A_474] {strides = array<i32>} : memref<128x128xf32, #tpu.memory_space<vmem>>, vector<1x16xf32>,
        %swap3A_476 = vector.shape_cast %swap3A_475 : vector<1x16xf32> to vector<16xf32>
        %swap3A_477 = vector.shape_cast %mul3A_472 : vector<16xf32> to vector<1x16xf32>
        tpu.vector_store %arg10[%swap3A_473, %swap3A_474], %swap3A_477 {strides = array<i32>} : memref<128x128xf32, #tpu.memory_space<vmem>>, vector<1x16xf32>,
        %get3A_478 = arith.index_cast %scan3A_429 : i32 to index
        %get3A_479 = arith.constant 64 : index
        %get3A_480 = tpu.vector_load %arg10[%get3A_478, %get3A_479] {strides = array<i32>} : memref<128x128xf32, #tpu.memory_space<vmem>>, vector<1x16xf32>,
        %get3A_481 = vector.shape_cast %get3A_480 : vector<1x16xf32> to vector<16xf32>
        %mul3A_482 = arith.constant 11.3137083 : f32
        %mul3A_483 = vector.broadcast %mul3A_482 : f32 to vector<16xf32>
        %mul3A_484 = arith.mulf %get3A_481, %mul3A_483 : vector<16xf32>
        %swap3A_485 = arith.index_cast %scan3A_429 : i32 to index
        %swap3A_486 = arith.constant 64 : index
        %swap3A_487 = tpu.vector_load %arg10[%swap3A_485, %swap3A_486] {strides = array<i32>} : memref<128x128xf32, #tpu.memory_space<vmem>>, vector<1x16xf32>,
        %swap3A_488 = vector.shape_cast %swap3A_487 : vector<1x16xf32> to vector<16xf32>
        %swap3A_489 = vector.shape_cast %mul3A_484 : vector<16xf32> to vector<1x16xf32>
        tpu.vector_store %arg10[%swap3A_485, %swap3A_486], %swap3A_489 {strides = array<i32>} : memref<128x128xf32, #tpu.memory_space<vmem>>, vector<1x16xf32>,
        %get3A_490 = arith.index_cast %scan3A_429 : i32 to index
        %get3A_491 = arith.constant 80 : index
        %get3A_492 = tpu.vector_load %arg10[%get3A_490, %get3A_491] {strides = array<i32>} : memref<128x128xf32, #tpu.memory_space<vmem>>, vector<1x16xf32>,
        %get3A_493 = vector.shape_cast %get3A_492 : vector<1x16xf32> to vector<16xf32>
        %mul3A_494 = arith.constant 11.3137083 : f32
        %mul3A_495 = vector.broadcast %mul3A_494 : f32 to vector<16xf32>
        %mul3A_496 = arith.mulf %get3A_493, %mul3A_495 : vector<16xf32>
        %swap3A_497 = arith.index_cast %scan3A_429 : i32 to index
        %swap3A_498 = arith.constant 80 : index
        %swap3A_499 = tpu.vector_load %arg10[%swap3A_497, %swap3A_498] {strides = array<i32>} : memref<128x128xf32, #tpu.memory_space<vmem>>, vector<1x16xf32>,
        %swap3A_500 = vector.shape_cast %swap3A_499 : vector<1x16xf32> to vector<16xf32>
        %swap3A_501 = vector.shape_cast %mul3A_496 : vector<16xf32> to vector<1x16xf32>
        tpu.vector_store %arg10[%swap3A_497, %swap3A_498], %swap3A_501 {strides = array<i32>} : memref<128x128xf32, #tpu.memory_space<vmem>>, vector<1x16xf32>,
        %get3A_502 = arith.index_cast %scan3A_429 : i32 to index
        %get3A_503 = arith.constant 96 : index
        %get3A_504 = tpu.vector_load %arg10[%get3A_502, %get3A_503] {strides = array<i32>} : memref<128x128xf32, #tpu.memory_space<vmem>>, vector<1x16xf32>,
        %get3A_505 = vector.shape_cast %get3A_504 : vector<1x16xf32> to vector<16xf32>
        %mul3A_506 = arith.constant 11.3137083 : f32
        %mul3A_507 = vector.broadcast %mul3A_506 : f32 to vector<16xf32>
        %mul3A_508 = arith.mulf %get3A_505, %mul3A_507 : vector<16xf32>
        %swap3A_509 = arith.index_cast %scan3A_429 : i32 to index
        %swap3A_510 = arith.constant 96 : index
        %swap3A_511 = tpu.vector_load %arg10[%swap3A_509, %swap3A_510] {strides = array<i32>} : memref<128x128xf32, #tpu.memory_space<vmem>>, vector<1x16xf32>,
        %swap3A_512 = vector.shape_cast %swap3A_511 : vector<1x16xf32> to vector<16xf32>
        %swap3A_513 = vector.shape_cast %mul3A_508 : vector<16xf32> to vector<1x16xf32>
        tpu.vector_store %arg10[%swap3A_509, %swap3A_510], %swap3A_513 {strides = array<i32>} : memref<128x128xf32, #tpu.memory_space<vmem>>, vector<1x16xf32>,
        %get3A_514 = arith.index_cast %scan3A_429 : i32 to index
        %get3A_515 = arith.constant 112 : index
        %get3A_516 = tpu.vector_load %arg10[%get3A_514, %get3A_515] {strides = array<i32>} : memref<128x128xf32, #tpu.memory_space<vmem>>, vector<1x16xf32>,
        %get3A_517 = vector.shape_cast %get3A_516 : vector<1x16xf32> to vector<16xf32>
        %mul3A_518 = arith.constant 11.3137083 : f32
        %mul3A_519 = vector.broadcast %mul3A_518 : f32 to vector<16xf32>
        %mul3A_520 = arith.mulf %get3A_517, %mul3A_519 : vector<16xf32>
        %swap3A_521 = arith.index_cast %scan3A_429 : i32 to index
        %swap3A_522 = arith.constant 112 : index
        %swap3A_523 = tpu.vector_load %arg10[%swap3A_521, %swap3A_522] {strides = array<i32>} : memref<128x128xf32, #tpu.memory_space<vmem>>, vector<1x16xf32>,
        %swap3A_524 = vector.shape_cast %swap3A_523 : vector<1x16xf32> to vector<16xf32>
        %swap3A_525 = vector.shape_cast %mul3A_520 : vector<16xf32> to vector<1x16xf32>
        tpu.vector_store %arg10[%swap3A_521, %swap3A_522], %swap3A_525 {strides = array<i32>} : memref<128x128xf32, #tpu.memory_space<vmem>>, vector<1x16xf32>,
      }
      %scan3A_277 = arith.constant 128 : i32
      %mul3A_278 = arith.constant 128 : i32
      %mul3A_279 = arith.muli %add3A_264, %mul3A_278 : i32
      %add3A_280 = arith.addi %mul3A_2, %mul3A_279 : i32
      %dma_start3A_281 = arith.constant 0 : i32
      %dma_start3A_282 = tpu.memref_slice %arg4[%add3A_280, %dma_start3A_281] : memref<819200x128xf32, #tpu.memory_space<hbm>> -> memref<128x128xf32, #tpu.memory_space<hbm>>
      %dma_start3A_283 = arith.constant 0 : i32
      %dma_start3A_284 = tpu.memref_slice %arg4[%add3A_280, %dma_start3A_283] : memref<819200x128xf32, #tpu.memory_space<hbm>> -> memref<128x128xf32, #tpu.memory_space<hbm>>
      tpu.enqueue_dma source(%arg10 : memref<128x128xf32, #tpu.memory_space<vmem>>) target(%dma_start3A_284 : memref<128x128xf32, #tpu.memory_space<hbm>>) target_semaphore(%arg22 : memref<!tpu.dma_semaphore, #tpu.memory_space<semaphore_mem>>)
      %sub3A_285 = arith.constant 2 : i32
      %sub3A_286 = arith.subi %add3A_264, %sub3A_285 : i32
      %add3A_287 = arith.constant 6 : i32
      %add3A_288 = arith.addi %sub3A_286, %add3A_287 : i32
      %ge3A_289 = arith.constant 2 : i32
      %ge3A_290 = arith.cmpi sge, %add3A_264, %ge3A_289 : i32
      %lt3A_291 = arith.constant 200 : i32
      %lt3A_292 = arith.cmpi slt, %add3A_288, %lt3A_291 : i32
      %and3A_293 = arith.andi %ge3A_290, %lt3A_292 : i1
      %convert_element_type3A_294 = arith.extui %and3A_293 : i1 to i32
      %cond3A_295 = arith.constant 0 : i32
      %cond3A_296 = arith.cmpi ne, %convert_element_type3A_294, %cond3A_295 : i32
      scf.if %cond3A_296 {
        %dma_wait3A_333 = arith.constant 0 : i32
        %dma_wait3A_334 = tpu.memref_slice %arg4[%mul3A_2, %dma_wait3A_333] : memref<819200x128xf32, #tpu.memory_space<hbm>> -> memref<128x128xf32, #tpu.memory_space<hbm>>
        %dma_wait3A_335 = arith.constant 0 : i32
        %dma_wait3A_336 = tpu.memref_slice %arg4[%mul3A_2, %dma_wait3A_335] : memref<819200x128xf32, #tpu.memory_space<hbm>> -> memref<128x128xf32, #tpu.memory_space<hbm>>
        tpu.wait_dma2 semaphore(%arg20 : memref<!tpu.dma_semaphore, #tpu.memory_space<semaphore_mem>>) src(%arg8 : memref<128x128xf32, #tpu.memory_space<vmem>>) dst(%dma_wait3A_336 : memref<128x128xf32, #tpu.memory_space<hbm>>)
        %dma_start3A_337 = arith.constant 0 : i32
        %dma_start3A_338 = tpu.memref_slice %arg5[%add3A_288, %dma_start3A_337] : memref<200x128xi32, #tpu.memory_space<vmem>> -> memref<1x128xi32, #tpu.memory_space<vmem>>
        %dma_start3A_339 = tpu.memref_squeeze %dma_start3A_338 : memref<1x128xi32, #tpu.memory_space<vmem>> -> memref<128xi32, #tpu.memory_space<vmem>>
        %dma_start3A_340 = arith.constant 0 : i32
        %dma_start3A_341 = arith.constant 0 : i32
        %dma_start3A_342 = tpu.memref_slice %arg3[%dma_start3A_340, %dma_start3A_341] : memref<1000000x128xf32, #tpu.memory_space<hbm>> -> memref<1000000x128xf32, #tpu.memory_space<hbm>>
        tpu.enqueue_indirect_dma source(%dma_start3A_342 : memref<1000000x128xf32, #tpu.memory_space<hbm>>) target(%arg8 : memref<128x128xf32, #tpu.memory_space<vmem>>) offsets(%dma_start3A_339 : memref<128xi32, #tpu.memory_space<vmem>>) semaphore(%arg14 : memref<!tpu.dma_semaphore, #tpu.memory_space<semaphore_mem>>)
      } else {
      }
      %mul3A_297 = arith.constant 6 : i32
      %mul3A_298 = arith.muli %scan3A_119, %mul3A_297 : i32
      %add3A_299 = arith.constant 5 : i32
      %add3A_300 = arith.addi %mul3A_298, %add3A_299 : i32
      %dma_wait3A_301 = arith.constant 0 : i32
      %dma_wait3A_302 = arith.constant 0 : i32
      %dma_wait3A_303 = tpu.memref_slice %arg5[%dma_wait3A_301, %dma_wait3A_302] : memref<200x128xi32, #tpu.memory_space<vmem>> -> memref<1x128xi32, #tpu.memory_space<vmem>>
      %dma_wait3A_304 = tpu.memref_squeeze %dma_wait3A_303 : memref<1x128xi32, #tpu.memory_space<vmem>> -> memref<128xi32, #tpu.memory_space<vmem>>
      %dma_wait3A_305 = arith.constant 0 : i32
      %dma_wait3A_306 = arith.constant 0 : i32
      %dma_wait3A_307 = tpu.memref_slice %arg3[%dma_wait3A_305, %dma_wait3A_306] : memref<1000000x128xf32, #tpu.memory_space<hbm>> -> memref<1000000x128xf32, #tpu.memory_space<hbm>>
      tpu.wait_indirect_dma semaphore(%arg17 : memref<!tpu.dma_semaphore, #tpu.memory_space<semaphore_mem>>) src(%dma_wait3A_307 : memref<1000000x128xf32, #tpu.memory_space<hbm>>) dst(%arg11 : memref<128x128xf32, #tpu.memory_space<vmem>>)
      %scan3A_308 = arith.constant 0 : i32
      %scan3A_309 = arith.constant 0 : i32
      %scan3A_310 = arith.constant 128 : i32
      %scan3A_311 = arith.addi %scan3A_309, %scan3A_310 : i32
      %scan3A_312 = arith.constant 2 : i32
      scf.for %scan3A_333 = %scan3A_309 to %scan3A_311 step %scan3A_312  : i32 {
        %get3A = arith.index_cast %scan3A_333 : i32 to index
        %get3A_334 = arith.constant 0 : index
        %get3A_335 = tpu.vector_load %arg11[%get3A, %get3A_334] {strides = array<i32>} : memref<128x128xf32, #tpu.memory_space<vmem>>, vector<1x16xf32>,
        %get3A_336 = vector.shape_cast %get3A_335 : vector<1x16xf32> to vector<16xf32>
        %mul3A_337 = arith.constant 11.3137083 : f32
        %mul3A_338 = vector.broadcast %mul3A_337 : f32 to vector<16xf32>
        %mul3A_339 = arith.mulf %get3A_336, %mul3A_338 : vector<16xf32>
        %swap3A = arith.index_cast %scan3A_333 : i32 to index
        %swap3A_340 = arith.constant 0 : index
        %swap3A_341 = tpu.vector_load %arg11[%swap3A, %swap3A_340] {strides = array<i32>} : memref<128x128xf32, #tpu.memory_space<vmem>>, vector<1x16xf32>,
        %swap3A_342 = vector.shape_cast %swap3A_341 : vector<1x16xf32> to vector<16xf32>
        %swap3A_343 = vector.shape_cast %mul3A_339 : vector<16xf32> to vector<1x16xf32>
        tpu.vector_store %arg11[%swap3A, %swap3A_340], %swap3A_343 {strides = array<i32>} : memref<128x128xf32, #tpu.memory_space<vmem>>, vector<1x16xf32>,
        %get3A_344 = arith.index_cast %scan3A_333 : i32 to index
        %get3A_345 = arith.constant 16 : index
        %get3A_346 = tpu.vector_load %arg11[%get3A_344, %get3A_345] {strides = array<i32>} : memref<128x128xf32, #tpu.memory_space<vmem>>, vector<1x16xf32>,
        %get3A_347 = vector.shape_cast %get3A_346 : vector<1x16xf32> to vector<16xf32>
        %mul3A_348 = arith.constant 11.3137083 : f32
        %mul3A_349 = vector.broadcast %mul3A_348 : f32 to vector<16xf32>
        %mul3A_350 = arith.mulf %get3A_347, %mul3A_349 : vector<16xf32>
        %swap3A_351 = arith.index_cast %scan3A_333 : i32 to index
        %swap3A_352 = arith.constant 16 : index
        %swap3A_353 = tpu.vector_load %arg11[%swap3A_351, %swap3A_352] {strides = array<i32>} : memref<128x128xf32, #tpu.memory_space<vmem>>, vector<1x16xf32>,
        %swap3A_354 = vector.shape_cast %swap3A_353 : vector<1x16xf32> to vector<16xf32>
        %swap3A_355 = vector.shape_cast %mul3A_350 : vector<16xf32> to vector<1x16xf32>
        tpu.vector_store %arg11[%swap3A_351, %swap3A_352], %swap3A_355 {strides = array<i32>} : memref<128x128xf32, #tpu.memory_space<vmem>>, vector<1x16xf32>,
        %get3A_356 = arith.index_cast %scan3A_333 : i32 to index
        %get3A_357 = arith.constant 32 : index
        %get3A_358 = tpu.vector_load %arg11[%get3A_356, %get3A_357] {strides = array<i32>} : memref<128x128xf32, #tpu.memory_space<vmem>>, vector<1x16xf32>,
        %get3A_359 = vector.shape_cast %get3A_358 : vector<1x16xf32> to vector<16xf32>
        %mul3A_360 = arith.constant 11.3137083 : f32
        %mul3A_361 = vector.broadcast %mul3A_360 : f32 to vector<16xf32>
        %mul3A_362 = arith.mulf %get3A_359, %mul3A_361 : vector<16xf32>
        %swap3A_363 = arith.index_cast %scan3A_333 : i32 to index
        %swap3A_364 = arith.constant 32 : index
        %swap3A_365 = tpu.vector_load %arg11[%swap3A_363, %swap3A_364] {strides = array<i32>} : memref<128x128xf32, #tpu.memory_space<vmem>>, vector<1x16xf32>,
        %swap3A_366 = vector.shape_cast %swap3A_365 : vector<1x16xf32> to vector<16xf32>
        %swap3A_367 = vector.shape_cast %mul3A_362 : vector<16xf32> to vector<1x16xf32>
        tpu.vector_store %arg11[%swap3A_363, %swap3A_364], %swap3A_367 {strides = array<i32>} : memref<128x128xf32, #tpu.memory_space<vmem>>, vector<1x16xf32>,
        %get3A_368 = arith.index_cast %scan3A_333 : i32 to index
        %get3A_369 = arith.constant 48 : index
        %get3A_370 = tpu.vector_load %arg11[%get3A_368, %get3A_369] {strides = array<i32>} : memref<128x128xf32, #tpu.memory_space<vmem>>, vector<1x16xf32>,
        %get3A_371 = vector.shape_cast %get3A_370 : vector<1x16xf32> to vector<16xf32>
        %mul3A_372 = arith.constant 11.3137083 : f32
        %mul3A_373 = vector.broadcast %mul3A_372 : f32 to vector<16xf32>
        %mul3A_374 = arith.mulf %get3A_371, %mul3A_373 : vector<16xf32>
        %swap3A_375 = arith.index_cast %scan3A_333 : i32 to index
        %swap3A_376 = arith.constant 48 : index
        %swap3A_377 = tpu.vector_load %arg11[%swap3A_375, %swap3A_376] {strides = array<i32>} : memref<128x128xf32, #tpu.memory_space<vmem>>, vector<1x16xf32>,
        %swap3A_378 = vector.shape_cast %swap3A_377 : vector<1x16xf32> to vector<16xf32>
        %swap3A_379 = vector.shape_cast %mul3A_374 : vector<16xf32> to vector<1x16xf32>
        tpu.vector_store %arg11[%swap3A_375, %swap3A_376], %swap3A_379 {strides = array<i32>} : memref<128x128xf32, #tpu.memory_space<vmem>>, vector<1x16xf32>,
        %get3A_380 = arith.index_cast %scan3A_333 : i32 to index
        %get3A_381 = arith.constant 64 : index
        %get3A_382 = tpu.vector_load %arg11[%get3A_380, %get3A_381] {strides = array<i32>} : memref<128x128xf32, #tpu.memory_space<vmem>>, vector<1x16xf32>,
        %get3A_383 = vector.shape_cast %get3A_382 : vector<1x16xf32> to vector<16xf32>
        %mul3A_384 = arith.constant 11.3137083 : f32
        %mul3A_385 = vector.broadcast %mul3A_384 : f32 to vector<16xf32>
        %mul3A_386 = arith.mulf %get3A_383, %mul3A_385 : vector<16xf32>
        %swap3A_387 = arith.index_cast %scan3A_333 : i32 to index
        %swap3A_388 = arith.constant 64 : index
        %swap3A_389 = tpu.vector_load %arg11[%swap3A_387, %swap3A_388] {strides = array<i32>} : memref<128x128xf32, #tpu.memory_space<vmem>>, vector<1x16xf32>,
        %swap3A_390 = vector.shape_cast %swap3A_389 : vector<1x16xf32> to vector<16xf32>
        %swap3A_391 = vector.shape_cast %mul3A_386 : vector<16xf32> to vector<1x16xf32>
        tpu.vector_store %arg11[%swap3A_387, %swap3A_388], %swap3A_391 {strides = array<i32>} : memref<128x128xf32, #tpu.memory_space<vmem>>, vector<1x16xf32>,
        %get3A_392 = arith.index_cast %scan3A_333 : i32 to index
        %get3A_393 = arith.constant 80 : index
        %get3A_394 = tpu.vector_load %arg11[%get3A_392, %get3A_393] {strides = array<i32>} : memref<128x128xf32, #tpu.memory_space<vmem>>, vector<1x16xf32>,
        %get3A_395 = vector.shape_cast %get3A_394 : vector<1x16xf32> to vector<16xf32>
        %mul3A_396 = arith.constant 11.3137083 : f32
        %mul3A_397 = vector.broadcast %mul3A_396 : f32 to vector<16xf32>
        %mul3A_398 = arith.mulf %get3A_395, %mul3A_397 : vector<16xf32>
        %swap3A_399 = arith.index_cast %scan3A_333 : i32 to index
        %swap3A_400 = arith.constant 80 : index
        %swap3A_401 = tpu.vector_load %arg11[%swap3A_399, %swap3A_400] {strides = array<i32>} : memref<128x128xf32, #tpu.memory_space<vmem>>, vector<1x16xf32>,
        %swap3A_402 = vector.shape_cast %swap3A_401 : vector<1x16xf32> to vector<16xf32>
        %swap3A_403 = vector.shape_cast %mul3A_398 : vector<16xf32> to vector<1x16xf32>
        tpu.vector_store %arg11[%swap3A_399, %swap3A_400], %swap3A_403 {strides = array<i32>} : memref<128x128xf32, #tpu.memory_space<vmem>>, vector<1x16xf32>,
        %get3A_404 = arith.index_cast %scan3A_333 : i32 to index
        %get3A_405 = arith.constant 96 : index
        %get3A_406 = tpu.vector_load %arg11[%get3A_404, %get3A_405] {strides = array<i32>} : memref<128x128xf32, #tpu.memory_space<vmem>>, vector<1x16xf32>,
        %get3A_407 = vector.shape_cast %get3A_406 : vector<1x16xf32> to vector<16xf32>
        %mul3A_408 = arith.constant 11.3137083 : f32
        %mul3A_409 = vector.broadcast %mul3A_408 : f32 to vector<16xf32>
        %mul3A_410 = arith.mulf %get3A_407, %mul3A_409 : vector<16xf32>
        %swap3A_411 = arith.index_cast %scan3A_333 : i32 to index
        %swap3A_412 = arith.constant 96 : index
        %swap3A_413 = tpu.vector_load %arg11[%swap3A_411, %swap3A_412] {strides = array<i32>} : memref<128x128xf32, #tpu.memory_space<vmem>>, vector<1x16xf32>,
        %swap3A_414 = vector.shape_cast %swap3A_413 : vector<1x16xf32> to vector<16xf32>
        %swap3A_415 = vector.shape_cast %mul3A_410 : vector<16xf32> to vector<1x16xf32>
        tpu.vector_store %arg11[%swap3A_411, %swap3A_412], %swap3A_415 {strides = array<i32>} : memref<128x128xf32, #tpu.memory_space<vmem>>, vector<1x16xf32>,
        %get3A_416 = arith.index_cast %scan3A_333 : i32 to index
        %get3A_417 = arith.constant 112 : index
        %get3A_418 = tpu.vector_load %arg11[%get3A_416, %get3A_417] {strides = array<i32>} : memref<128x128xf32, #tpu.memory_space<vmem>>, vector<1x16xf32>,
        %get3A_419 = vector.shape_cast %get3A_418 : vector<1x16xf32> to vector<16xf32>
        %mul3A_420 = arith.constant 11.3137083 : f32
        %mul3A_421 = vector.broadcast %mul3A_420 : f32 to vector<16xf32>
        %mul3A_422 = arith.mulf %get3A_419, %mul3A_421 : vector<16xf32>
        %swap3A_423 = arith.index_cast %scan3A_333 : i32 to index
        %swap3A_424 = arith.constant 112 : index
        %swap3A_425 = tpu.vector_load %arg11[%swap3A_423, %swap3A_424] {strides = array<i32>} : memref<128x128xf32, #tpu.memory_space<vmem>>, vector<1x16xf32>,
        %swap3A_426 = vector.shape_cast %swap3A_425 : vector<1x16xf32> to vector<16xf32>
        %swap3A_427 = vector.shape_cast %mul3A_422 : vector<16xf32> to vector<1x16xf32>
        tpu.vector_store %arg11[%swap3A_423, %swap3A_424], %swap3A_427 {strides = array<i32>} : memref<128x128xf32, #tpu.memory_space<vmem>>, vector<1x16xf32>,
        %scan3A_428 = arith.constant 1 : i32
        %scan3A_429 = arith.addi %scan3A_333, %scan3A_428 : i32
        %get3A_430 = arith.index_cast %scan3A_429 : i32 to index
        %get3A_431 = arith.constant 0 : index
        %get3A_432 = tpu.vector_load %arg11[%get3A_430, %get3A_431] {strides = array<i32>} : memref<128x128xf32, #tpu.memory_space<vmem>>, vector<1x16xf32>,
        %get3A_433 = vector.shape_cast %get3A_432 : vector<1x16xf32> to vector<16xf32>
        %mul3A_434 = arith.constant 11.3137083 : f32
        %mul3A_435 = vector.broadcast %mul3A_434 : f32 to vector<16xf32>
        %mul3A_436 = arith.mulf %get3A_433, %mul3A_435 : vector<16xf32>
        %swap3A_437 = arith.index_cast %scan3A_429 : i32 to index
        %swap3A_438 = arith.constant 0 : index
        %swap3A_439 = tpu.vector_load %arg11[%swap3A_437, %swap3A_438] {strides = array<i32>} : memref<128x128xf32, #tpu.memory_space<vmem>>, vector<1x16xf32>,
        %swap3A_440 = vector.shape_cast %swap3A_439 : vector<1x16xf32> to vector<16xf32>
        %swap3A_441 = vector.shape_cast %mul3A_436 : vector<16xf32> to vector<1x16xf32>
        tpu.vector_store %arg11[%swap3A_437, %swap3A_438], %swap3A_441 {strides = array<i32>} : memref<128x128xf32, #tpu.memory_space<vmem>>, vector<1x16xf32>,
        %get3A_442 = arith.index_cast %scan3A_429 : i32 to index
        %get3A_443 = arith.constant 16 : index
        %get3A_444 = tpu.vector_load %arg11[%get3A_442, %get3A_443] {strides = array<i32>} : memref<128x128xf32, #tpu.memory_space<vmem>>, vector<1x16xf32>,
        %get3A_445 = vector.shape_cast %get3A_444 : vector<1x16xf32> to vector<16xf32>
        %mul3A_446 = arith.constant 11.3137083 : f32
        %mul3A_447 = vector.broadcast %mul3A_446 : f32 to vector<16xf32>
        %mul3A_448 = arith.mulf %get3A_445, %mul3A_447 : vector<16xf32>
        %swap3A_449 = arith.index_cast %scan3A_429 : i32 to index
        %swap3A_450 = arith.constant 16 : index
        %swap3A_451 = tpu.vector_load %arg11[%swap3A_449, %swap3A_450] {strides = array<i32>} : memref<128x128xf32, #tpu.memory_space<vmem>>, vector<1x16xf32>,
        %swap3A_452 = vector.shape_cast %swap3A_451 : vector<1x16xf32> to vector<16xf32>
        %swap3A_453 = vector.shape_cast %mul3A_448 : vector<16xf32> to vector<1x16xf32>
        tpu.vector_store %arg11[%swap3A_449, %swap3A_450], %swap3A_453 {strides = array<i32>} : memref<128x128xf32, #tpu.memory_space<vmem>>, vector<1x16xf32>,
        %get3A_454 = arith.index_cast %scan3A_429 : i32 to index
        %get3A_455 = arith.constant 32 : index
        %get3A_456 = tpu.vector_load %arg11[%get3A_454, %get3A_455] {strides = array<i32>} : memref<128x128xf32, #tpu.memory_space<vmem>>, vector<1x16xf32>,
        %get3A_457 = vector.shape_cast %get3A_456 : vector<1x16xf32> to vector<16xf32>
        %mul3A_458 = arith.constant 11.3137083 : f32
        %mul3A_459 = vector.broadcast %mul3A_458 : f32 to vector<16xf32>
        %mul3A_460 = arith.mulf %get3A_457, %mul3A_459 : vector<16xf32>
        %swap3A_461 = arith.index_cast %scan3A_429 : i32 to index
        %swap3A_462 = arith.constant 32 : index
        %swap3A_463 = tpu.vector_load %arg11[%swap3A_461, %swap3A_462] {strides = array<i32>} : memref<128x128xf32, #tpu.memory_space<vmem>>, vector<1x16xf32>,
        %swap3A_464 = vector.shape_cast %swap3A_463 : vector<1x16xf32> to vector<16xf32>
        %swap3A_465 = vector.shape_cast %mul3A_460 : vector<16xf32> to vector<1x16xf32>
        tpu.vector_store %arg11[%swap3A_461, %swap3A_462], %swap3A_465 {strides = array<i32>} : memref<128x128xf32, #tpu.memory_space<vmem>>, vector<1x16xf32>,
        %get3A_466 = arith.index_cast %scan3A_429 : i32 to index
        %get3A_467 = arith.constant 48 : index
        %get3A_468 = tpu.vector_load %arg11[%get3A_466, %get3A_467] {strides = array<i32>} : memref<128x128xf32, #tpu.memory_space<vmem>>, vector<1x16xf32>,
        %get3A_469 = vector.shape_cast %get3A_468 : vector<1x16xf32> to vector<16xf32>
        %mul3A_470 = arith.constant 11.3137083 : f32
        %mul3A_471 = vector.broadcast %mul3A_470 : f32 to vector<16xf32>
        %mul3A_472 = arith.mulf %get3A_469, %mul3A_471 : vector<16xf32>
        %swap3A_473 = arith.index_cast %scan3A_429 : i32 to index
        %swap3A_474 = arith.constant 48 : index
        %swap3A_475 = tpu.vector_load %arg11[%swap3A_473, %swap3A_474] {strides = array<i32>} : memref<128x128xf32, #tpu.memory_space<vmem>>, vector<1x16xf32>,
        %swap3A_476 = vector.shape_cast %swap3A_475 : vector<1x16xf32> to vector<16xf32>
        %swap3A_477 = vector.shape_cast %mul3A_472 : vector<16xf32> to vector<1x16xf32>
        tpu.vector_store %arg11[%swap3A_473, %swap3A_474], %swap3A_477 {strides = array<i32>} : memref<128x128xf32, #tpu.memory_space<vmem>>, vector<1x16xf32>,
        %get3A_478 = arith.index_cast %scan3A_429 : i32 to index
        %get3A_479 = arith.constant 64 : index
        %get3A_480 = tpu.vector_load %arg11[%get3A_478, %get3A_479] {strides = array<i32>} : memref<128x128xf32, #tpu.memory_space<vmem>>, vector<1x16xf32>,
        %get3A_481 = vector.shape_cast %get3A_480 : vector<1x16xf32> to vector<16xf32>
        %mul3A_482 = arith.constant 11.3137083 : f32
        %mul3A_483 = vector.broadcast %mul3A_482 : f32 to vector<16xf32>
        %mul3A_484 = arith.mulf %get3A_481, %mul3A_483 : vector<16xf32>
        %swap3A_485 = arith.index_cast %scan3A_429 : i32 to index
        %swap3A_486 = arith.constant 64 : index
        %swap3A_487 = tpu.vector_load %arg11[%swap3A_485, %swap3A_486] {strides = array<i32>} : memref<128x128xf32, #tpu.memory_space<vmem>>, vector<1x16xf32>,
        %swap3A_488 = vector.shape_cast %swap3A_487 : vector<1x16xf32> to vector<16xf32>
        %swap3A_489 = vector.shape_cast %mul3A_484 : vector<16xf32> to vector<1x16xf32>
        tpu.vector_store %arg11[%swap3A_485, %swap3A_486], %swap3A_489 {strides = array<i32>} : memref<128x128xf32, #tpu.memory_space<vmem>>, vector<1x16xf32>,
        %get3A_490 = arith.index_cast %scan3A_429 : i32 to index
        %get3A_491 = arith.constant 80 : index
        %get3A_492 = tpu.vector_load %arg11[%get3A_490, %get3A_491] {strides = array<i32>} : memref<128x128xf32, #tpu.memory_space<vmem>>, vector<1x16xf32>,
        %get3A_493 = vector.shape_cast %get3A_492 : vector<1x16xf32> to vector<16xf32>
        %mul3A_494 = arith.constant 11.3137083 : f32
        %mul3A_495 = vector.broadcast %mul3A_494 : f32 to vector<16xf32>
        %mul3A_496 = arith.mulf %get3A_493, %mul3A_495 : vector<16xf32>
        %swap3A_497 = arith.index_cast %scan3A_429 : i32 to index
        %swap3A_498 = arith.constant 80 : index
        %swap3A_499 = tpu.vector_load %arg11[%swap3A_497, %swap3A_498] {strides = array<i32>} : memref<128x128xf32, #tpu.memory_space<vmem>>, vector<1x16xf32>,
        %swap3A_500 = vector.shape_cast %swap3A_499 : vector<1x16xf32> to vector<16xf32>
        %swap3A_501 = vector.shape_cast %mul3A_496 : vector<16xf32> to vector<1x16xf32>
        tpu.vector_store %arg11[%swap3A_497, %swap3A_498], %swap3A_501 {strides = array<i32>} : memref<128x128xf32, #tpu.memory_space<vmem>>, vector<1x16xf32>,
        %get3A_502 = arith.index_cast %scan3A_429 : i32 to index
        %get3A_503 = arith.constant 96 : index
        %get3A_504 = tpu.vector_load %arg11[%get3A_502, %get3A_503] {strides = array<i32>} : memref<128x128xf32, #tpu.memory_space<vmem>>, vector<1x16xf32>,
        %get3A_505 = vector.shape_cast %get3A_504 : vector<1x16xf32> to vector<16xf32>
        %mul3A_506 = arith.constant 11.3137083 : f32
        %mul3A_507 = vector.broadcast %mul3A_506 : f32 to vector<16xf32>
        %mul3A_508 = arith.mulf %get3A_505, %mul3A_507 : vector<16xf32>
        %swap3A_509 = arith.index_cast %scan3A_429 : i32 to index
        %swap3A_510 = arith.constant 96 : index
        %swap3A_511 = tpu.vector_load %arg11[%swap3A_509, %swap3A_510] {strides = array<i32>} : memref<128x128xf32, #tpu.memory_space<vmem>>, vector<1x16xf32>,
        %swap3A_512 = vector.shape_cast %swap3A_511 : vector<1x16xf32> to vector<16xf32>
        %swap3A_513 = vector.shape_cast %mul3A_508 : vector<16xf32> to vector<1x16xf32>
        tpu.vector_store %arg11[%swap3A_509, %swap3A_510], %swap3A_513 {strides = array<i32>} : memref<128x128xf32, #tpu.memory_space<vmem>>, vector<1x16xf32>,
        %get3A_514 = arith.index_cast %scan3A_429 : i32 to index
        %get3A_515 = arith.constant 112 : index
        %get3A_516 = tpu.vector_load %arg11[%get3A_514, %get3A_515] {strides = array<i32>} : memref<128x128xf32, #tpu.memory_space<vmem>>, vector<1x16xf32>,
        %get3A_517 = vector.shape_cast %get3A_516 : vector<1x16xf32> to vector<16xf32>
        %mul3A_518 = arith.constant 11.3137083 : f32
        %mul3A_519 = vector.broadcast %mul3A_518 : f32 to vector<16xf32>
        %mul3A_520 = arith.mulf %get3A_517, %mul3A_519 : vector<16xf32>
        %swap3A_521 = arith.index_cast %scan3A_429 : i32 to index
        %swap3A_522 = arith.constant 112 : index
        %swap3A_523 = tpu.vector_load %arg11[%swap3A_521, %swap3A_522] {strides = array<i32>} : memref<128x128xf32, #tpu.memory_space<vmem>>, vector<1x16xf32>,
        %swap3A_524 = vector.shape_cast %swap3A_523 : vector<1x16xf32> to vector<16xf32>
        %swap3A_525 = vector.shape_cast %mul3A_520 : vector<16xf32> to vector<1x16xf32>
        tpu.vector_store %arg11[%swap3A_521, %swap3A_522], %swap3A_525 {strides = array<i32>} : memref<128x128xf32, #tpu.memory_space<vmem>>, vector<1x16xf32>,
      }
      %scan3A_313 = arith.constant 128 : i32
      %mul3A_314 = arith.constant 128 : i32
      %mul3A_315 = arith.muli %add3A_300, %mul3A_314 : i32
      %add3A_316 = arith.addi %mul3A_2, %mul3A_315 : i32
      %dma_start3A_317 = arith.constant 0 : i32
      %dma_start3A_318 = tpu.memref_slice %arg4[%add3A_316, %dma_start3A_317] : memref<819200x128xf32, #tpu.memory_space<hbm>> -> memref<128x128xf32, #tpu.memory_space<hbm>>
      %dma_start3A_319 = arith.constant 0 : i32
      %dma_start3A_320 = tpu.memref_slice %arg4[%add3A_316, %dma_start3A_319] : memref<819200x128xf32, #tpu.memory_space<hbm>> -> memref<128x128xf32, #tpu.memory_space<hbm>>
      tpu.enqueue_dma source(%arg11 : memref<128x128xf32, #tpu.memory_space<vmem>>) target(%dma_start3A_320 : memref<128x128xf32, #tpu.memory_space<hbm>>) target_semaphore(%arg23 : memref<!tpu.dma_semaphore, #tpu.memory_space<semaphore_mem>>)
      %sub3A_321 = arith.constant 2 : i32
      %sub3A_322 = arith.subi %add3A_300, %sub3A_321 : i32
      %add3A_323 = arith.constant 6 : i32
      %add3A_324 = arith.addi %sub3A_322, %add3A_323 : i32
      %ge3A_325 = arith.constant 2 : i32
      %ge3A_326 = arith.cmpi sge, %add3A_300, %ge3A_325 : i32
      %lt3A_327 = arith.constant 200 : i32
      %lt3A_328 = arith.cmpi slt, %add3A_324, %lt3A_327 : i32
      %and3A_329 = arith.andi %ge3A_326, %lt3A_328 : i1
      %convert_element_type3A_330 = arith.extui %and3A_329 : i1 to i32
      %cond3A_331 = arith.constant 0 : i32
      %cond3A_332 = arith.cmpi ne, %convert_element_type3A_330, %cond3A_331 : i32
      scf.if %cond3A_332 {
        %dma_wait3A_333 = arith.constant 0 : i32
        %dma_wait3A_334 = tpu.memref_slice %arg4[%mul3A_2, %dma_wait3A_333] : memref<819200x128xf32, #tpu.memory_space<hbm>> -> memref<128x128xf32, #tpu.memory_space<hbm>>
        %dma_wait3A_335 = arith.constant 0 : i32
        %dma_wait3A_336 = tpu.memref_slice %arg4[%mul3A_2, %dma_wait3A_335] : memref<819200x128xf32, #tpu.memory_space<hbm>> -> memref<128x128xf32, #tpu.memory_space<hbm>>
        tpu.wait_dma2 semaphore(%arg21 : memref<!tpu.dma_semaphore, #tpu.memory_space<semaphore_mem>>) src(%arg9 : memref<128x128xf32, #tpu.memory_space<vmem>>) dst(%dma_wait3A_336 : memref<128x128xf32, #tpu.memory_space<hbm>>)
        %dma_start3A_337 = arith.constant 0 : i32
        %dma_start3A_338 = tpu.memref_slice %arg5[%add3A_324, %dma_start3A_337] : memref<200x128xi32, #tpu.memory_space<vmem>> -> memref<1x128xi32, #tpu.memory_space<vmem>>
        %dma_start3A_339 = tpu.memref_squeeze %dma_start3A_338 : memref<1x128xi32, #tpu.memory_space<vmem>> -> memref<128xi32, #tpu.memory_space<vmem>>
        %dma_start3A_340 = arith.constant 0 : i32
        %dma_start3A_341 = arith.constant 0 : i32
        %dma_start3A_342 = tpu.memref_slice %arg3[%dma_start3A_340, %dma_start3A_341] : memref<1000000x128xf32, #tpu.memory_space<hbm>> -> memref<1000000x128xf32, #tpu.memory_space<hbm>>
        tpu.enqueue_indirect_dma source(%dma_start3A_342 : memref<1000000x128xf32, #tpu.memory_space<hbm>>) target(%arg9 : memref<128x128xf32, #tpu.memory_space<vmem>>) offsets(%dma_start3A_339 : memref<128xi32, #tpu.memory_space<vmem>>) semaphore(%arg15 : memref<!tpu.dma_semaphore, #tpu.memory_space<semaphore_mem>>)
      } else {
      }
    }
    %scan3A_48 = arith.constant 33 : i32
    %dma_wait3A = arith.constant 0 : i32
    %dma_wait3A_49 = arith.constant 0 : i32
    %dma_wait3A_50 = tpu.memref_slice %arg5[%dma_wait3A, %dma_wait3A_49] : memref<200x128xi32, #tpu.memory_space<vmem>> -> memref<1x128xi32, #tpu.memory_space<vmem>>
    %dma_wait3A_51 = tpu.memref_squeeze %dma_wait3A_50 : memref<1x128xi32, #tpu.memory_space<vmem>> -> memref<128xi32, #tpu.memory_space<vmem>>
    %dma_wait3A_52 = arith.constant 0 : i32
    %dma_wait3A_53 = arith.constant 0 : i32
    %dma_wait3A_54 = tpu.memref_slice %arg3[%dma_wait3A_52, %dma_wait3A_53] : memref<1000000x128xf32, #tpu.memory_space<hbm>> -> memref<1000000x128xf32, #tpu.memory_space<hbm>>
    tpu.wait_indirect_dma semaphore(%arg12 : memref<!tpu.dma_semaphore, #tpu.memory_space<semaphore_mem>>) src(%dma_wait3A_54 : memref<1000000x128xf32, #tpu.memory_space<hbm>>) dst(%arg6 : memref<128x128xf32, #tpu.memory_space<vmem>>)
    %scan3A_55 = arith.constant 0 : i32
    %scan3A_56 = arith.constant 0 : i32
    %scan3A_57 = arith.constant 128 : i32
    %scan3A_58 = arith.addi %scan3A_56, %scan3A_57 : i32
    %scan3A_59 = arith.constant 2 : i32
    scf.for %scan3A_119 = %scan3A_56 to %scan3A_58 step %scan3A_59  : i32 {
      %get3A = arith.index_cast %scan3A_119 : i32 to index
      %get3A_120 = arith.constant 0 : index
      %get3A_121 = tpu.vector_load %arg6[%get3A, %get3A_120] {strides = array<i32>} : memref<128x128xf32, #tpu.memory_space<vmem>>, vector<1x16xf32>,
      %get3A_122 = vector.shape_cast %get3A_121 : vector<1x16xf32> to vector<16xf32>
      %mul3A_123 = arith.constant 11.3137083 : f32
      %mul3A_124 = vector.broadcast %mul3A_123 : f32 to vector<16xf32>
      %mul3A_125 = arith.mulf %get3A_122, %mul3A_124 : vector<16xf32>
      %swap3A = arith.index_cast %scan3A_119 : i32 to index
      %swap3A_126 = arith.constant 0 : index
      %swap3A_127 = tpu.vector_load %arg6[%swap3A, %swap3A_126] {strides = array<i32>} : memref<128x128xf32, #tpu.memory_space<vmem>>, vector<1x16xf32>,
      %swap3A_128 = vector.shape_cast %swap3A_127 : vector<1x16xf32> to vector<16xf32>
      %swap3A_129 = vector.shape_cast %mul3A_125 : vector<16xf32> to vector<1x16xf32>
      tpu.vector_store %arg6[%swap3A, %swap3A_126], %swap3A_129 {strides = array<i32>} : memref<128x128xf32, #tpu.memory_space<vmem>>, vector<1x16xf32>,
      %get3A_130 = arith.index_cast %scan3A_119 : i32 to index
      %get3A_131 = arith.constant 16 : index
      %get3A_132 = tpu.vector_load %arg6[%get3A_130, %get3A_131] {strides = array<i32>} : memref<128x128xf32, #tpu.memory_space<vmem>>, vector<1x16xf32>,
      %get3A_133 = vector.shape_cast %get3A_132 : vector<1x16xf32> to vector<16xf32>
      %mul3A_134 = arith.constant 11.3137083 : f32
      %mul3A_135 = vector.broadcast %mul3A_134 : f32 to vector<16xf32>
      %mul3A_136 = arith.mulf %get3A_133, %mul3A_135 : vector<16xf32>
      %swap3A_137 = arith.index_cast %scan3A_119 : i32 to index
      %swap3A_138 = arith.constant 16 : index
      %swap3A_139 = tpu.vector_load %arg6[%swap3A_137, %swap3A_138] {strides = array<i32>} : memref<128x128xf32, #tpu.memory_space<vmem>>, vector<1x16xf32>,
      %swap3A_140 = vector.shape_cast %swap3A_139 : vector<1x16xf32> to vector<16xf32>
      %swap3A_141 = vector.shape_cast %mul3A_136 : vector<16xf32> to vector<1x16xf32>
      tpu.vector_store %arg6[%swap3A_137, %swap3A_138], %swap3A_141 {strides = array<i32>} : memref<128x128xf32, #tpu.memory_space<vmem>>, vector<1x16xf32>,
      %get3A_142 = arith.index_cast %scan3A_119 : i32 to index
      %get3A_143 = arith.constant 32 : index
      %get3A_144 = tpu.vector_load %arg6[%get3A_142, %get3A_143] {strides = array<i32>} : memref<128x128xf32, #tpu.memory_space<vmem>>, vector<1x16xf32>,
      %get3A_145 = vector.shape_cast %get3A_144 : vector<1x16xf32> to vector<16xf32>
      %mul3A_146 = arith.constant 11.3137083 : f32
      %mul3A_147 = vector.broadcast %mul3A_146 : f32 to vector<16xf32>
      %mul3A_148 = arith.mulf %get3A_145, %mul3A_147 : vector<16xf32>
      %swap3A_149 = arith.index_cast %scan3A_119 : i32 to index
      %swap3A_150 = arith.constant 32 : index
      %swap3A_151 = tpu.vector_load %arg6[%swap3A_149, %swap3A_150] {strides = array<i32>} : memref<128x128xf32, #tpu.memory_space<vmem>>, vector<1x16xf32>,
      %swap3A_152 = vector.shape_cast %swap3A_151 : vector<1x16xf32> to vector<16xf32>
      %swap3A_153 = vector.shape_cast %mul3A_148 : vector<16xf32> to vector<1x16xf32>
      tpu.vector_store %arg6[%swap3A_149, %swap3A_150], %swap3A_153 {strides = array<i32>} : memref<128x128xf32, #tpu.memory_space<vmem>>, vector<1x16xf32>,
      %get3A_154 = arith.index_cast %scan3A_119 : i32 to index
      %get3A_155 = arith.constant 48 : index
      %get3A_156 = tpu.vector_load %arg6[%get3A_154, %get3A_155] {strides = array<i32>} : memref<128x128xf32, #tpu.memory_space<vmem>>, vector<1x16xf32>,
      %get3A_157 = vector.shape_cast %get3A_156 : vector<1x16xf32> to vector<16xf32>
      %mul3A_158 = arith.constant 11.3137083 : f32
      %mul3A_159 = vector.broadcast %mul3A_158 : f32 to vector<16xf32>
      %mul3A_160 = arith.mulf %get3A_157, %mul3A_159 : vector<16xf32>
      %swap3A_161 = arith.index_cast %scan3A_119 : i32 to index
      %swap3A_162 = arith.constant 48 : index
      %swap3A_163 = tpu.vector_load %arg6[%swap3A_161, %swap3A_162] {strides = array<i32>} : memref<128x128xf32, #tpu.memory_space<vmem>>, vector<1x16xf32>,
      %swap3A_164 = vector.shape_cast %swap3A_163 : vector<1x16xf32> to vector<16xf32>
      %swap3A_165 = vector.shape_cast %mul3A_160 : vector<16xf32> to vector<1x16xf32>
      tpu.vector_store %arg6[%swap3A_161, %swap3A_162], %swap3A_165 {strides = array<i32>} : memref<128x128xf32, #tpu.memory_space<vmem>>, vector<1x16xf32>,
      %get3A_166 = arith.index_cast %scan3A_119 : i32 to index
      %get3A_167 = arith.constant 64 : index
      %get3A_168 = tpu.vector_load %arg6[%get3A_166, %get3A_167] {strides = array<i32>} : memref<128x128xf32, #tpu.memory_space<vmem>>, vector<1x16xf32>,
      %get3A_169 = vector.shape_cast %get3A_168 : vector<1x16xf32> to vector<16xf32>
      %mul3A_170 = arith.constant 11.3137083 : f32
      %mul3A_171 = vector.broadcast %mul3A_170 : f32 to vector<16xf32>
      %mul3A_172 = arith.mulf %get3A_169, %mul3A_171 : vector<16xf32>
      %swap3A_173 = arith.index_cast %scan3A_119 : i32 to index
      %swap3A_174 = arith.constant 64 : index
      %swap3A_175 = tpu.vector_load %arg6[%swap3A_173, %swap3A_174] {strides = array<i32>} : memref<128x128xf32, #tpu.memory_space<vmem>>, vector<1x16xf32>,
      %swap3A_176 = vector.shape_cast %swap3A_175 : vector<1x16xf32> to vector<16xf32>
      %swap3A_177 = vector.shape_cast %mul3A_172 : vector<16xf32> to vector<1x16xf32>
      tpu.vector_store %arg6[%swap3A_173, %swap3A_174], %swap3A_177 {strides = array<i32>} : memref<128x128xf32, #tpu.memory_space<vmem>>, vector<1x16xf32>,
      %get3A_178 = arith.index_cast %scan3A_119 : i32 to index
      %get3A_179 = arith.constant 80 : index
      %get3A_180 = tpu.vector_load %arg6[%get3A_178, %get3A_179] {strides = array<i32>} : memref<128x128xf32, #tpu.memory_space<vmem>>, vector<1x16xf32>,
      %get3A_181 = vector.shape_cast %get3A_180 : vector<1x16xf32> to vector<16xf32>
      %mul3A_182 = arith.constant 11.3137083 : f32
      %mul3A_183 = vector.broadcast %mul3A_182 : f32 to vector<16xf32>
      %mul3A_184 = arith.mulf %get3A_181, %mul3A_183 : vector<16xf32>
      %swap3A_185 = arith.index_cast %scan3A_119 : i32 to index
      %swap3A_186 = arith.constant 80 : index
      %swap3A_187 = tpu.vector_load %arg6[%swap3A_185, %swap3A_186] {strides = array<i32>} : memref<128x128xf32, #tpu.memory_space<vmem>>, vector<1x16xf32>,
      %swap3A_188 = vector.shape_cast %swap3A_187 : vector<1x16xf32> to vector<16xf32>
      %swap3A_189 = vector.shape_cast %mul3A_184 : vector<16xf32> to vector<1x16xf32>
      tpu.vector_store %arg6[%swap3A_185, %swap3A_186], %swap3A_189 {strides = array<i32>} : memref<128x128xf32, #tpu.memory_space<vmem>>, vector<1x16xf32>,
      %get3A_190 = arith.index_cast %scan3A_119 : i32 to index
      %get3A_191 = arith.constant 96 : index
      %get3A_192 = tpu.vector_load %arg6[%get3A_190, %get3A_191] {strides = array<i32>} : memref<128x128xf32, #tpu.memory_space<vmem>>, vector<1x16xf32>,
      %get3A_193 = vector.shape_cast %get3A_192 : vector<1x16xf32> to vector<16xf32>
      %mul3A_194 = arith.constant 11.3137083 : f32
      %mul3A_195 = vector.broadcast %mul3A_194 : f32 to vector<16xf32>
      %mul3A_196 = arith.mulf %get3A_193, %mul3A_195 : vector<16xf32>
      %swap3A_197 = arith.index_cast %scan3A_119 : i32 to index
      %swap3A_198 = arith.constant 96 : index
      %swap3A_199 = tpu.vector_load %arg6[%swap3A_197, %swap3A_198] {strides = array<i32>} : memref<128x128xf32, #tpu.memory_space<vmem>>, vector<1x16xf32>,
      %swap3A_200 = vector.shape_cast %swap3A_199 : vector<1x16xf32> to vector<16xf32>
      %swap3A_201 = vector.shape_cast %mul3A_196 : vector<16xf32> to vector<1x16xf32>
      tpu.vector_store %arg6[%swap3A_197, %swap3A_198], %swap3A_201 {strides = array<i32>} : memref<128x128xf32, #tpu.memory_space<vmem>>, vector<1x16xf32>,
      %get3A_202 = arith.index_cast %scan3A_119 : i32 to index
      %get3A_203 = arith.constant 112 : index
      %get3A_204 = tpu.vector_load %arg6[%get3A_202, %get3A_203] {strides = array<i32>} : memref<128x128xf32, #tpu.memory_space<vmem>>, vector<1x16xf32>,
      %get3A_205 = vector.shape_cast %get3A_204 : vector<1x16xf32> to vector<16xf32>
      %mul3A_206 = arith.constant 11.3137083 : f32
      %mul3A_207 = vector.broadcast %mul3A_206 : f32 to vector<16xf32>
      %mul3A_208 = arith.mulf %get3A_205, %mul3A_207 : vector<16xf32>
      %swap3A_209 = arith.index_cast %scan3A_119 : i32 to index
      %swap3A_210 = arith.constant 112 : index
      %swap3A_211 = tpu.vector_load %arg6[%swap3A_209, %swap3A_210] {strides = array<i32>} : memref<128x128xf32, #tpu.memory_space<vmem>>, vector<1x16xf32>,
      %swap3A_212 = vector.shape_cast %swap3A_211 : vector<1x16xf32> to vector<16xf32>
      %swap3A_213 = vector.shape_cast %mul3A_208 : vector<16xf32> to vector<1x16xf32>
      tpu.vector_store %arg6[%swap3A_209, %swap3A_210], %swap3A_213 {strides = array<i32>} : memref<128x128xf32, #tpu.memory_space<vmem>>, vector<1x16xf32>,
      %scan3A_214 = arith.constant 1 : i32
      %scan3A_215 = arith.addi %scan3A_119, %scan3A_214 : i32
      %get3A_216 = arith.index_cast %scan3A_215 : i32 to index
      %get3A_217 = arith.constant 0 : index
      %get3A_218 = tpu.vector_load %arg6[%get3A_216, %get3A_217] {strides = array<i32>} : memref<128x128xf32, #tpu.memory_space<vmem>>, vector<1x16xf32>,
      %get3A_219 = vector.shape_cast %get3A_218 : vector<1x16xf32> to vector<16xf32>
      %mul3A_220 = arith.constant 11.3137083 : f32
      %mul3A_221 = vector.broadcast %mul3A_220 : f32 to vector<16xf32>
      %mul3A_222 = arith.mulf %get3A_219, %mul3A_221 : vector<16xf32>
      %swap3A_223 = arith.index_cast %scan3A_215 : i32 to index
      %swap3A_224 = arith.constant 0 : index
      %swap3A_225 = tpu.vector_load %arg6[%swap3A_223, %swap3A_224] {strides = array<i32>} : memref<128x128xf32, #tpu.memory_space<vmem>>, vector<1x16xf32>,
      %swap3A_226 = vector.shape_cast %swap3A_225 : vector<1x16xf32> to vector<16xf32>
      %swap3A_227 = vector.shape_cast %mul3A_222 : vector<16xf32> to vector<1x16xf32>
      tpu.vector_store %arg6[%swap3A_223, %swap3A_224], %swap3A_227 {strides = array<i32>} : memref<128x128xf32, #tpu.memory_space<vmem>>, vector<1x16xf32>,
      %get3A_228 = arith.index_cast %scan3A_215 : i32 to index
      %get3A_229 = arith.constant 16 : index
      %get3A_230 = tpu.vector_load %arg6[%get3A_228, %get3A_229] {strides = array<i32>} : memref<128x128xf32, #tpu.memory_space<vmem>>, vector<1x16xf32>,
      %get3A_231 = vector.shape_cast %get3A_230 : vector<1x16xf32> to vector<16xf32>
      %mul3A_232 = arith.constant 11.3137083 : f32
      %mul3A_233 = vector.broadcast %mul3A_232 : f32 to vector<16xf32>
      %mul3A_234 = arith.mulf %get3A_231, %mul3A_233 : vector<16xf32>
      %swap3A_235 = arith.index_cast %scan3A_215 : i32 to index
      %swap3A_236 = arith.constant 16 : index
      %swap3A_237 = tpu.vector_load %arg6[%swap3A_235, %swap3A_236] {strides = array<i32>} : memref<128x128xf32, #tpu.memory_space<vmem>>, vector<1x16xf32>,
      %swap3A_238 = vector.shape_cast %swap3A_237 : vector<1x16xf32> to vector<16xf32>
      %swap3A_239 = vector.shape_cast %mul3A_234 : vector<16xf32> to vector<1x16xf32>
      tpu.vector_store %arg6[%swap3A_235, %swap3A_236], %swap3A_239 {strides = array<i32>} : memref<128x128xf32, #tpu.memory_space<vmem>>, vector<1x16xf32>,
      %get3A_240 = arith.index_cast %scan3A_215 : i32 to index
      %get3A_241 = arith.constant 32 : index
      %get3A_242 = tpu.vector_load %arg6[%get3A_240, %get3A_241] {strides = array<i32>} : memref<128x128xf32, #tpu.memory_space<vmem>>, vector<1x16xf32>,
      %get3A_243 = vector.shape_cast %get3A_242 : vector<1x16xf32> to vector<16xf32>
      %mul3A_244 = arith.constant 11.3137083 : f32
      %mul3A_245 = vector.broadcast %mul3A_244 : f32 to vector<16xf32>
      %mul3A_246 = arith.mulf %get3A_243, %mul3A_245 : vector<16xf32>
      %swap3A_247 = arith.index_cast %scan3A_215 : i32 to index
      %swap3A_248 = arith.constant 32 : index
      %swap3A_249 = tpu.vector_load %arg6[%swap3A_247, %swap3A_248] {strides = array<i32>} : memref<128x128xf32, #tpu.memory_space<vmem>>, vector<1x16xf32>,
      %swap3A_250 = vector.shape_cast %swap3A_249 : vector<1x16xf32> to vector<16xf32>
      %swap3A_251 = vector.shape_cast %mul3A_246 : vector<16xf32> to vector<1x16xf32>
      tpu.vector_store %arg6[%swap3A_247, %swap3A_248], %swap3A_251 {strides = array<i32>} : memref<128x128xf32, #tpu.memory_space<vmem>>, vector<1x16xf32>,
      %get3A_252 = arith.index_cast %scan3A_215 : i32 to index
      %get3A_253 = arith.constant 48 : index
      %get3A_254 = tpu.vector_load %arg6[%get3A_252, %get3A_253] {strides = array<i32>} : memref<128x128xf32, #tpu.memory_space<vmem>>, vector<1x16xf32>,
      %get3A_255 = vector.shape_cast %get3A_254 : vector<1x16xf32> to vector<16xf32>
      %mul3A_256 = arith.constant 11.3137083 : f32
      %mul3A_257 = vector.broadcast %mul3A_256 : f32 to vector<16xf32>
      %mul3A_258 = arith.mulf %get3A_255, %mul3A_257 : vector<16xf32>
      %swap3A_259 = arith.index_cast %scan3A_215 : i32 to index
      %swap3A_260 = arith.constant 48 : index
      %swap3A_261 = tpu.vector_load %arg6[%swap3A_259, %swap3A_260] {strides = array<i32>} : memref<128x128xf32, #tpu.memory_space<vmem>>, vector<1x16xf32>,
      %swap3A_262 = vector.shape_cast %swap3A_261 : vector<1x16xf32> to vector<16xf32>
      %swap3A_263 = vector.shape_cast %mul3A_258 : vector<16xf32> to vector<1x16xf32>
      tpu.vector_store %arg6[%swap3A_259, %swap3A_260], %swap3A_263 {strides = array<i32>} : memref<128x128xf32, #tpu.memory_space<vmem>>, vector<1x16xf32>,
      %get3A_264 = arith.index_cast %scan3A_215 : i32 to index
      %get3A_265 = arith.constant 64 : index
      %get3A_266 = tpu.vector_load %arg6[%get3A_264, %get3A_265] {strides = array<i32>} : memref<128x128xf32, #tpu.memory_space<vmem>>, vector<1x16xf32>,
      %get3A_267 = vector.shape_cast %get3A_266 : vector<1x16xf32> to vector<16xf32>
      %mul3A_268 = arith.constant 11.3137083 : f32
      %mul3A_269 = vector.broadcast %mul3A_268 : f32 to vector<16xf32>
      %mul3A_270 = arith.mulf %get3A_267, %mul3A_269 : vector<16xf32>
      %swap3A_271 = arith.index_cast %scan3A_215 : i32 to index
      %swap3A_272 = arith.constant 64 : index
      %swap3A_273 = tpu.vector_load %arg6[%swap3A_271, %swap3A_272] {strides = array<i32>} : memref<128x128xf32, #tpu.memory_space<vmem>>, vector<1x16xf32>,
      %swap3A_274 = vector.shape_cast %swap3A_273 : vector<1x16xf32> to vector<16xf32>
      %swap3A_275 = vector.shape_cast %mul3A_270 : vector<16xf32> to vector<1x16xf32>
      tpu.vector_store %arg6[%swap3A_271, %swap3A_272], %swap3A_275 {strides = array<i32>} : memref<128x128xf32, #tpu.memory_space<vmem>>, vector<1x16xf32>,
      %get3A_276 = arith.index_cast %scan3A_215 : i32 to index
      %get3A_277 = arith.constant 80 : index
      %get3A_278 = tpu.vector_load %arg6[%get3A_276, %get3A_277] {strides = array<i32>} : memref<128x128xf32, #tpu.memory_space<vmem>>, vector<1x16xf32>,
      %get3A_279 = vector.shape_cast %get3A_278 : vector<1x16xf32> to vector<16xf32>
      %mul3A_280 = arith.constant 11.3137083 : f32
      %mul3A_281 = vector.broadcast %mul3A_280 : f32 to vector<16xf32>
      %mul3A_282 = arith.mulf %get3A_279, %mul3A_281 : vector<16xf32>
      %swap3A_283 = arith.index_cast %scan3A_215 : i32 to index
      %swap3A_284 = arith.constant 80 : index
      %swap3A_285 = tpu.vector_load %arg6[%swap3A_283, %swap3A_284] {strides = array<i32>} : memref<128x128xf32, #tpu.memory_space<vmem>>, vector<1x16xf32>,
      %swap3A_286 = vector.shape_cast %swap3A_285 : vector<1x16xf32> to vector<16xf32>
      %swap3A_287 = vector.shape_cast %mul3A_282 : vector<16xf32> to vector<1x16xf32>
      tpu.vector_store %arg6[%swap3A_283, %swap3A_284], %swap3A_287 {strides = array<i32>} : memref<128x128xf32, #tpu.memory_space<vmem>>, vector<1x16xf32>,
      %get3A_288 = arith.index_cast %scan3A_215 : i32 to index
      %get3A_289 = arith.constant 96 : index
      %get3A_290 = tpu.vector_load %arg6[%get3A_288, %get3A_289] {strides = array<i32>} : memref<128x128xf32, #tpu.memory_space<vmem>>, vector<1x16xf32>,
      %get3A_291 = vector.shape_cast %get3A_290 : vector<1x16xf32> to vector<16xf32>
      %mul3A_292 = arith.constant 11.3137083 : f32
      %mul3A_293 = vector.broadcast %mul3A_292 : f32 to vector<16xf32>
      %mul3A_294 = arith.mulf %get3A_291, %mul3A_293 : vector<16xf32>
      %swap3A_295 = arith.index_cast %scan3A_215 : i32 to index
      %swap3A_296 = arith.constant 96 : index
      %swap3A_297 = tpu.vector_load %arg6[%swap3A_295, %swap3A_296] {strides = array<i32>} : memref<128x128xf32, #tpu.memory_space<vmem>>, vector<1x16xf32>,
      %swap3A_298 = vector.shape_cast %swap3A_297 : vector<1x16xf32> to vector<16xf32>
      %swap3A_299 = vector.shape_cast %mul3A_294 : vector<16xf32> to vector<1x16xf32>
      tpu.vector_store %arg6[%swap3A_295, %swap3A_296], %swap3A_299 {strides = array<i32>} : memref<128x128xf32, #tpu.memory_space<vmem>>, vector<1x16xf32>,
      %get3A_300 = arith.index_cast %scan3A_215 : i32 to index
      %get3A_301 = arith.constant 112 : index
      %get3A_302 = tpu.vector_load %arg6[%get3A_300, %get3A_301] {strides = array<i32>} : memref<128x128xf32, #tpu.memory_space<vmem>>, vector<1x16xf32>,
      %get3A_303 = vector.shape_cast %get3A_302 : vector<1x16xf32> to vector<16xf32>
      %mul3A_304 = arith.constant 11.3137083 : f32
      %mul3A_305 = vector.broadcast %mul3A_304 : f32 to vector<16xf32>
      %mul3A_306 = arith.mulf %get3A_303, %mul3A_305 : vector<16xf32>
      %swap3A_307 = arith.index_cast %scan3A_215 : i32 to index
      %swap3A_308 = arith.constant 112 : index
      %swap3A_309 = tpu.vector_load %arg6[%swap3A_307, %swap3A_308] {strides = array<i32>} : memref<128x128xf32, #tpu.memory_space<vmem>>, vector<1x16xf32>,
      %swap3A_310 = vector.shape_cast %swap3A_309 : vector<1x16xf32> to vector<16xf32>
      %swap3A_311 = vector.shape_cast %mul3A_306 : vector<16xf32> to vector<1x16xf32>
      tpu.vector_store %arg6[%swap3A_307, %swap3A_308], %swap3A_311 {strides = array<i32>} : memref<128x128xf32, #tpu.memory_space<vmem>>, vector<1x16xf32>,
    }
    %scan3A_60 = arith.constant 128 : i32
    %add3A_61 = arith.constant 25344 : i32
    %add3A_62 = arith.addi %mul3A_2, %add3A_61 : i32
    %dma_start3A_63 = arith.constant 0 : i32
    %dma_start3A_64 = tpu.memref_slice %arg4[%add3A_62, %dma_start3A_63] : memref<819200x128xf32, #tpu.memory_space<hbm>> -> memref<128x128xf32, #tpu.memory_space<hbm>>
    %dma_start3A_65 = arith.constant 0 : i32
    %dma_start3A_66 = tpu.memref_slice %arg4[%add3A_62, %dma_start3A_65] : memref<819200x128xf32, #tpu.memory_space<hbm>> -> memref<128x128xf32, #tpu.memory_space<hbm>>
    tpu.enqueue_dma source(%arg6 : memref<128x128xf32, #tpu.memory_space<vmem>>) target(%dma_start3A_66 : memref<128x128xf32, #tpu.memory_space<hbm>>) target_semaphore(%arg18 : memref<!tpu.dma_semaphore, #tpu.memory_space<semaphore_mem>>)
    %and3A = arith.constant true
    %and3A_67 = arith.constant false
    %and3A_68 = arith.andi %and3A, %and3A_67 : i1
    %convert_element_type3A = arith.extui %and3A_68 : i1 to i32
    %cond3A = arith.constant 0 : i32
    %cond3A_69 = arith.cmpi ne, %convert_element_type3A, %cond3A : i32
    scf.if %cond3A_69 {
      %dma_wait3A_119 = arith.constant 0 : i32
      %dma_wait3A_120 = tpu.memref_slice %arg4[%mul3A_2, %dma_wait3A_119] : memref<819200x128xf32, #tpu.memory_space<hbm>> -> memref<128x128xf32, #tpu.memory_space<hbm>>
      %dma_wait3A_121 = arith.constant 0 : i32
      %dma_wait3A_122 = tpu.memref_slice %arg4[%mul3A_2, %dma_wait3A_121] : memref<819200x128xf32, #tpu.memory_space<hbm>> -> memref<128x128xf32, #tpu.memory_space<hbm>>
      tpu.wait_dma2 semaphore(%arg22 : memref<!tpu.dma_semaphore, #tpu.memory_space<semaphore_mem>>) src(%arg10 : memref<128x128xf32, #tpu.memory_space<vmem>>) dst(%dma_wait3A_122 : memref<128x128xf32, #tpu.memory_space<hbm>>)
      %dma_start3A_123 = arith.constant 202 : i32
      %dma_start3A_124 = arith.constant 0 : i32
      %dma_start3A_125 = tpu.memref_slice %arg5[%dma_start3A_123, %dma_start3A_124] : memref<200x128xi32, #tpu.memory_space<vmem>> -> memref<1x128xi32, #tpu.memory_space<vmem>>
      %dma_start3A_126 = tpu.memref_squeeze %dma_start3A_125 : memref<1x128xi32, #tpu.memory_space<vmem>> -> memref<128xi32, #tpu.memory_space<vmem>>
      %dma_start3A_127 = arith.constant 0 : i32
      %dma_start3A_128 = arith.constant 0 : i32
      %dma_start3A_129 = tpu.memref_slice %arg3[%dma_start3A_127, %dma_start3A_128] : memref<1000000x128xf32, #tpu.memory_space<hbm>> -> memref<1000000x128xf32, #tpu.memory_space<hbm>>
      tpu.enqueue_indirect_dma source(%dma_start3A_129 : memref<1000000x128xf32, #tpu.memory_space<hbm>>) target(%arg10 : memref<128x128xf32, #tpu.memory_space<vmem>>) offsets(%dma_start3A_126 : memref<128xi32, #tpu.memory_space<vmem>>) semaphore(%arg16 : memref<!tpu.dma_semaphore, #tpu.memory_space<semaphore_mem>>)
    } else {
    }
    %dma_wait3A_70 = arith.constant 0 : i32
    %dma_wait3A_71 = arith.constant 0 : i32
    %dma_wait3A_72 = tpu.memref_slice %arg5[%dma_wait3A_70, %dma_wait3A_71] : memref<200x128xi32, #tpu.memory_space<vmem>> -> memref<1x128xi32, #tpu.memory_space<vmem>>
    %dma_wait3A_73 = tpu.memref_squeeze %dma_wait3A_72 : memref<1x128xi32, #tpu.memory_space<vmem>> -> memref<128xi32, #tpu.memory_space<vmem>>
    %dma_wait3A_74 = arith.constant 0 : i32
    %dma_wait3A_75 = arith.constant 0 : i32
    %dma_wait3A_76 = tpu.memref_slice %arg3[%dma_wait3A_74, %dma_wait3A_75] : memref<1000000x128xf32, #tpu.memory_space<hbm>> -> memref<1000000x128xf32, #tpu.memory_space<hbm>>
    tpu.wait_indirect_dma semaphore(%arg13 : memref<!tpu.dma_semaphore, #tpu.memory_space<semaphore_mem>>) src(%dma_wait3A_76 : memref<1000000x128xf32, #tpu.memory_space<hbm>>) dst(%arg7 : memref<128x128xf32, #tpu.memory_space<vmem>>)
    %scan3A_77 = arith.constant 0 : i32
    %scan3A_78 = arith.constant 0 : i32
    %scan3A_79 = arith.constant 128 : i32
    %scan3A_80 = arith.addi %scan3A_78, %scan3A_79 : i32
    %scan3A_81 = arith.constant 2 : i32
    scf.for %scan3A_119 = %scan3A_78 to %scan3A_80 step %scan3A_81  : i32 {
      %get3A = arith.index_cast %scan3A_119 : i32 to index
      %get3A_120 = arith.constant 0 : index
      %get3A_121 = tpu.vector_load %arg7[%get3A, %get3A_120] {strides = array<i32>} : memref<128x128xf32, #tpu.memory_space<vmem>>, vector<1x16xf32>,
      %get3A_122 = vector.shape_cast %get3A_121 : vector<1x16xf32> to vector<16xf32>
      %mul3A_123 = arith.constant 11.3137083 : f32
      %mul3A_124 = vector.broadcast %mul3A_123 : f32 to vector<16xf32>
      %mul3A_125 = arith.mulf %get3A_122, %mul3A_124 : vector<16xf32>
      %swap3A = arith.index_cast %scan3A_119 : i32 to index
      %swap3A_126 = arith.constant 0 : index
      %swap3A_127 = tpu.vector_load %arg7[%swap3A, %swap3A_126] {strides = array<i32>} : memref<128x128xf32, #tpu.memory_space<vmem>>, vector<1x16xf32>,
      %swap3A_128 = vector.shape_cast %swap3A_127 : vector<1x16xf32> to vector<16xf32>
      %swap3A_129 = vector.shape_cast %mul3A_125 : vector<16xf32> to vector<1x16xf32>
      tpu.vector_store %arg7[%swap3A, %swap3A_126], %swap3A_129 {strides = array<i32>} : memref<128x128xf32, #tpu.memory_space<vmem>>, vector<1x16xf32>,
      %get3A_130 = arith.index_cast %scan3A_119 : i32 to index
      %get3A_131 = arith.constant 16 : index
      %get3A_132 = tpu.vector_load %arg7[%get3A_130, %get3A_131] {strides = array<i32>} : memref<128x128xf32, #tpu.memory_space<vmem>>, vector<1x16xf32>,
      %get3A_133 = vector.shape_cast %get3A_132 : vector<1x16xf32> to vector<16xf32>
      %mul3A_134 = arith.constant 11.3137083 : f32
      %mul3A_135 = vector.broadcast %mul3A_134 : f32 to vector<16xf32>
      %mul3A_136 = arith.mulf %get3A_133, %mul3A_135 : vector<16xf32>
      %swap3A_137 = arith.index_cast %scan3A_119 : i32 to index
      %swap3A_138 = arith.constant 16 : index
      %swap3A_139 = tpu.vector_load %arg7[%swap3A_137, %swap3A_138] {strides = array<i32>} : memref<128x128xf32, #tpu.memory_space<vmem>>, vector<1x16xf32>,
      %swap3A_140 = vector.shape_cast %swap3A_139 : vector<1x16xf32> to vector<16xf32>
      %swap3A_141 = vector.shape_cast %mul3A_136 : vector<16xf32> to vector<1x16xf32>
      tpu.vector_store %arg7[%swap3A_137, %swap3A_138], %swap3A_141 {strides = array<i32>} : memref<128x128xf32, #tpu.memory_space<vmem>>, vector<1x16xf32>,
      %get3A_142 = arith.index_cast %scan3A_119 : i32 to index
      %get3A_143 = arith.constant 32 : index
      %get3A_144 = tpu.vector_load %arg7[%get3A_142, %get3A_143] {strides = array<i32>} : memref<128x128xf32, #tpu.memory_space<vmem>>, vector<1x16xf32>,
      %get3A_145 = vector.shape_cast %get3A_144 : vector<1x16xf32> to vector<16xf32>
      %mul3A_146 = arith.constant 11.3137083 : f32
      %mul3A_147 = vector.broadcast %mul3A_146 : f32 to vector<16xf32>
      %mul3A_148 = arith.mulf %get3A_145, %mul3A_147 : vector<16xf32>
      %swap3A_149 = arith.index_cast %scan3A_119 : i32 to index
      %swap3A_150 = arith.constant 32 : index
      %swap3A_151 = tpu.vector_load %arg7[%swap3A_149, %swap3A_150] {strides = array<i32>} : memref<128x128xf32, #tpu.memory_space<vmem>>, vector<1x16xf32>,
      %swap3A_152 = vector.shape_cast %swap3A_151 : vector<1x16xf32> to vector<16xf32>
      %swap3A_153 = vector.shape_cast %mul3A_148 : vector<16xf32> to vector<1x16xf32>
      tpu.vector_store %arg7[%swap3A_149, %swap3A_150], %swap3A_153 {strides = array<i32>} : memref<128x128xf32, #tpu.memory_space<vmem>>, vector<1x16xf32>,
      %get3A_154 = arith.index_cast %scan3A_119 : i32 to index
      %get3A_155 = arith.constant 48 : index
      %get3A_156 = tpu.vector_load %arg7[%get3A_154, %get3A_155] {strides = array<i32>} : memref<128x128xf32, #tpu.memory_space<vmem>>, vector<1x16xf32>,
      %get3A_157 = vector.shape_cast %get3A_156 : vector<1x16xf32> to vector<16xf32>
      %mul3A_158 = arith.constant 11.3137083 : f32
      %mul3A_159 = vector.broadcast %mul3A_158 : f32 to vector<16xf32>
      %mul3A_160 = arith.mulf %get3A_157, %mul3A_159 : vector<16xf32>
      %swap3A_161 = arith.index_cast %scan3A_119 : i32 to index
      %swap3A_162 = arith.constant 48 : index
      %swap3A_163 = tpu.vector_load %arg7[%swap3A_161, %swap3A_162] {strides = array<i32>} : memref<128x128xf32, #tpu.memory_space<vmem>>, vector<1x16xf32>,
      %swap3A_164 = vector.shape_cast %swap3A_163 : vector<1x16xf32> to vector<16xf32>
      %swap3A_165 = vector.shape_cast %mul3A_160 : vector<16xf32> to vector<1x16xf32>
      tpu.vector_store %arg7[%swap3A_161, %swap3A_162], %swap3A_165 {strides = array<i32>} : memref<128x128xf32, #tpu.memory_space<vmem>>, vector<1x16xf32>,
      %get3A_166 = arith.index_cast %scan3A_119 : i32 to index
      %get3A_167 = arith.constant 64 : index
      %get3A_168 = tpu.vector_load %arg7[%get3A_166, %get3A_167] {strides = array<i32>} : memref<128x128xf32, #tpu.memory_space<vmem>>, vector<1x16xf32>,
      %get3A_169 = vector.shape_cast %get3A_168 : vector<1x16xf32> to vector<16xf32>
      %mul3A_170 = arith.constant 11.3137083 : f32
      %mul3A_171 = vector.broadcast %mul3A_170 : f32 to vector<16xf32>
      %mul3A_172 = arith.mulf %get3A_169, %mul3A_171 : vector<16xf32>
      %swap3A_173 = arith.index_cast %scan3A_119 : i32 to index
      %swap3A_174 = arith.constant 64 : index
      %swap3A_175 = tpu.vector_load %arg7[%swap3A_173, %swap3A_174] {strides = array<i32>} : memref<128x128xf32, #tpu.memory_space<vmem>>, vector<1x16xf32>,
      %swap3A_176 = vector.shape_cast %swap3A_175 : vector<1x16xf32> to vector<16xf32>
      %swap3A_177 = vector.shape_cast %mul3A_172 : vector<16xf32> to vector<1x16xf32>
      tpu.vector_store %arg7[%swap3A_173, %swap3A_174], %swap3A_177 {strides = array<i32>} : memref<128x128xf32, #tpu.memory_space<vmem>>, vector<1x16xf32>,
      %get3A_178 = arith.index_cast %scan3A_119 : i32 to index
      %get3A_179 = arith.constant 80 : index
      %get3A_180 = tpu.vector_load %arg7[%get3A_178, %get3A_179] {strides = array<i32>} : memref<128x128xf32, #tpu.memory_space<vmem>>, vector<1x16xf32>,
      %get3A_181 = vector.shape_cast %get3A_180 : vector<1x16xf32> to vector<16xf32>
      %mul3A_182 = arith.constant 11.3137083 : f32
      %mul3A_183 = vector.broadcast %mul3A_182 : f32 to vector<16xf32>
      %mul3A_184 = arith.mulf %get3A_181, %mul3A_183 : vector<16xf32>
      %swap3A_185 = arith.index_cast %scan3A_119 : i32 to index
      %swap3A_186 = arith.constant 80 : index
      %swap3A_187 = tpu.vector_load %arg7[%swap3A_185, %swap3A_186] {strides = array<i32>} : memref<128x128xf32, #tpu.memory_space<vmem>>, vector<1x16xf32>,
      %swap3A_188 = vector.shape_cast %swap3A_187 : vector<1x16xf32> to vector<16xf32>
      %swap3A_189 = vector.shape_cast %mul3A_184 : vector<16xf32> to vector<1x16xf32>
      tpu.vector_store %arg7[%swap3A_185, %swap3A_186], %swap3A_189 {strides = array<i32>} : memref<128x128xf32, #tpu.memory_space<vmem>>, vector<1x16xf32>,
      %get3A_190 = arith.index_cast %scan3A_119 : i32 to index
      %get3A_191 = arith.constant 96 : index
      %get3A_192 = tpu.vector_load %arg7[%get3A_190, %get3A_191] {strides = array<i32>} : memref<128x128xf32, #tpu.memory_space<vmem>>, vector<1x16xf32>,
      %get3A_193 = vector.shape_cast %get3A_192 : vector<1x16xf32> to vector<16xf32>
      %mul3A_194 = arith.constant 11.3137083 : f32
      %mul3A_195 = vector.broadcast %mul3A_194 : f32 to vector<16xf32>
      %mul3A_196 = arith.mulf %get3A_193, %mul3A_195 : vector<16xf32>
      %swap3A_197 = arith.index_cast %scan3A_119 : i32 to index
      %swap3A_198 = arith.constant 96 : index
      %swap3A_199 = tpu.vector_load %arg7[%swap3A_197, %swap3A_198] {strides = array<i32>} : memref<128x128xf32, #tpu.memory_space<vmem>>, vector<1x16xf32>,
      %swap3A_200 = vector.shape_cast %swap3A_199 : vector<1x16xf32> to vector<16xf32>
      %swap3A_201 = vector.shape_cast %mul3A_196 : vector<16xf32> to vector<1x16xf32>
      tpu.vector_store %arg7[%swap3A_197, %swap3A_198], %swap3A_201 {strides = array<i32>} : memref<128x128xf32, #tpu.memory_space<vmem>>, vector<1x16xf32>,
      %get3A_202 = arith.index_cast %scan3A_119 : i32 to index
      %get3A_203 = arith.constant 112 : index
      %get3A_204 = tpu.vector_load %arg7[%get3A_202, %get3A_203] {strides = array<i32>} : memref<128x128xf32, #tpu.memory_space<vmem>>, vector<1x16xf32>,
      %get3A_205 = vector.shape_cast %get3A_204 : vector<1x16xf32> to vector<16xf32>
      %mul3A_206 = arith.constant 11.3137083 : f32
      %mul3A_207 = vector.broadcast %mul3A_206 : f32 to vector<16xf32>
      %mul3A_208 = arith.mulf %get3A_205, %mul3A_207 : vector<16xf32>
      %swap3A_209 = arith.index_cast %scan3A_119 : i32 to index
      %swap3A_210 = arith.constant 112 : index
      %swap3A_211 = tpu.vector_load %arg7[%swap3A_209, %swap3A_210] {strides = array<i32>} : memref<128x128xf32, #tpu.memory_space<vmem>>, vector<1x16xf32>,
      %swap3A_212 = vector.shape_cast %swap3A_211 : vector<1x16xf32> to vector<16xf32>
      %swap3A_213 = vector.shape_cast %mul3A_208 : vector<16xf32> to vector<1x16xf32>
      tpu.vector_store %arg7[%swap3A_209, %swap3A_210], %swap3A_213 {strides = array<i32>} : memref<128x128xf32, #tpu.memory_space<vmem>>, vector<1x16xf32>,
      %scan3A_214 = arith.constant 1 : i32
      %scan3A_215 = arith.addi %scan3A_119, %scan3A_214 : i32
      %get3A_216 = arith.index_cast %scan3A_215 : i32 to index
      %get3A_217 = arith.constant 0 : index
      %get3A_218 = tpu.vector_load %arg7[%get3A_216, %get3A_217] {strides = array<i32>} : memref<128x128xf32, #tpu.memory_space<vmem>>, vector<1x16xf32>,
      %get3A_219 = vector.shape_cast %get3A_218 : vector<1x16xf32> to vector<16xf32>
      %mul3A_220 = arith.constant 11.3137083 : f32
      %mul3A_221 = vector.broadcast %mul3A_220 : f32 to vector<16xf32>
      %mul3A_222 = arith.mulf %get3A_219, %mul3A_221 : vector<16xf32>
      %swap3A_223 = arith.index_cast %scan3A_215 : i32 to index
      %swap3A_224 = arith.constant 0 : index
      %swap3A_225 = tpu.vector_load %arg7[%swap3A_223, %swap3A_224] {strides = array<i32>} : memref<128x128xf32, #tpu.memory_space<vmem>>, vector<1x16xf32>,
      %swap3A_226 = vector.shape_cast %swap3A_225 : vector<1x16xf32> to vector<16xf32>
      %swap3A_227 = vector.shape_cast %mul3A_222 : vector<16xf32> to vector<1x16xf32>
      tpu.vector_store %arg7[%swap3A_223, %swap3A_224], %swap3A_227 {strides = array<i32>} : memref<128x128xf32, #tpu.memory_space<vmem>>, vector<1x16xf32>,
      %get3A_228 = arith.index_cast %scan3A_215 : i32 to index
      %get3A_229 = arith.constant 16 : index
      %get3A_230 = tpu.vector_load %arg7[%get3A_228, %get3A_229] {strides = array<i32>} : memref<128x128xf32, #tpu.memory_space<vmem>>, vector<1x16xf32>,
      %get3A_231 = vector.shape_cast %get3A_230 : vector<1x16xf32> to vector<16xf32>
      %mul3A_232 = arith.constant 11.3137083 : f32
      %mul3A_233 = vector.broadcast %mul3A_232 : f32 to vector<16xf32>
      %mul3A_234 = arith.mulf %get3A_231, %mul3A_233 : vector<16xf32>
      %swap3A_235 = arith.index_cast %scan3A_215 : i32 to index
      %swap3A_236 = arith.constant 16 : index
      %swap3A_237 = tpu.vector_load %arg7[%swap3A_235, %swap3A_236] {strides = array<i32>} : memref<128x128xf32, #tpu.memory_space<vmem>>, vector<1x16xf32>,
      %swap3A_238 = vector.shape_cast %swap3A_237 : vector<1x16xf32> to vector<16xf32>
      %swap3A_239 = vector.shape_cast %mul3A_234 : vector<16xf32> to vector<1x16xf32>
      tpu.vector_store %arg7[%swap3A_235, %swap3A_236], %swap3A_239 {strides = array<i32>} : memref<128x128xf32, #tpu.memory_space<vmem>>, vector<1x16xf32>,
      %get3A_240 = arith.index_cast %scan3A_215 : i32 to index
      %get3A_241 = arith.constant 32 : index
      %get3A_242 = tpu.vector_load %arg7[%get3A_240, %get3A_241] {strides = array<i32>} : memref<128x128xf32, #tpu.memory_space<vmem>>, vector<1x16xf32>,
      %get3A_243 = vector.shape_cast %get3A_242 : vector<1x16xf32> to vector<16xf32>
      %mul3A_244 = arith.constant 11.3137083 : f32
      %mul3A_245 = vector.broadcast %mul3A_244 : f32 to vector<16xf32>
      %mul3A_246 = arith.mulf %get3A_243, %mul3A_245 : vector<16xf32>
      %swap3A_247 = arith.index_cast %scan3A_215 : i32 to index
      %swap3A_248 = arith.constant 32 : index
      %swap3A_249 = tpu.vector_load %arg7[%swap3A_247, %swap3A_248] {strides = array<i32>} : memref<128x128xf32, #tpu.memory_space<vmem>>, vector<1x16xf32>,
      %swap3A_250 = vector.shape_cast %swap3A_249 : vector<1x16xf32> to vector<16xf32>
      %swap3A_251 = vector.shape_cast %mul3A_246 : vector<16xf32> to vector<1x16xf32>
      tpu.vector_store %arg7[%swap3A_247, %swap3A_248], %swap3A_251 {strides = array<i32>} : memref<128x128xf32, #tpu.memory_space<vmem>>, vector<1x16xf32>,
      %get3A_252 = arith.index_cast %scan3A_215 : i32 to index
      %get3A_253 = arith.constant 48 : index
      %get3A_254 = tpu.vector_load %arg7[%get3A_252, %get3A_253] {strides = array<i32>} : memref<128x128xf32, #tpu.memory_space<vmem>>, vector<1x16xf32>,
      %get3A_255 = vector.shape_cast %get3A_254 : vector<1x16xf32> to vector<16xf32>
      %mul3A_256 = arith.constant 11.3137083 : f32
      %mul3A_257 = vector.broadcast %mul3A_256 : f32 to vector<16xf32>
      %mul3A_258 = arith.mulf %get3A_255, %mul3A_257 : vector<16xf32>
      %swap3A_259 = arith.index_cast %scan3A_215 : i32 to index
      %swap3A_260 = arith.constant 48 : index
      %swap3A_261 = tpu.vector_load %arg7[%swap3A_259, %swap3A_260] {strides = array<i32>} : memref<128x128xf32, #tpu.memory_space<vmem>>, vector<1x16xf32>,
      %swap3A_262 = vector.shape_cast %swap3A_261 : vector<1x16xf32> to vector<16xf32>
      %swap3A_263 = vector.shape_cast %mul3A_258 : vector<16xf32> to vector<1x16xf32>
      tpu.vector_store %arg7[%swap3A_259, %swap3A_260], %swap3A_263 {strides = array<i32>} : memref<128x128xf32, #tpu.memory_space<vmem>>, vector<1x16xf32>,
      %get3A_264 = arith.index_cast %scan3A_215 : i32 to index
      %get3A_265 = arith.constant 64 : index
      %get3A_266 = tpu.vector_load %arg7[%get3A_264, %get3A_265] {strides = array<i32>} : memref<128x128xf32, #tpu.memory_space<vmem>>, vector<1x16xf32>,
      %get3A_267 = vector.shape_cast %get3A_266 : vector<1x16xf32> to vector<16xf32>
      %mul3A_268 = arith.constant 11.3137083 : f32
      %mul3A_269 = vector.broadcast %mul3A_268 : f32 to vector<16xf32>
      %mul3A_270 = arith.mulf %get3A_267, %mul3A_269 : vector<16xf32>
      %swap3A_271 = arith.index_cast %scan3A_215 : i32 to index
      %swap3A_272 = arith.constant 64 : index
      %swap3A_273 = tpu.vector_load %arg7[%swap3A_271, %swap3A_272] {strides = array<i32>} : memref<128x128xf32, #tpu.memory_space<vmem>>, vector<1x16xf32>,
      %swap3A_274 = vector.shape_cast %swap3A_273 : vector<1x16xf32> to vector<16xf32>
      %swap3A_275 = vector.shape_cast %mul3A_270 : vector<16xf32> to vector<1x16xf32>
      tpu.vector_store %arg7[%swap3A_271, %swap3A_272], %swap3A_275 {strides = array<i32>} : memref<128x128xf32, #tpu.memory_space<vmem>>, vector<1x16xf32>,
      %get3A_276 = arith.index_cast %scan3A_215 : i32 to index
      %get3A_277 = arith.constant 80 : index
      %get3A_278 = tpu.vector_load %arg7[%get3A_276, %get3A_277] {strides = array<i32>} : memref<128x128xf32, #tpu.memory_space<vmem>>, vector<1x16xf32>,
      %get3A_279 = vector.shape_cast %get3A_278 : vector<1x16xf32> to vector<16xf32>
      %mul3A_280 = arith.constant 11.3137083 : f32
      %mul3A_281 = vector.broadcast %mul3A_280 : f32 to vector<16xf32>
      %mul3A_282 = arith.mulf %get3A_279, %mul3A_281 : vector<16xf32>
      %swap3A_283 = arith.index_cast %scan3A_215 : i32 to index
      %swap3A_284 = arith.constant 80 : index
      %swap3A_285 = tpu.vector_load %arg7[%swap3A_283, %swap3A_284] {strides = array<i32>} : memref<128x128xf32, #tpu.memory_space<vmem>>, vector<1x16xf32>,
      %swap3A_286 = vector.shape_cast %swap3A_285 : vector<1x16xf32> to vector<16xf32>
      %swap3A_287 = vector.shape_cast %mul3A_282 : vector<16xf32> to vector<1x16xf32>
      tpu.vector_store %arg7[%swap3A_283, %swap3A_284], %swap3A_287 {strides = array<i32>} : memref<128x128xf32, #tpu.memory_space<vmem>>, vector<1x16xf32>,
      %get3A_288 = arith.index_cast %scan3A_215 : i32 to index
      %get3A_289 = arith.constant 96 : index
      %get3A_290 = tpu.vector_load %arg7[%get3A_288, %get3A_289] {strides = array<i32>} : memref<128x128xf32, #tpu.memory_space<vmem>>, vector<1x16xf32>,
      %get3A_291 = vector.shape_cast %get3A_290 : vector<1x16xf32> to vector<16xf32>
      %mul3A_292 = arith.constant 11.3137083 : f32
      %mul3A_293 = vector.broadcast %mul3A_292 : f32 to vector<16xf32>
      %mul3A_294 = arith.mulf %get3A_291, %mul3A_293 : vector<16xf32>
      %swap3A_295 = arith.index_cast %scan3A_215 : i32 to index
      %swap3A_296 = arith.constant 96 : index
      %swap3A_297 = tpu.vector_load %arg7[%swap3A_295, %swap3A_296] {strides = array<i32>} : memref<128x128xf32, #tpu.memory_space<vmem>>, vector<1x16xf32>,
      %swap3A_298 = vector.shape_cast %swap3A_297 : vector<1x16xf32> to vector<16xf32>
      %swap3A_299 = vector.shape_cast %mul3A_294 : vector<16xf32> to vector<1x16xf32>
      tpu.vector_store %arg7[%swap3A_295, %swap3A_296], %swap3A_299 {strides = array<i32>} : memref<128x128xf32, #tpu.memory_space<vmem>>, vector<1x16xf32>,
      %get3A_300 = arith.index_cast %scan3A_215 : i32 to index
      %get3A_301 = arith.constant 112 : index
      %get3A_302 = tpu.vector_load %arg7[%get3A_300, %get3A_301] {strides = array<i32>} : memref<128x128xf32, #tpu.memory_space<vmem>>, vector<1x16xf32>,
      %get3A_303 = vector.shape_cast %get3A_302 : vector<1x16xf32> to vector<16xf32>
      %mul3A_304 = arith.constant 11.3137083 : f32
      %mul3A_305 = vector.broadcast %mul3A_304 : f32 to vector<16xf32>
      %mul3A_306 = arith.mulf %get3A_303, %mul3A_305 : vector<16xf32>
      %swap3A_307 = arith.index_cast %scan3A_215 : i32 to index
      %swap3A_308 = arith.constant 112 : index
      %swap3A_309 = tpu.vector_load %arg7[%swap3A_307, %swap3A_308] {strides = array<i32>} : memref<128x128xf32, #tpu.memory_space<vmem>>, vector<1x16xf32>,
      %swap3A_310 = vector.shape_cast %swap3A_309 : vector<1x16xf32> to vector<16xf32>
      %swap3A_311 = vector.shape_cast %mul3A_306 : vector<16xf32> to vector<1x16xf32>
      tpu.vector_store %arg7[%swap3A_307, %swap3A_308], %swap3A_311 {strides = array<i32>} : memref<128x128xf32, #tpu.memory_space<vmem>>, vector<1x16xf32>,
    }
    %scan3A_82 = arith.constant 128 : i32
    %add3A_83 = arith.constant 25472 : i32
    %add3A_84 = arith.addi %mul3A_2, %add3A_83 : i32
    %dma_start3A_85 = arith.constant 0 : i32
    %dma_start3A_86 = tpu.memref_slice %arg4[%add3A_84, %dma_start3A_85] : memref<819200x128xf32, #tpu.memory_space<hbm>> -> memref<128x128xf32, #tpu.memory_space<hbm>>
    %dma_start3A_87 = arith.constant 0 : i32
    %dma_start3A_88 = tpu.memref_slice %arg4[%add3A_84, %dma_start3A_87] : memref<819200x128xf32, #tpu.memory_space<hbm>> -> memref<128x128xf32, #tpu.memory_space<hbm>>
    tpu.enqueue_dma source(%arg7 : memref<128x128xf32, #tpu.memory_space<vmem>>) target(%dma_start3A_88 : memref<128x128xf32, #tpu.memory_space<hbm>>) target_semaphore(%arg19 : memref<!tpu.dma_semaphore, #tpu.memory_space<semaphore_mem>>)
    %and3A_89 = arith.constant true
    %and3A_90 = arith.constant false
    %and3A_91 = arith.andi %and3A_89, %and3A_90 : i1
    %convert_element_type3A_92 = arith.extui %and3A_91 : i1 to i32
    %cond3A_93 = arith.constant 0 : i32
    %cond3A_94 = arith.cmpi ne, %convert_element_type3A_92, %cond3A_93 : i32
    scf.if %cond3A_94 {
      %dma_wait3A_119 = arith.constant 0 : i32
      %dma_wait3A_120 = tpu.memref_slice %arg4[%mul3A_2, %dma_wait3A_119] : memref<819200x128xf32, #tpu.memory_space<hbm>> -> memref<128x128xf32, #tpu.memory_space<hbm>>
      %dma_wait3A_121 = arith.constant 0 : i32
      %dma_wait3A_122 = tpu.memref_slice %arg4[%mul3A_2, %dma_wait3A_121] : memref<819200x128xf32, #tpu.memory_space<hbm>> -> memref<128x128xf32, #tpu.memory_space<hbm>>
      tpu.wait_dma2 semaphore(%arg23 : memref<!tpu.dma_semaphore, #tpu.memory_space<semaphore_mem>>) src(%arg11 : memref<128x128xf32, #tpu.memory_space<vmem>>) dst(%dma_wait3A_122 : memref<128x128xf32, #tpu.memory_space<hbm>>)
      %dma_start3A_123 = arith.constant 203 : i32
      %dma_start3A_124 = arith.constant 0 : i32
      %dma_start3A_125 = tpu.memref_slice %arg5[%dma_start3A_123, %dma_start3A_124] : memref<200x128xi32, #tpu.memory_space<vmem>> -> memref<1x128xi32, #tpu.memory_space<vmem>>
      %dma_start3A_126 = tpu.memref_squeeze %dma_start3A_125 : memref<1x128xi32, #tpu.memory_space<vmem>> -> memref<128xi32, #tpu.memory_space<vmem>>
      %dma_start3A_127 = arith.constant 0 : i32
      %dma_start3A_128 = arith.constant 0 : i32
      %dma_start3A_129 = tpu.memref_slice %arg3[%dma_start3A_127, %dma_start3A_128] : memref<1000000x128xf32, #tpu.memory_space<hbm>> -> memref<1000000x128xf32, #tpu.memory_space<hbm>>
      tpu.enqueue_indirect_dma source(%dma_start3A_129 : memref<1000000x128xf32, #tpu.memory_space<hbm>>) target(%arg11 : memref<128x128xf32, #tpu.memory_space<vmem>>) offsets(%dma_start3A_126 : memref<128xi32, #tpu.memory_space<vmem>>) semaphore(%arg17 : memref<!tpu.dma_semaphore, #tpu.memory_space<semaphore_mem>>)
    } else {
    }
    %dma_wait3A_95 = arith.constant 0 : i32
    %dma_wait3A_96 = tpu.memref_slice %arg4[%mul3A_2, %dma_wait3A_95] : memref<819200x128xf32, #tpu.memory_space<hbm>> -> memref<128x128xf32, #tpu.memory_space<hbm>>
    %dma_wait3A_97 = arith.constant 0 : i32
    %dma_wait3A_98 = tpu.memref_slice %arg4[%mul3A_2, %dma_wait3A_97] : memref<819200x128xf32, #tpu.memory_space<hbm>> -> memref<128x128xf32, #tpu.memory_space<hbm>>
    tpu.wait_dma2 semaphore(%arg18 : memref<!tpu.dma_semaphore, #tpu.memory_space<semaphore_mem>>) src(%arg6 : memref<128x128xf32, #tpu.memory_space<vmem>>) dst(%dma_wait3A_98 : memref<128x128xf32, #tpu.memory_space<hbm>>)
    %dma_wait3A_99 = arith.constant 0 : i32
    %dma_wait3A_100 = tpu.memref_slice %arg4[%mul3A_2, %dma_wait3A_99] : memref<819200x128xf32, #tpu.memory_space<hbm>> -> memref<128x128xf32, #tpu.memory_space<hbm>>
    %dma_wait3A_101 = arith.constant 0 : i32
    %dma_wait3A_102 = tpu.memref_slice %arg4[%mul3A_2, %dma_wait3A_101] : memref<819200x128xf32, #tpu.memory_space<hbm>> -> memref<128x128xf32, #tpu.memory_space<hbm>>
    tpu.wait_dma2 semaphore(%arg19 : memref<!tpu.dma_semaphore, #tpu.memory_space<semaphore_mem>>) src(%arg7 : memref<128x128xf32, #tpu.memory_space<vmem>>) dst(%dma_wait3A_102 : memref<128x128xf32, #tpu.memory_space<hbm>>)
    %dma_wait3A_103 = arith.constant 0 : i32
    %dma_wait3A_104 = tpu.memref_slice %arg4[%mul3A_2, %dma_wait3A_103] : memref<819200x128xf32, #tpu.memory_space<hbm>> -> memref<128x128xf32, #tpu.memory_space<hbm>>
    %dma_wait3A_105 = arith.constant 0 : i32
    %dma_wait3A_106 = tpu.memref_slice %arg4[%mul3A_2, %dma_wait3A_105] : memref<819200x128xf32, #tpu.memory_space<hbm>> -> memref<128x128xf32, #tpu.memory_space<hbm>>
    tpu.wait_dma2 semaphore(%arg20 : memref<!tpu.dma_semaphore, #tpu.memory_space<semaphore_mem>>) src(%arg8 : memref<128x128xf32, #tpu.memory_space<vmem>>) dst(%dma_wait3A_106 : memref<128x128xf32, #tpu.memory_space<hbm>>)
    %dma_wait3A_107 = arith.constant 0 : i32
    %dma_wait3A_108 = tpu.memref_slice %arg4[%mul3A_2, %dma_wait3A_107] : memref<819200x128xf32, #tpu.memory_space<hbm>> -> memref<128x128xf32, #tpu.memory_space<hbm>>
    %dma_wait3A_109 = arith.constant 0 : i32
    %dma_wait3A_110 = tpu.memref_slice %arg4[%mul3A_2, %dma_wait3A_109] : memref<819200x128xf32, #tpu.memory_space<hbm>> -> memref<128x128xf32, #tpu.memory_space<hbm>>
    tpu.wait_dma2 semaphore(%arg21 : memref<!tpu.dma_semaphore, #tpu.memory_space<semaphore_mem>>) src(%arg9 : memref<128x128xf32, #tpu.memory_space<vmem>>) dst(%dma_wait3A_110 : memref<128x128xf32, #tpu.memory_space<hbm>>)
    %dma_wait3A_111 = arith.constant 0 : i32
    %dma_wait3A_112 = tpu.memref_slice %arg4[%mul3A_2, %dma_wait3A_111] : memref<819200x128xf32, #tpu.memory_space<hbm>> -> memref<128x128xf32, #tpu.memory_space<hbm>>
    %dma_wait3A_113 = arith.constant 0 : i32
    %dma_wait3A_114 = tpu.memref_slice %arg4[%mul3A_2, %dma_wait3A_113] : memref<819200x128xf32, #tpu.memory_space<hbm>> -> memref<128x128xf32, #tpu.memory_space<hbm>>
    tpu.wait_dma2 semaphore(%arg22 : memref<!tpu.dma_semaphore, #tpu.memory_space<semaphore_mem>>) src(%arg10 : memref<128x128xf32, #tpu.memory_space<vmem>>) dst(%dma_wait3A_114 : memref<128x128xf32, #tpu.memory_space<hbm>>)
    %dma_wait3A_115 = arith.constant 0 : i32
    %dma_wait3A_116 = tpu.memref_slice %arg4[%mul3A_2, %dma_wait3A_115] : memref<819200x128xf32, #tpu.memory_space<hbm>> -> memref<128x128xf32, #tpu.memory_space<hbm>>
    %dma_wait3A_117 = arith.constant 0 : i32
    %dma_wait3A_118 = tpu.memref_slice %arg4[%mul3A_2, %dma_wait3A_117] : memref<819200x128xf32, #tpu.memory_space<hbm>> -> memref<128x128xf32, #tpu.memory_space<hbm>>
    tpu.wait_dma2 semaphore(%arg23 : memref<!tpu.dma_semaphore, #tpu.memory_space<semaphore_mem>>) src(%arg11 : memref<128x128xf32, #tpu.memory_space<vmem>>) dst(%dma_wait3A_118 : memref<128x128xf32, #tpu.memory_space<hbm>>)
    return
  }
}

</mosaic_0001>

<sc_bundles>
// kernel: kernel.3.cloned.1.call-start
scs
__scs_entry_jumppad:
0x0: {  	(pc) =	sbr.rel $0x88, $3  }
0x1: {  	(tag) =	ssettag $0x0;
	lr =	simm.s32 $0x1  }
0x2: {  	[smem:$0x3F9F] =	sst lr;
	_ =	strace $0xD0000000  }
0x3: {  	_ = 	snop  }
0x4: {  	_ = 	snop  }
0x5: {  	_ = 	snop  }
0x6: {  	_ = 	snop  }
0x7: {  	_ = 	snop  }
__scs_overlays_trampoline_lowered:
0x8: {  	[smem:$0x3FAE] =	sst s0  }
0x9: {  	[smem:$0x3FAF] =	sst s1  }
0xa: {  	[smem:$0x3FB0] =	sst s2  }
0xb: {  	[smem:$0x3FB1] =	sst s3  }
0xc: {  	[smem:$0x3FB2] =	sst s4  }
0xd: {  	[smem:$0x3FB3] =	sst s5  }
0xe: {  	[smem:$0x3FB4] =	sst s6  }
0xf: {  	[smem:$0x3FB5] =	sst s7  }
0x10: {  	[smem:$0x3FB6] =	sst s8  }
0x11: {  	[smem:$0x3FB7] =	sst s9;
	s0 =	simm.s32 @!p0 $0x0  }
0x12: {  	s1 =	sld [smem:$0x3F9D];
	s0 =	simm.s32 @p0 $0x1  }
0x13: {  	[smem:$0x3FB8] =	sst s0;
	s0 =	simm.s32 @!p1 $0x0  }
0x14: {  	s2 =	sld [smem:$0x3F9C];
	s0 =	simm.s32 @p1 $0x1  }
0x15: {  	[smem:$0x3FB9] =	sst s0;
	s0 =	simm.s32 @!p2 $0x0  }
0x16: {  	s3 =	sld [smem:$0x3FDB];
	s0 =	simm.s32 @p2 $0x1  }
0x17: {  	s4 =	simm.s32 $0x1BF5;
	[smem:$0x3FBB] =	sst s0  }
0x18: {  	s0 =	sld [smem:$0x3F9E];
	_ =	swait.ge [sflag:s4], $0x0  }
0x19: {  	s7 =	sld [smem:$0x3F9F]  }
0x1a: {  	s8 =	sadd.s32 $0xFFFFE003, lr  }
0x1b: {  	s9 =	sadd.s32 $0xFFFFFEF7, lr;
	s5 =	simm.s32 $0xFFFFFFFF;
	p2 =	slt.u32 s8, $0xFFFFF086  }
0x1c: {  	p1 =	slt.u32 s9, $0xF7A;
	s5 =	simm.s32 @!p2 $0x0  }
0x1d: {  	s5 =	simm.s32 @p1 $0x1;
	p0 =	seq.s32 s7, s2  }
0x1e: {  	s7 =	smul.u32 @!p0 $0xF7A, s2;
	p2 =	seq.s32 @!p0 s5, $0x0  }
0x1f: {  	s9 =	smul.u32 $0xF7A, s1;
	s8 =	simm.s32 @!p0 $0x1BF5;
	p2 =	por !p2, p0  }
0x20: {  	[sflag:s8] =	ssyncset.s32 @!p0 $0xFFFFF086;
	s6 =	sadd.s32 @!p0 s3, s7;
	s7 =	simm.s32 @!p0 $0x108  }
0x21: {  	s3 =	sadd.s32 s3, s9;
	s6 =	sadd.s32 @!p0 $0x88, s6;
	s7 =	simm.s32 @p2 $0x1082  }
0x22: {  	[simem:s7], [sflag:s8] =	dma.local @!p0 [hbm:s6], $0xF7A  }
0x23: {  	s9 =	sor.u32 $0xD0000000, s2;
	s6 =	simm.s32 $0x108;
	_ =	swait.ge @!p0 [sflag:s8], $0x0  }
0x24: {  	s3 =	sadd.s32 $0x88, s3;
	s6 =	simm.s32 @!p1 $0x1082;
	[sflag:s4] =	ssyncset.s32 $0xFFFFF086  }
0x25: {  	[simem:s6], [sflag:s4] =	dma.local [hbm:s3], $0xF7A  }
0x26: {  	[smem:$0x3F9F] =	sst s1;
	(tag) =	ssettag s2;
	_ =	strace s9  }
0x27: {  	s1 =	sld [smem:$0x3FAF]  }
0x28: {  	s2 =	sld [smem:$0x3FB0]  }
0x29: {  	s4 =	sld [smem:$0x3FB2]  }
0x2a: {  	p0 =	seq.s32 s5, $0x0;
	s5 =	sld [smem:$0x3FB3]  }
0x2b: {  	s6 =	sld [smem:$0x3FB4]  }
0x2c: {  	s7 =	sld [smem:$0x3FB5]  }
0x2d: {  	s3 =	simm.s32 $0x108;
	s8 =	sld [smem:$0x3FB6]  }
0x2e: {  	s3 =	simm.s32 @!p0 $0x1082;
	s9 =	sld [smem:$0x3FB7]  }
0x2f: {  	lr =	sadd.s32 s0, s3;
	s0 =	sld [smem:$0x3FAE]  }
0x30: {  	s3 =	sld [smem:$0x3FB1]  }
0x31: {  	[smem:$0x3FBA] =	sst s10  }
0x32: {  	s10 =	sld [smem:$0x3FB8];
	_ =	sdelay $0x3  }
0x33: {  	p0 =	seq.s32 s10, $0x1;
	s10 =	sld [smem:$0x3FBA];
	_ =	sdelay $0x3  }
0x34: {  	[smem:$0x3FBA] =	sst s10  }
0x35: {  	s10 =	sld [smem:$0x3FB9];
	_ =	sdelay $0x3  }
0x36: {  	p1 =	seq.s32 s10, $0x1;
	s10 =	sld [smem:$0x3FBA];
	_ =	sdelay $0x3  }
0x37: {  	[smem:$0x3FBA] =	sst s10  }
0x38: {  	s10 =	sld [smem:$0x3FBB]  }
0x39: {  	_ = 	snop;
	(pc) =	sbr.ind lr, $3  }
0x3a: {  	_ = 	snop  }
0x3b: {  	_ = 	snop  }
0x3c: {  	p2 =	seq.s32 s10, $0x1;
	s10 =	sld [smem:$0x3FBA]  }
0x3d: {  	_ =	shalt  }
0x3e: {  	_ =	shalt  }
0x3f: {  	_ =	shalt  }
0x40: {  	_ =	shalt  }
0x41: {  	_ =	shalt  }
0x42: {  	_ =	shalt  }
0x43: {  	_ =	shalt  }
0x44: {  	_ =	shalt  }
0x45: {  	_ =	shalt  }
0x46: {  	_ =	shalt  }
0x47: {  	_ =	shalt  }
0x48: {  	_ =	shalt  }
0x49: {  	_ =	shalt  }
0x4a: {  	_ =	shalt  }
0x4b: {  	_ =	shalt  }
0x4c: {  	_ =	shalt  }
0x4d: {  	_ =	shalt  }
0x4e: {  	_ =	shalt  }
0x4f: {  	_ =	shalt  }
0x50: {  	_ =	shalt  }
0x51: {  	_ =	shalt  }
0x52: {  	_ =	shalt  }
0x53: {  	_ =	shalt  }
0x54: {  	_ =	shalt  }
0x55: {  	_ =	shalt  }
0x56: {  	_ =	shalt  }
0x57: {  	_ =	shalt  }
0x58: {  	_ =	shalt  }
0x59: {  	_ =	shalt  }
0x5a: {  	_ =	shalt  }
0x5b: {  	_ =	shalt  }
0x5c: {  	_ =	shalt  }
0x5d: {  	_ =	shalt  }
0x5e: {  	_ =	shalt  }
0x5f: {  	_ =	shalt  }
0x60: {  	_ =	shalt  }
0x61: {  	_ =	shalt  }
0x62: {  	_ =	shalt  }
0x63: {  	_ =	shalt  }
0x64: {  	_ =	shalt  }
0x65: {  	_ =	shalt  }
0x66: {  	_ =	shalt  }
0x67: {  	_ =	shalt  }
0x68: {  	_ =	shalt  }
0x69: {  	_ =	shalt  }
0x6a: {  	_ =	shalt  }
0x6b: {  	_ =	shalt  }
0x6c: {  	_ =	shalt  }
0x6d: {  	_ =	shalt  }
0x6e: {  	_ =	shalt  }
0x6f: {  	_ =	shalt  }
0x70: {  	_ =	shalt  }
0x71: {  	_ =	shalt  }
0x72: {  	_ =	shalt  }
0x73: {  	_ =	shalt  }
0x74: {  	_ =	shalt  }
0x75: {  	_ =	shalt  }
0x76: {  	_ =	shalt  }
0x77: {  	_ =	shalt  }
0x78: {  	_ =	shalt  }
0x79: {  	_ =	shalt  }
0x7a: {  	_ =	shalt  }
0x7b: {  	_ =	shalt  }
0x7c: {  	_ =	shalt  }
0x7d: {  	_ =	shalt  }
0x7e: {  	_ =	shalt  }
0x7f: {  	_ =	shalt  }
0x80: {  	_ =	shalt  }
0x81: {  	_ =	shalt  }
0x82: {  	_ =	shalt  }
0x83: {  	_ =	shalt  }
0x84: {  	_ =	shalt  }
0x85: {  	_ =	shalt  }
0x86: {  	_ =	shalt  }
0x87: {  	_ =	shalt  }
.Lfunc_end0:
.L_simem_size_0:
called_computation_lowered:
.L_overlay_start_0:
0x88: {  	s2 =	sld [smem:$0x3FD9]  }
0x89: {  	s3 =	sld [smem:$0x3FFE];
	_ =	sdelay $0x1  }
0x8a: {  	s1 =	srdreg.scid  }
0x8b: {  	s0 =	sand.u32 $0x1, s1  }
0x8c: {  	s17 =	sshll.u32 s0, $0xA;
	s2 =	sadd.s32 s3, s2  }
0x8d: {  	s2 =	sadd.s32 s2, s17  }
0x8e: {  	[smem:$0x3FC6] =	sst s2  }
0x8f: {  	_ = 	snop  }
0x90: {  	s2 =	sld [smem:$0x3FC8]  }
0x91: {  	s18 =	sld [smem:$0x3FD0];
	(tm) =	ssettm $0x1  }
0x92: {  	s4 =	sld [smem:$0x3FFB];
	_ =	sdelay $0x3  }
0x93: {  	_ =	strace s4  }
0x94: {  	s4 =	sld [smem:$0x3FFC];
	_ =	sdelay $0x3  }
0x95: {  	_ =	strace s4  }
0x96: {  	s4 =	sld [smem:$0x3FFD];
	_ =	sdelay $0x3  }
0x97: {  	_ =	strace s4  }
0x98: {  	_ =	strace $0x8FFFFFFF  }
0x99: {  	s19 =	sld [smem:$0x3FDB];
	_ =	sdelay $0x1  }
0x9a: {  	s5 =	simm.s32 $_scs_section_size  }
0x9b: {  	s6 =	simm.s32 $_size__tile_overlayer_lowered;
	s7 =	simm.s32 $_tile_overlayer_lowered  }
0x9c: {  	s22 =	simm.s32 $0x1BFF;
	s21 =	sshll.u32 s7, $0x1;
	s4 =	sadd.s32 s5, s19  }
0x9d: {  	s8 =	simm.s32 $0x0;
	s20 =	sshll.u32 s6, $0x1;
	s6 =	sadd.s32 s21, s4  }
0x9e: {  	[timem:s8], [sflag:s22] =	dma.local [hbm:s6], s20  }
0x9f: {  	_ =	swait.ge [sflag:s22], s20  }
0xa0: {  	s5 =	ssub.s32 $0x0, s20;
	[sflag:s22] =	ssyncset.done $0x0  }
0xa1: {  	[sflag:s22] =	ssyncadd.s32 s5;
	_ =	sdelay $0x1  }
0xa2: {  	s23 =	simm.s32 $0x1B8B  }
0xa3: {  	_ =	swait.ge [sflag:s23], $0x1  }
0xa4: {  	[sflag:s23] =	ssyncset.done $0x0  }
0xa5: {  	s25 =	simm.s32 $0x1B8E;
	s24 =	sld [smem:$0x3FFE];
	[sflag:s23] =	ssyncadd.s32 $0xFFFFFFFF  }
0xa6: {  	s26 =	simm.s32 $execute0_lowered;
	[smem:$0x3FD2] =	sst s25  }
0xa7: {  	s6 =	sshll.u32 s26, $0x1;
	_ =	strace $0x80000046;
	[dreg:$0x1] =	wrdreg $0xFFFFFFFF  }
0xa8: {  	s28 =	simm.s32 $_size_execute0_lowered;
	s4 =	sadd.s32 s4, s6;
	[dreg:$0x0] =	wrdreg $0x0  }
0xa9: {  	s6 =	sshll.u32 s28, $0x1;
	[dreg:$0x2] =	wrdreg s4  }
0xaa: {  	[dreg:$0x3] =	wrdreg s6  }
0xab: {  	[dreg:$0x4] =	wrdreg $0xC0  }
0xac: {  	_ =	task [dreg:s8], $0x5FFFF  }
0xad: {  	[dreg:$0x1] =	wrdreg $0xFFFFFFFF  }
0xae: {  	[dreg:$0x0] =	wrdreg $0x60  }
0xaf: {  	[dreg:$0x2] =	wrdreg s24  }
0xb0: {  	[dreg:$0x3] =	wrdreg s2  }
0xb1: {  	[dreg:$0x4] =	wrdreg s18  }
0xb2: {  	[dreg:$0x5] =	wrdreg $0x9  }
0xb3: {  	_ =	task.clear_ibuf [dreg:s8], $0x6FFFF;
	_ =	strace $0x90000046  }
0xb4: {  	s29 =	simm.s32 $0x9;
	_ =	strace $0x80000048  }
0xb5: {  	_ =	swait.ge [sflag:s29], $0x1  }
0xb6: {  	[sflag:s29] =	ssyncadd.s32 $0xFFFFFFFF  }
0xb7: {  	_ =	strace $0x90000048  }
0xb8: {  	_ =	sfence  }
0xb9: {  	s30 =	sld [smem:$0x0];
	_ =	sdelay $0x2  }
0xba: {  	s31 =	sshll.u32 s1, $0xD;
	s1 =	sshrl.u32 s1, $0x2  }
0xbb: {  	s3 =	sand.u32 $0x4000, s31;
	s1 =	sadd.s32 s1, s30  }
0xbc: {  	s0 =	sor.u32 s3, s0;
	s1 =	sshll.u32 s1, $0x11  }
0xbd: {  	s0 =	sor.u32 s1, s0  }
0xbe: {  	s0 =	sadd.s32 $0x8F2B, s0  }
0xbf: {  	[sflag:s0] =	ssyncadd.remote.s32 $0x1  }
0xc0: {  	_ =	sfence.sel $0xFFFF  }
0xc1: {  	[dreg:$0x0] =	wrdreg $0xFFFFFFFF;
	(pc) =	sbr.abs _section_cstart, $3  }
0xc2: {  	[dreg:$0x1] =	wrdreg $0xFFFFFFFF  }
0xc3: {  	_ =	task.clear_ibuf [dreg:s8], $0x2FFFF;
	_ =	strace $0x9FFFFFFF  }
0xc4: {  	(tm) =	ssettm $0x7FFFFFFF  }
0xc5: {  	_ =	shalt  }
tec
execute0_lowered:
.L_overlay_start_1:
0x0: {  	(tag) =	ssettag $0x1  }
0x1: {  	s1 =	rddreg [dreg:$0x0]  }
0x2: {  	s0 =	srdreg.scid;
	s2 =	rddreg [dreg:$0x1]  }
0x3: {  	s5 =	stileid.u32;
	s3 =	rddreg [dreg:$0x2]  }
0x4: {  	s15 =	simm.s32 $0x80;
	s16 =	simm.s32 $0x6400;
	s17 =	simm.s32 $0xA400  }
0x5: {  	s21 =	simm.s32 $0x12400;
	s23 =	simm.s32 $0x16400;
	s28 =	simm.s32 $0x2  }
0x6: {  	s29 =	simm.s32 $0x3;
	s30 =	simm.s32 $0x7;
	s0 =	sand.u32 $0x1, s0  }
0x7: {  	s31 =	simm.s32 $0x4;
	s18 =	simm.s32 $0x6;
	s4 =	sshll.u32 s0, $0x4  }
0x8: {  	s22 =	simm.s32 $0xA;
	s0 =	ssub.s32 $0x2, s0;
	s6 =	sor.u32 s5, s4  }
0x9: {  	s4 =	simm.s32 $0x0;
	s8 =	sshrl.u32 s0, $0x1;
	s5 =	smul.u32 $0x6400, s6  }
0xa: {  	[smem:$0x7FF] =	sst s4;
	s6 =	smul.u32 $0x320000, s6;
	s0 =	ssub.s32 s0, s8  }
0xb: {  	s12 =	simm.s32 $0x0;
	_ =	strace $0x80000047;
	s0 =	smax.u32 s0, $0x1  }
0xc: {  	s7 =	sshrl.u32 s5, $0x3;
	s25 =	sshrl.u32 s6, $0x3;
	s8 =	sor.u32 $0x4000, s6  }
0xd: {  	s9 =	sor.u32 $0x8000, s6;
	s10 =	sor.u32 $0xC000, s6;
	s1 =	sadd.s32 s7, s1  }
0xe: {  	[dreg:$0x7] =	wrdreg s0;
	s26 =	sadd.s32 s3, s25;
	s1 =	sadd.s32 $0x400, s1  }
0xf: {  	s0 =	simm.s32 $0x5;
	s7 =	sadd.s32 $0x63000, s26;
	[dreg:$0x4] =	wrdreg s1  }
0x10: {  	s25 =	simm.s32 $0x1A400;
	[dreg:$0x5] =	wrdreg s7;
	s1 =	sadd.s32 $0x63800, s26  }
0x11: {  	s26 =	simm.s32 $0x1;
	[dreg:$0x6] =	wrdreg s1;
	s1 =	simm.s32 $0x8  }
.LBB2_1:
0x12: {  	[dreg:$0x8] =	wrdreg s12  }
0x13: {  	s7 =	rddreg [dreg:$0x4];
	s13 =	simm.s32 $0xD  }
0x14: {  	[tilespmem:s4], [sflag:$0xD] =	stream.linear.gather [hbm4b:s7+s4], $0x6400, $0x38;
	[tilespmem:$0x1E400] =	vst v63  }
0x15: {  	_ =	swait.ge [sflag:s13], $0x6400  }
0x16: {  	[sflag:s13] =	ssyncset.done $0x0  }
0x17: {  	[sflag:s13] =	ssyncadd.s32 $0xFFFF9C00  }
0x18: {  	[tilespmem:s16], [sflag:$0x1] =	stream.indirect.gather [hbm4b:s2+s15], $0x80, s4, s15, $0xb8;
	[tilespmem:$0x1E400] =	vst v63  }
0x19: {  	_ = 	snop  }
0x1a: {  	[tilespmem:s17], [sflag:$0x2] =	stream.indirect.gather [hbm4b:s2+s15], $0x80, s15, s15, $0xb8;
	[tilespmem:$0x1E400] =	vst v63  }
0x1b: {  	s14 =	simm.s32 $0x100;
	s11 =	simm.s32 $0xE400  }
0x1c: {  	[tilespmem:s11], [sflag:$0x3] =	stream.indirect.gather [hbm4b:s2+s15], $0x80, s14, s15, $0xb8;
	[tilespmem:$0x1E400] =	vst v63  }
0x1d: {  	s19 =	simm.s32 $0x180  }
0x1e: {  	[tilespmem:s21], [sflag:$0x4] =	stream.indirect.gather [hbm4b:s2+s15], $0x80, s19, s15, $0xb8;
	[tilespmem:$0x1E400] =	vst v63  }
0x1f: {  	s20 =	simm.s32 $0x200  }
0x20: {  	[tilespmem:s23], [sflag:$0x5] =	stream.indirect.gather [hbm4b:s2+s15], $0x80, s20, s15, $0xb8;
	[tilespmem:$0x1E400] =	vst v63  }
0x21: {  	s24 =	simm.s32 $0x280;
	s12 =	simm.s32 $0x0  }
0x22: {  	[tilespmem:s25], [sflag:$0x6] =	stream.indirect.gather [hbm4b:s2+s15], $0x80, s24, s15, $0xb8;
	[tilespmem:$0x1E400] =	vst v63  }
.LBB2_2:
0x23: {  	_ =	swait.ge [sflag:s26], $0x4000  }
0x24: {  	[sflag:s26] =	ssyncset.done $0x0  }
0x25: {  	s13 =	simm.s32 $0x6480;
	[sflag:s26] =	ssyncadd.s32 $0xFFFFC000  }
0x26: {  	v0 =	vld [tilespmem:s13+$0xFFFFFF80]  }
0x27: {  	v1 =	vld [tilespmem:s13+$0xFFFFFF90]  }
0x28: {  	v2 =	vld [tilespmem:s13+$0xFFFFFFA0]  }
0x29: {  	v3 =	vld [tilespmem:s13+$0xFFFFFFB0]  }
0x2a: {  	v4 =	vld [tilespmem:s13+$0xFFFFFFC0]  }
0x2b: {  	v5 =	vld [tilespmem:s13+$0xFFFFFFD0];
	v0 =	vmul.f32 $1.131370830e+01, v0  }
0x2c: {  	v6 =	vld [tilespmem:s13+$0xFFFFFFE0];
	v1 =	vmul.f32 $1.131370830e+01, v1  }
0x2d: {  	[tilespmem:s13+$0xFFFFFF80] =	vst v0;
	v0 =	vmul.f32 $1.131370830e+01, v2;
	v2 =	vld [tilespmem:s13+$0x0]  }
0x2e: {  	[tilespmem:s13+$0xFFFFFF90] =	vst v1;
	v1 =	vmul.f32 $1.131370830e+01, v3;
	v3 =	vld [tilespmem:s13+$0x10]  }
0x2f: {  	[tilespmem:s13+$0xFFFFFFA0] =	vst v0;
	v0 =	vmul.f32 $1.131370830e+01, v4;
	v4 =	vld [tilespmem:s13+$0x20]  }
0x30: {  	v7 =	vld [tilespmem:s13+$0x30];
	[tilespmem:s13+$0xFFFFFFB0] =	vst v1;
	v1 =	vmul.f32 $1.131370830e+01, v5  }
0x31: {  	v5 =	vmul.f32 $1.131370830e+01, v6;
	[tilespmem:s13+$0xFFFFFFC0] =	vst v0;
	v0 =	vld [tilespmem:s13+$0x40]  }
0x32: {  	[tilespmem:s13+$0xFFFFFFD0] =	vst v1;
	v1 =	vmul.f32 $1.131370830e+01, v2;
	v2 =	vld [tilespmem:s13+$0x50]  }
0x33: {  	[tilespmem:s13+$0xFFFFFFE0] =	vst v5;
	v6 =	vmul.f32 $1.131370830e+01, v3;
	v3 =	vld [tilespmem:s13+$0x60]  }
0x34: {  	[tilespmem:s13+$0x0] =	vst v1;
	v5 =	vmul.f32 $1.131370830e+01, v4;
	v4 =	vld [tilespmem:s13+$0x70]  }
0x35: {  	s7 =	simm.s32 $0x0;
	s11 =	simm.s32 $0x6580;
	v1 =	vld [tilespmem:s13+$0xFFFFFFF0];
	[tilespmem:s13+$0x10] =	vst v6;
	v6 =	vmul.f32 $1.131370830e+01, v7  }
.LBB2_3:
0x36: {  	v7 =	vld [tilespmem:s11+$0xFFFFFF80];
	[tilespmem:s13+$0x20] =	vst v5;
	v0 =	vmul.f32 $1.131370830e+01, v0  }
0x37: {  	v5 =	vld [tilespmem:s11+$0xFFFFFF90];
	[tilespmem:s13+$0x30] =	vst v6;
	v2 =	vmul.f32 $1.131370830e+01, v2  }
0x38: {  	v6 =	vld [tilespmem:s11+$0xFFFFFFA0];
	[tilespmem:s13+$0x40] =	vst v0;
	v0 =	vmul.f32 $1.131370830e+01, v3  }
0x39: {  	v3 =	vld [tilespmem:s11+$0xFFFFFFB0];
	[tilespmem:s13+$0x50] =	vst v2;
	v2 =	vmul.f32 $1.131370830e+01, v4  }
0x3a: {  	v4 =	vld [tilespmem:s11+$0xFFFFFFC0];
	v1 =	vmul.f32 $1.131370830e+01, v1;
	[tilespmem:s13+$0x60] =	vst v0  }
0x3b: {  	v0 =	vmul.f32 $1.131370830e+01, v7;
	v7 =	vld [tilespmem:s11+$0xFFFFFFD0];
	[tilespmem:s13+$0x70] =	vst v2  }
0x3c: {  	v2 =	vmul.f32 $1.131370830e+01, v5;
	v5 =	vld [tilespmem:s11+$0xFFFFFFE0];
	[tilespmem:s13+$0xFFFFFFF0] =	vst v1;
	s13 =	smov.u32 s11  }
0x3d: {  	[tilespmem:s11+$0xFFFFFF80] =	vst v0;
	v0 =	vmul.f32 $1.131370830e+01, v6;
	v1 =	vld [tilespmem:s11+$0x0]  }
0x3e: {  	[tilespmem:s11+$0xFFFFFF90] =	vst v2;
	v2 =	vmul.f32 $1.131370830e+01, v3;
	v3 =	vld [tilespmem:s11+$0x10]  }
0x3f: {  	s7 =	sadd.s32 $0x2, s7;
	[tilespmem:s11+$0xFFFFFFA0] =	vst v0;
	v0 =	vmul.f32 $1.131370830e+01, v4;
	v4 =	vld [tilespmem:s11+$0x20]  }
0x40: {  	p0 =	slt.u32 s7, $0x7E;
	[tilespmem:s11+$0xFFFFFFB0] =	vst v2;
	v2 =	vmul.f32 $1.131370830e+01, v7;
	v6 =	vld [tilespmem:s11+$0x30]  }
.Ltmp0:
0x41: {  	[tilespmem:s11+$0xFFFFFFC0] =	vst v0;
	v5 =	vmul.f32 $1.131370830e+01, v5;
	v0 =	vld [tilespmem:s11+$0x40];
	(pc) =	sbr.rel @p0 .LBB2_3-.Ltmp0, $4  }
0x42: {  	[tilespmem:s11+$0xFFFFFFD0] =	vst v2;
	v1 =	vmul.f32 $1.131370830e+01, v1;
	v2 =	vld [tilespmem:s11+$0x50]  }
0x43: {  	[tilespmem:s11+$0xFFFFFFE0] =	vst v5;
	v7 =	vmul.f32 $1.131370830e+01, v3;
	v3 =	vld [tilespmem:s11+$0x60]  }
0x44: {  	[tilespmem:s11+$0x0] =	vst v1;
	v5 =	vmul.f32 $1.131370830e+01, v4;
	v4 =	vld [tilespmem:s11+$0x70]  }
0x45: {  	s11 =	sadd.s32 $0x100, s11;
	v1 =	vld [tilespmem:s13+$0xFFFFFFF0];
	[tilespmem:s13+$0x10] =	vst v7;
	v6 =	vmul.f32 $1.131370830e+01, v6  }
0x46: {  	[tilespmem:s13+$0x20] =	vst v5;
	v0 =	vmul.f32 $1.131370830e+01, v0  }
0x47: {  	[tilespmem:s13+$0x30] =	vst v6;
	v2 =	vmul.f32 $1.131370830e+01, v2  }
0x48: {  	s7 =	smul.u32 $0x300, s12;
	[tilespmem:s13+$0x40] =	vst v0;
	v0 =	vmul.f32 $1.131370830e+01, v3  }
0x49: {  	[tilespmem:s13+$0x50] =	vst v2;
	v2 =	vmul.f32 $1.131370830e+01, v4  }
0x4a: {  	s7 =	sadd.s32 s5, s7;
	v1 =	vmul.f32 $1.131370830e+01, v1;
	[tilespmem:s13+$0x60] =	vst v0  }
0x4b: {  	s7 =	sshll.u32 s7, $0x4;
	[tilespmem:s13+$0x70] =	vst v2  }
0x4c: {  	p0 =	seq.s32 s12, $0x0;
	s7 =	sadd.s32 s3, s7;
	[tilespmem:s13+$0xFFFFFFF0] =	vst v1  }
0x4d: {  	[hbm4b:s7+s4] =	stream.linear.scatter [tilespmem:s16], [sflag:$0x7], $0x4000, $0x38;
	[tilespmem:$0x1E400] =	vst v63  }
0x4e: {  	s14 =	smul.u32 $0x6, s12;
	s7 =	simm.s32 @!p0 $0xB  }
0x4f: {  	_ =	swait.ge @!p0 [sflag:s7], $0x4000  }
0x50: {  	s13 =	sadd.s32 $0x4, s14;
	[sflag:s7] =	ssyncset.done @!p0 $0x0  }
0x51: {  	[sflag:s7] =	ssyncadd.s32 @!p0 $0xFFFFC000;
	s7 =	sshll.u32 @!p0 s13, $0x7  }
0x52: {  	s11 =	simm.s32 @!p0 $0x80;
	s19 =	simm.s32 @!p0 $0x16400;
	s7 =	sand.u32 @!p0 $0x3FFFFF80, s7  }
0x53: {  	[tilespmem:s19], [sflag:$0x5] =	stream.indirect.gather @!p0 [hbm4b:s2+s11], $0x80, s7, s11, $0xb8;
	[tilespmem:$0x1E400] =	vst v63  }
0x54: {  	_ =	swait.ge [sflag:s28], $0x4000  }
0x55: {  	[sflag:s28] =	ssyncset.done $0x0  }
0x56: {  	s20 =	simm.s32 $0xA480;
	[sflag:s28] =	ssyncadd.s32 $0xFFFFC000  }
0x57: {  	v0 =	vld [tilespmem:s20+$0xFFFFFF80]  }
0x58: {  	v1 =	vld [tilespmem:s20+$0xFFFFFF90]  }
0x59: {  	v2 =	vld [tilespmem:s20+$0xFFFFFFA0]  }
0x5a: {  	v3 =	vld [tilespmem:s20+$0xFFFFFFB0]  }
0x5b: {  	v4 =	vld [tilespmem:s20+$0xFFFFFFC0]  }
0x5c: {  	v5 =	vld [tilespmem:s20+$0xFFFFFFD0];
	v0 =	vmul.f32 $1.131370830e+01, v0  }
0x5d: {  	v6 =	vld [tilespmem:s20+$0xFFFFFFE0];
	v1 =	vmul.f32 $1.131370830e+01, v1  }
0x5e: {  	[tilespmem:s20+$0xFFFFFF80] =	vst v0;
	v0 =	vmul.f32 $1.131370830e+01, v2;
	v2 =	vld [tilespmem:s20+$0x0]  }
0x5f: {  	[tilespmem:s20+$0xFFFFFF90] =	vst v1;
	v1 =	vmul.f32 $1.131370830e+01, v3;
	v3 =	vld [tilespmem:s20+$0x10]  }
0x60: {  	[tilespmem:s20+$0xFFFFFFA0] =	vst v0;
	v0 =	vmul.f32 $1.131370830e+01, v4;
	v4 =	vld [tilespmem:s20+$0x20]  }
0x61: {  	v7 =	vld [tilespmem:s20+$0x30];
	[tilespmem:s20+$0xFFFFFFB0] =	vst v1;
	v1 =	vmul.f32 $1.131370830e+01, v5  }
0x62: {  	v5 =	vmul.f32 $1.131370830e+01, v6;
	[tilespmem:s20+$0xFFFFFFC0] =	vst v0;
	v0 =	vld [tilespmem:s20+$0x40]  }
0x63: {  	[tilespmem:s20+$0xFFFFFFD0] =	vst v1;
	v1 =	vmul.f32 $1.131370830e+01, v2;
	v2 =	vld [tilespmem:s20+$0x50]  }
0x64: {  	[tilespmem:s20+$0xFFFFFFE0] =	vst v5;
	v6 =	vmul.f32 $1.131370830e+01, v3;
	v3 =	vld [tilespmem:s20+$0x60]  }
0x65: {  	[tilespmem:s20+$0x0] =	vst v1;
	v5 =	vmul.f32 $1.131370830e+01, v4;
	v4 =	vld [tilespmem:s20+$0x70]  }
0x66: {  	s7 =	simm.s32 $0x0;
	s11 =	simm.s32 $0xA580;
	v1 =	vld [tilespmem:s20+$0xFFFFFFF0];
	[tilespmem:s20+$0x10] =	vst v6;
	v6 =	vmul.f32 $1.131370830e+01, v7  }
.LBB2_5:
0x67: {  	v7 =	vld [tilespmem:s11+$0xFFFFFF80];
	[tilespmem:s20+$0x20] =	vst v5;
	v0 =	vmul.f32 $1.131370830e+01, v0  }
0x68: {  	v5 =	vld [tilespmem:s11+$0xFFFFFF90];
	[tilespmem:s20+$0x30] =	vst v6;
	v2 =	vmul.f32 $1.131370830e+01, v2  }
0x69: {  	v6 =	vld [tilespmem:s11+$0xFFFFFFA0];
	[tilespmem:s20+$0x40] =	vst v0;
	v0 =	vmul.f32 $1.131370830e+01, v3  }
0x6a: {  	v3 =	vld [tilespmem:s11+$0xFFFFFFB0];
	[tilespmem:s20+$0x50] =	vst v2;
	v2 =	vmul.f32 $1.131370830e+01, v4  }
0x6b: {  	v4 =	vld [tilespmem:s11+$0xFFFFFFC0];
	v1 =	vmul.f32 $1.131370830e+01, v1;
	[tilespmem:s20+$0x60] =	vst v0  }
0x6c: {  	v0 =	vmul.f32 $1.131370830e+01, v7;
	v7 =	vld [tilespmem:s11+$0xFFFFFFD0];
	[tilespmem:s20+$0x70] =	vst v2  }
0x6d: {  	v2 =	vmul.f32 $1.131370830e+01, v5;
	v5 =	vld [tilespmem:s11+$0xFFFFFFE0];
	[tilespmem:s20+$0xFFFFFFF0] =	vst v1;
	s20 =	smov.u32 s11  }
0x6e: {  	[tilespmem:s11+$0xFFFFFF80] =	vst v0;
	v0 =	vmul.f32 $1.131370830e+01, v6;
	v1 =	vld [tilespmem:s11+$0x0]  }
0x6f: {  	[tilespmem:s11+$0xFFFFFF90] =	vst v2;
	v2 =	vmul.f32 $1.131370830e+01, v3;
	v3 =	vld [tilespmem:s11+$0x10]  }
0x70: {  	s7 =	sadd.s32 $0x2, s7;
	[tilespmem:s11+$0xFFFFFFA0] =	vst v0;
	v0 =	vmul.f32 $1.131370830e+01, v4;
	v4 =	vld [tilespmem:s11+$0x20]  }
0x71: {  	p1 =	slt.u32 s7, $0x7E;
	[tilespmem:s11+$0xFFFFFFB0] =	vst v2;
	v2 =	vmul.f32 $1.131370830e+01, v7;
	v6 =	vld [tilespmem:s11+$0x30]  }
.Ltmp1:
0x72: {  	[tilespmem:s11+$0xFFFFFFC0] =	vst v0;
	v5 =	vmul.f32 $1.131370830e+01, v5;
	v0 =	vld [tilespmem:s11+$0x40];
	(pc) =	sbr.rel @p1 .LBB2_5-.Ltmp1, $4  }
0x73: {  	[tilespmem:s11+$0xFFFFFFD0] =	vst v2;
	v1 =	vmul.f32 $1.131370830e+01, v1;
	v2 =	vld [tilespmem:s11+$0x50]  }
0x74: {  	[tilespmem:s11+$0xFFFFFFE0] =	vst v5;
	v7 =	vmul.f32 $1.131370830e+01, v3;
	v3 =	vld [tilespmem:s11+$0x60]  }
0x75: {  	[tilespmem:s11+$0x0] =	vst v1;
	v5 =	vmul.f32 $1.131370830e+01, v4;
	v4 =	vld [tilespmem:s11+$0x70]  }
0x76: {  	s11 =	sadd.s32 $0x100, s11;
	v1 =	vld [tilespmem:s20+$0xFFFFFFF0];
	[tilespmem:s20+$0x10] =	vst v7;
	v6 =	vmul.f32 $1.131370830e+01, v6  }
0x77: {  	[tilespmem:s20+$0x20] =	vst v5;
	v0 =	vmul.f32 $1.131370830e+01, v0  }
0x78: {  	[tilespmem:s20+$0x30] =	vst v6;
	v2 =	vmul.f32 $1.131370830e+01, v2  }
0x79: {  	s24 =	smul.u32 $0x18000, s12;
	[tilespmem:s20+$0x40] =	vst v0;
	v0 =	vmul.f32 $1.131370830e+01, v3  }
0x7a: {  	[tilespmem:s20+$0x50] =	vst v2;
	v2 =	vmul.f32 $1.131370830e+01, v4  }
0x7b: {  	s7 =	sadd.s32 s8, s24;
	v1 =	vmul.f32 $1.131370830e+01, v1;
	[tilespmem:s20+$0x60] =	vst v0  }
0x7c: {  	s7 =	sshrl.u32 s7, $0x3;
	[tilespmem:s20+$0x70] =	vst v2  }
0x7d: {  	s7 =	sadd.s32 s3, s7;
	[tilespmem:s20+$0xFFFFFFF0] =	vst v1  }
0x7e: {  	[hbm4b:s7+s4] =	stream.linear.scatter [tilespmem:s17], [sflag:$0x8], $0x4000, $0x38;
	[tilespmem:$0x1E400] =	vst v63  }
0x7f: {  	s7 =	simm.s32 @!p0 $0xC  }
0x80: {  	_ =	swait.ge @!p0 [sflag:s7], $0x4000  }
0x81: {  	s14 =	sadd.s32 $0x5, s14;
	[sflag:s7] =	ssyncset.done @!p0 $0x0  }
0x82: {  	[sflag:s7] =	ssyncadd.s32 @!p0 $0xFFFFC000;
	s7 =	sshll.u32 @!p0 s14, $0x7  }
0x83: {  	s11 =	simm.s32 @!p0 $0x80;
	s19 =	simm.s32 @!p0 $0x1A400;
	s7 =	sand.u32 @!p0 $0x3FFFFF80, s7  }
0x84: {  	[tilespmem:s19], [sflag:$0x6] =	stream.indirect.gather @!p0 [hbm4b:s2+s11], $0x80, s7, s11, $0xb8;
	[tilespmem:$0x1E400] =	vst v63  }
0x85: {  	_ =	swait.ge [sflag:s29], $0x4000  }
0x86: {  	[sflag:s29] =	ssyncset.done $0x0  }
0x87: {  	s20 =	simm.s32 $0xE480;
	[sflag:s29] =	ssyncadd.s32 $0xFFFFC000  }
0x88: {  	v0 =	vld [tilespmem:s20+$0xFFFFFF80]  }
0x89: {  	v1 =	vld [tilespmem:s20+$0xFFFFFF90]  }
0x8a: {  	v2 =	vld [tilespmem:s20+$0xFFFFFFA0]  }
0x8b: {  	v3 =	vld [tilespmem:s20+$0xFFFFFFB0]  }
0x8c: {  	v4 =	vld [tilespmem:s20+$0xFFFFFFC0]  }
0x8d: {  	v5 =	vld [tilespmem:s20+$0xFFFFFFD0];
	v0 =	vmul.f32 $1.131370830e+01, v0  }
0x8e: {  	v6 =	vld [tilespmem:s20+$0xFFFFFFE0];
	v1 =	vmul.f32 $1.131370830e+01, v1  }
0x8f: {  	[tilespmem:s20+$0xFFFFFF80] =	vst v0;
	v0 =	vmul.f32 $1.131370830e+01, v2;
	v2 =	vld [tilespmem:s20+$0x0]  }
0x90: {  	[tilespmem:s20+$0xFFFFFF90] =	vst v1;
	v1 =	vmul.f32 $1.131370830e+01, v3;
	v3 =	vld [tilespmem:s20+$0x10]  }
0x91: {  	[tilespmem:s20+$0xFFFFFFA0] =	vst v0;
	v0 =	vmul.f32 $1.131370830e+01, v4;
	v4 =	vld [tilespmem:s20+$0x20]  }
0x92: {  	v7 =	vld [tilespmem:s20+$0x30];
	[tilespmem:s20+$0xFFFFFFB0] =	vst v1;
	v1 =	vmul.f32 $1.131370830e+01, v5  }
0x93: {  	v5 =	vmul.f32 $1.131370830e+01, v6;
	[tilespmem:s20+$0xFFFFFFC0] =	vst v0;
	v0 =	vld [tilespmem:s20+$0x40]  }
0x94: {  	[tilespmem:s20+$0xFFFFFFD0] =	vst v1;
	v1 =	vld [tilespmem:s20+$0x50];
	v2 =	vmul.f32 $1.131370830e+01, v2  }
0x95: {  	[tilespmem:s20+$0xFFFFFFE0] =	vst v5;
	v6 =	vmul.f32 $1.131370830e+01, v3;
	v3 =	vld [tilespmem:s20+$0x60]  }
0x96: {  	[tilespmem:s20+$0x0] =	vst v2;
	v5 =	vmul.f32 $1.131370830e+01, v4;
	v4 =	vld [tilespmem:s20+$0x70]  }
0x97: {  	s7 =	simm.s32 $0x0;
	s11 =	simm.s32 $0xE580;
	v2 =	vld [tilespmem:s20+$0xFFFFFFF0];
	[tilespmem:s20+$0x10] =	vst v6;
	v6 =	vmul.f32 $1.131370830e+01, v7  }
.LBB2_7:
0x98: {  	v7 =	vld [tilespmem:s11+$0xFFFFFF80];
	[tilespmem:s20+$0x20] =	vst v5;
	v0 =	vmul.f32 $1.131370830e+01, v0  }
0x99: {  	v5 =	vld [tilespmem:s11+$0xFFFFFF90];
	[tilespmem:s20+$0x30] =	vst v6;
	v1 =	vmul.f32 $1.131370830e+01, v1  }
0x9a: {  	v6 =	vld [tilespmem:s11+$0xFFFFFFA0];
	[tilespmem:s20+$0x40] =	vst v0;
	v0 =	vmul.f32 $1.131370830e+01, v3  }
0x9b: {  	v3 =	vld [tilespmem:s11+$0xFFFFFFB0];
	[tilespmem:s20+$0x50] =	vst v1;
	v1 =	vmul.f32 $1.131370830e+01, v4  }
0x9c: {  	v4 =	vld [tilespmem:s11+$0xFFFFFFC0];
	v2 =	vmul.f32 $1.131370830e+01, v2;
	[tilespmem:s20+$0x60] =	vst v0  }
0x9d: {  	v0 =	vmul.f32 $1.131370830e+01, v7;
	v7 =	vld [tilespmem:s11+$0xFFFFFFD0];
	[tilespmem:s20+$0x70] =	vst v1  }
0x9e: {  	v1 =	vmul.f32 $1.131370830e+01, v5;
	v5 =	vld [tilespmem:s11+$0xFFFFFFE0];
	[tilespmem:s20+$0xFFFFFFF0] =	vst v2;
	s20 =	smov.u32 s11  }
0x9f: {  	[tilespmem:s11+$0xFFFFFF80] =	vst v0;
	v0 =	vmul.f32 $1.131370830e+01, v6;
	v2 =	vld [tilespmem:s11+$0x0]  }
0xa0: {  	[tilespmem:s11+$0xFFFFFF90] =	vst v1;
	v1 =	vmul.f32 $1.131370830e+01, v3;
	v3 =	vld [tilespmem:s11+$0x10]  }
0xa1: {  	s7 =	sadd.s32 $0x2, s7;
	[tilespmem:s11+$0xFFFFFFA0] =	vst v0;
	v0 =	vmul.f32 $1.131370830e+01, v4;
	v4 =	vld [tilespmem:s11+$0x20]  }
0xa2: {  	p0 =	slt.u32 s7, $0x7E;
	[tilespmem:s11+$0xFFFFFFB0] =	vst v1;
	v1 =	vmul.f32 $1.131370830e+01, v7;
	v6 =	vld [tilespmem:s11+$0x30]  }
.Ltmp2:
0xa3: {  	[tilespmem:s11+$0xFFFFFFC0] =	vst v0;
	v5 =	vmul.f32 $1.131370830e+01, v5;
	v0 =	vld [tilespmem:s11+$0x40];
	(pc) =	sbr.rel @p0 .LBB2_7-.Ltmp2, $4  }
0xa4: {  	[tilespmem:s11+$0xFFFFFFD0] =	vst v1;
	v2 =	vmul.f32 $1.131370830e+01, v2;
	v1 =	vld [tilespmem:s11+$0x50]  }
0xa5: {  	[tilespmem:s11+$0xFFFFFFE0] =	vst v5;
	v7 =	vmul.f32 $1.131370830e+01, v3;
	v3 =	vld [tilespmem:s11+$0x60]  }
0xa6: {  	[tilespmem:s11+$0x0] =	vst v2;
	v5 =	vmul.f32 $1.131370830e+01, v4;
	v4 =	vld [tilespmem:s11+$0x70]  }
0xa7: {  	s11 =	sadd.s32 $0x100, s11;
	v2 =	vld [tilespmem:s20+$0xFFFFFFF0];
	[tilespmem:s20+$0x10] =	vst v7;
	v6 =	vmul.f32 $1.131370830e+01, v6  }
0xa8: {  	[tilespmem:s20+$0x20] =	vst v5;
	v0 =	vmul.f32 $1.131370830e+01, v0  }
0xa9: {  	[tilespmem:s20+$0x30] =	vst v6;
	v1 =	vmul.f32 $1.131370830e+01, v1  }
0xaa: {  	[tilespmem:s20+$0x40] =	vst v0;
	v0 =	vmul.f32 $1.131370830e+01, v3  }
0xab: {  	[tilespmem:s20+$0x50] =	vst v1;
	v1 =	vmul.f32 $1.131370830e+01, v4  }
0xac: {  	s7 =	sadd.s32 s9, s24;
	v2 =	vmul.f32 $1.131370830e+01, v2;
	[tilespmem:s20+$0x60] =	vst v0  }
0xad: {  	s7 =	sshrl.u32 s7, $0x3;
	[tilespmem:s20+$0x70] =	vst v1  }
0xae: {  	s11 =	simm.s32 $0xE400;
	s7 =	sadd.s32 s3, s7;
	[tilespmem:s20+$0xFFFFFFF0] =	vst v2;
	s20 =	smul.u32 $0xC00, s12  }
0xaf: {  	[hbm4b:s7+s4] =	stream.linear.scatter [tilespmem:s11], [sflag:$0x9], $0x4000, $0x38;
	[tilespmem:$0x1E400] =	vst v63  }
0xb0: {  	_ =	swait.ge [sflag:s30], $0x4000  }
0xb1: {  	s20 =	sshra.s32 s20, $0x2;
	[sflag:s30] =	ssyncset.done $0x0  }
0xb2: {  	s7 =	sadd.s32 $0x300, s20;
	[sflag:s30] =	ssyncadd.s32 $0xFFFFC000  }
0xb3: {  	[tilespmem:s16], [sflag:$0x1] =	stream.indirect.gather [hbm4b:s2+s15], $0x80, s7, s15, $0xb8;
	[tilespmem:$0x1E400] =	vst v63  }
0xb4: {  	_ =	swait.ge [sflag:s31], $0x4000  }
0xb5: {  	[sflag:s31] =	ssyncset.done $0x0  }
0xb6: {  	s7 =	simm.s32 $0x12480;
	[sflag:s31] =	ssyncadd.s32 $0xFFFFC000  }
0xb7: {  	v0 =	vld [tilespmem:s7+$0xFFFFFF80]  }
0xb8: {  	v1 =	vld [tilespmem:s7+$0xFFFFFF90]  }
0xb9: {  	v2 =	vld [tilespmem:s7+$0xFFFFFFA0]  }
0xba: {  	v3 =	vld [tilespmem:s7+$0xFFFFFFB0]  }
0xbb: {  	v4 =	vld [tilespmem:s7+$0xFFFFFFC0]  }
0xbc: {  	v5 =	vld [tilespmem:s7+$0xFFFFFFD0];
	v0 =	vmul.f32 $1.131370830e+01, v0  }
0xbd: {  	v6 =	vld [tilespmem:s7+$0xFFFFFFE0];
	v1 =	vmul.f32 $1.131370830e+01, v1  }
0xbe: {  	[tilespmem:s7+$0xFFFFFF80] =	vst v0;
	v0 =	vmul.f32 $1.131370830e+01, v2;
	v2 =	vld [tilespmem:s7+$0x0]  }
0xbf: {  	[tilespmem:s7+$0xFFFFFF90] =	vst v1;
	v1 =	vmul.f32 $1.131370830e+01, v3;
	v3 =	vld [tilespmem:s7+$0x10]  }
0xc0: {  	[tilespmem:s7+$0xFFFFFFA0] =	vst v0;
	v0 =	vmul.f32 $1.131370830e+01, v4;
	v4 =	vld [tilespmem:s7+$0x20]  }
0xc1: {  	v7 =	vld [tilespmem:s7+$0x30];
	[tilespmem:s7+$0xFFFFFFB0] =	vst v1;
	v1 =	vmul.f32 $1.131370830e+01, v5  }
0xc2: {  	v5 =	vmul.f32 $1.131370830e+01, v6;
	[tilespmem:s7+$0xFFFFFFC0] =	vst v0;
	v0 =	vld [tilespmem:s7+$0x40]  }
0xc3: {  	[tilespmem:s7+$0xFFFFFFD0] =	vst v1;
	v1 =	vld [tilespmem:s7+$0x50];
	v2 =	vmul.f32 $1.131370830e+01, v2  }
0xc4: {  	[tilespmem:s7+$0xFFFFFFE0] =	vst v5;
	v6 =	vmul.f32 $1.131370830e+01, v3;
	v3 =	vld [tilespmem:s7+$0x60]  }
0xc5: {  	[tilespmem:s7+$0x0] =	vst v2;
	v5 =	vmul.f32 $1.131370830e+01, v4;
	v4 =	vld [tilespmem:s7+$0x70]  }
0xc6: {  	s19 =	simm.s32 $0x12580;
	s11 =	simm.s32 $0x0;
	v2 =	vld [tilespmem:s7+$0xFFFFFFF0];
	[tilespmem:s7+$0x10] =	vst v6;
	v6 =	vmul.f32 $1.131370830e+01, v7  }
.LBB2_9:
0xc7: {  	v7 =	vld [tilespmem:s19+$0xFFFFFF80];
	[tilespmem:s7+$0x20] =	vst v5;
	v0 =	vmul.f32 $1.131370830e+01, v0  }
0xc8: {  	v5 =	vld [tilespmem:s19+$0xFFFFFF90];
	[tilespmem:s7+$0x30] =	vst v6;
	v1 =	vmul.f32 $1.131370830e+01, v1  }
0xc9: {  	v6 =	vld [tilespmem:s19+$0xFFFFFFA0];
	[tilespmem:s7+$0x40] =	vst v0;
	v0 =	vmul.f32 $1.131370830e+01, v3  }
0xca: {  	v3 =	vld [tilespmem:s19+$0xFFFFFFB0];
	[tilespmem:s7+$0x50] =	vst v1;
	v1 =	vmul.f32 $1.131370830e+01, v4  }
0xcb: {  	v4 =	vld [tilespmem:s19+$0xFFFFFFC0];
	v2 =	vmul.f32 $1.131370830e+01, v2;
	[tilespmem:s7+$0x60] =	vst v0  }
0xcc: {  	v0 =	vmul.f32 $1.131370830e+01, v7;
	v7 =	vld [tilespmem:s19+$0xFFFFFFD0];
	[tilespmem:s7+$0x70] =	vst v1  }
0xcd: {  	v1 =	vmul.f32 $1.131370830e+01, v5;
	v5 =	vld [tilespmem:s19+$0xFFFFFFE0];
	[tilespmem:s7+$0xFFFFFFF0] =	vst v2;
	s7 =	smov.u32 s19  }
0xce: {  	[tilespmem:s19+$0xFFFFFF80] =	vst v0;
	v0 =	vmul.f32 $1.131370830e+01, v6;
	v2 =	vld [tilespmem:s19+$0x0]  }
0xcf: {  	[tilespmem:s19+$0xFFFFFF90] =	vst v1;
	v1 =	vmul.f32 $1.131370830e+01, v3;
	v3 =	vld [tilespmem:s19+$0x10]  }
0xd0: {  	s11 =	sadd.s32 $0x2, s11;
	[tilespmem:s19+$0xFFFFFFA0] =	vst v0;
	v0 =	vmul.f32 $1.131370830e+01, v4;
	v4 =	vld [tilespmem:s19+$0x20]  }
0xd1: {  	p0 =	slt.u32 s11, $0x7E;
	[tilespmem:s19+$0xFFFFFFB0] =	vst v1;
	v1 =	vmul.f32 $1.131370830e+01, v7;
	v6 =	vld [tilespmem:s19+$0x30]  }
.Ltmp3:
0xd2: {  	[tilespmem:s19+$0xFFFFFFC0] =	vst v0;
	v5 =	vmul.f32 $1.131370830e+01, v5;
	v0 =	vld [tilespmem:s19+$0x40];
	(pc) =	sbr.rel @p0 .LBB2_9-.Ltmp3, $4  }
0xd3: {  	[tilespmem:s19+$0xFFFFFFD0] =	vst v1;
	v2 =	vmul.f32 $1.131370830e+01, v2;
	v1 =	vld [tilespmem:s19+$0x50]  }
0xd4: {  	[tilespmem:s19+$0xFFFFFFE0] =	vst v5;
	v7 =	vmul.f32 $1.131370830e+01, v3;
	v3 =	vld [tilespmem:s19+$0x60]  }
0xd5: {  	[tilespmem:s19+$0x0] =	vst v2;
	v5 =	vmul.f32 $1.131370830e+01, v4;
	v4 =	vld [tilespmem:s19+$0x70]  }
0xd6: {  	s19 =	sadd.s32 $0x100, s19;
	v2 =	vld [tilespmem:s7+$0xFFFFFFF0];
	[tilespmem:s7+$0x10] =	vst v7;
	v6 =	vmul.f32 $1.131370830e+01, v6  }
0xd7: {  	[tilespmem:s7+$0x20] =	vst v5;
	v0 =	vmul.f32 $1.131370830e+01, v0  }
0xd8: {  	[tilespmem:s7+$0x30] =	vst v6;
	v1 =	vmul.f32 $1.131370830e+01, v1  }
0xd9: {  	[tilespmem:s7+$0x40] =	vst v0;
	v0 =	vmul.f32 $1.131370830e+01, v3  }
0xda: {  	[tilespmem:s7+$0x50] =	vst v1;
	v1 =	vmul.f32 $1.131370830e+01, v4  }
0xdb: {  	s11 =	sadd.s32 s10, s24;
	v2 =	vmul.f32 $1.131370830e+01, v2;
	[tilespmem:s7+$0x60] =	vst v0  }
0xdc: {  	s11 =	sshrl.u32 s11, $0x3;
	[tilespmem:s7+$0x70] =	vst v1  }
0xdd: {  	s19 =	sadd.s32 s3, s11;
	[tilespmem:s7+$0xFFFFFFF0] =	vst v2  }
0xde: {  	[hbm4b:s19+s4] =	stream.linear.scatter [tilespmem:s21], [sflag:$0xA], $0x4000, $0x38;
	[tilespmem:$0x1E400] =	vst v63  }
0xdf: {  	_ =	swait.ge [sflag:s1], $0x4000  }
0xe0: {  	[sflag:s1] =	ssyncset.done $0x0  }
0xe1: {  	s24 =	sadd.s32 $0x380, s20;
	[sflag:s1] =	ssyncadd.s32 $0xFFFFC000  }
0xe2: {  	[tilespmem:s17], [sflag:$0x2] =	stream.indirect.gather [hbm4b:s2+s15], $0x80, s24, s15, $0xb8;
	[tilespmem:$0x1E400] =	vst v63  }
0xe3: {  	_ =	swait.ge [sflag:s0], $0x4000  }
0xe4: {  	[sflag:s0] =	ssyncset.done $0x0  }
0xe5: {  	s24 =	simm.s32 $0x16480;
	[sflag:s0] =	ssyncadd.s32 $0xFFFFC000  }
0xe6: {  	v0 =	vld [tilespmem:s24+$0xFFFFFF80]  }
0xe7: {  	v1 =	vld [tilespmem:s24+$0xFFFFFF90]  }
0xe8: {  	v2 =	vld [tilespmem:s24+$0xFFFFFFA0]  }
0xe9: {  	v3 =	vld [tilespmem:s24+$0xFFFFFFB0]  }
0xea: {  	v4 =	vld [tilespmem:s24+$0xFFFFFFC0]  }
0xeb: {  	v5 =	vld [tilespmem:s24+$0xFFFFFFD0];
	v0 =	vmul.f32 $1.131370830e+01, v0  }
0xec: {  	v6 =	vld [tilespmem:s24+$0xFFFFFFE0];
	v1 =	vmul.f32 $1.131370830e+01, v1  }
0xed: {  	[tilespmem:s24+$0xFFFFFF80] =	vst v0;
	v0 =	vmul.f32 $1.131370830e+01, v2;
	v2 =	vld [tilespmem:s24+$0x0]  }
0xee: {  	[tilespmem:s24+$0xFFFFFF90] =	vst v1;
	v1 =	vmul.f32 $1.131370830e+01, v3;
	v3 =	vld [tilespmem:s24+$0x10]  }
0xef: {  	[tilespmem:s24+$0xFFFFFFA0] =	vst v0;
	v0 =	vmul.f32 $1.131370830e+01, v4;
	v4 =	vld [tilespmem:s24+$0x20]  }
0xf0: {  	v7 =	vld [tilespmem:s24+$0x30];
	[tilespmem:s24+$0xFFFFFFB0] =	vst v1;
	v1 =	vmul.f32 $1.131370830e+01, v5  }
0xf1: {  	v5 =	vmul.f32 $1.131370830e+01, v6;
	[tilespmem:s24+$0xFFFFFFC0] =	vst v0;
	v0 =	vld [tilespmem:s24+$0x40]  }
0xf2: {  	[tilespmem:s24+$0xFFFFFFD0] =	vst v1;
	v1 =	vmul.f32 $1.131370830e+01, v2;
	v2 =	vld [tilespmem:s24+$0x50]  }
0xf3: {  	[tilespmem:s24+$0xFFFFFFE0] =	vst v5;
	v6 =	vmul.f32 $1.131370830e+01, v3;
	v3 =	vld [tilespmem:s24+$0x60]  }
0xf4: {  	[tilespmem:s24+$0x0] =	vst v1;
	v5 =	vmul.f32 $1.131370830e+01, v4;
	v4 =	vld [tilespmem:s24+$0x70]  }
0xf5: {  	s11 =	simm.s32 $0x16580;
	s7 =	simm.s32 $0x0;
	v1 =	vld [tilespmem:s24+$0xFFFFFFF0];
	[tilespmem:s24+$0x10] =	vst v6;
	v6 =	vmul.f32 $1.131370830e+01, v7  }
.LBB2_11:
0xf6: {  	v7 =	vld [tilespmem:s11+$0xFFFFFF80];
	[tilespmem:s24+$0x20] =	vst v5;
	v0 =	vmul.f32 $1.131370830e+01, v0  }
0xf7: {  	v5 =	vld [tilespmem:s11+$0xFFFFFF90];
	[tilespmem:s24+$0x30] =	vst v6;
	v2 =	vmul.f32 $1.131370830e+01, v2  }
0xf8: {  	v6 =	vld [tilespmem:s11+$0xFFFFFFA0];
	[tilespmem:s24+$0x40] =	vst v0;
	v0 =	vmul.f32 $1.131370830e+01, v3  }
0xf9: {  	v3 =	vld [tilespmem:s11+$0xFFFFFFB0];
	[tilespmem:s24+$0x50] =	vst v2;
	v2 =	vmul.f32 $1.131370830e+01, v4  }
0xfa: {  	v4 =	vld [tilespmem:s11+$0xFFFFFFC0];
	v1 =	vmul.f32 $1.131370830e+01, v1;
	[tilespmem:s24+$0x60] =	vst v0  }
0xfb: {  	v0 =	vmul.f32 $1.131370830e+01, v7;
	v7 =	vld [tilespmem:s11+$0xFFFFFFD0];
	[tilespmem:s24+$0x70] =	vst v2  }
0xfc: {  	v2 =	vmul.f32 $1.131370830e+01, v5;
	v5 =	vld [tilespmem:s11+$0xFFFFFFE0];
	[tilespmem:s24+$0xFFFFFFF0] =	vst v1;
	s24 =	smov.u32 s11  }
0xfd: {  	[tilespmem:s11+$0xFFFFFF80] =	vst v0;
	v0 =	vmul.f32 $1.131370830e+01, v6;
	v1 =	vld [tilespmem:s11+$0x0]  }
0xfe: {  	[tilespmem:s11+$0xFFFFFF90] =	vst v2;
	v2 =	vmul.f32 $1.131370830e+01, v3;
	v3 =	vld [tilespmem:s11+$0x10]  }
0xff: {  	s7 =	sadd.s32 $0x2, s7;
	[tilespmem:s11+$0xFFFFFFA0] =	vst v0;
	v0 =	vmul.f32 $1.131370830e+01, v4;
	v4 =	vld [tilespmem:s11+$0x20]  }
0x100: {  	p0 =	slt.u32 s7, $0x7E;
	[tilespmem:s11+$0xFFFFFFB0] =	vst v2;
	v2 =	vmul.f32 $1.131370830e+01, v7;
	v6 =	vld [tilespmem:s11+$0x30]  }
.Ltmp4:
0x101: {  	[tilespmem:s11+$0xFFFFFFC0] =	vst v0;
	v5 =	vmul.f32 $1.131370830e+01, v5;
	v0 =	vld [tilespmem:s11+$0x40];
	(pc) =	sbr.rel @p0 .LBB2_11-.Ltmp4, $4  }
0x102: {  	[tilespmem:s11+$0xFFFFFFD0] =	vst v2;
	v1 =	vmul.f32 $1.131370830e+01, v1;
	v2 =	vld [tilespmem:s11+$0x50]  }
0x103: {  	[tilespmem:s11+$0xFFFFFFE0] =	vst v5;
	v7 =	vmul.f32 $1.131370830e+01, v3;
	v3 =	vld [tilespmem:s11+$0x60]  }
0x104: {  	[tilespmem:s11+$0x0] =	vst v1;
	v5 =	vmul.f32 $1.131370830e+01, v4;
	v4 =	vld [tilespmem:s11+$0x70]  }
0x105: {  	s11 =	sadd.s32 $0x100, s11;
	v1 =	vld [tilespmem:s24+$0xFFFFFFF0];
	[tilespmem:s24+$0x10] =	vst v7;
	v6 =	vmul.f32 $1.131370830e+01, v6  }
0x106: {  	[tilespmem:s24+$0x20] =	vst v5;
	v0 =	vmul.f32 $1.131370830e+01, v0  }
0x107: {  	[tilespmem:s24+$0x30] =	vst v6;
	v2 =	vmul.f32 $1.131370830e+01, v2  }
0x108: {  	[tilespmem:s24+$0x40] =	vst v0;
	v0 =	vmul.f32 $1.131370830e+01, v3  }
0x109: {  	s7 =	sshll.u32 s13, $0xE;
	[tilespmem:s24+$0x50] =	vst v2;
	v2 =	vmul.f32 $1.131370830e+01, v4  }
0x10a: {  	s7 =	sadd.s32 s6, s7;
	v1 =	vmul.f32 $1.131370830e+01, v1;
	[tilespmem:s24+$0x60] =	vst v0  }
0x10b: {  	s7 =	sshrl.u32 s7, $0x3;
	[tilespmem:s24+$0x70] =	vst v2  }
0x10c: {  	p0 =	seq.s32 s12, $0x20;
	s7 =	sadd.s32 s3, s7;
	[tilespmem:s24+$0xFFFFFFF0] =	vst v1  }
0x10d: {  	[hbm4b:s7+s4] =	stream.linear.scatter [tilespmem:s23], [sflag:$0xB], $0x4000, $0x38;
	[tilespmem:$0x1E400] =	vst v63  }
0x10e: {  	s7 =	simm.s32 @!p0 $0x9  }
0x10f: {  	_ =	swait.ge @!p0 [sflag:s7], $0x4000  }
0x110: {  	s11 =	simm.s32 @!p0 $0x80;
	[sflag:s7] =	ssyncset.done @!p0 $0x0  }
0x111: {  	s13 =	simm.s32 @!p0 $0xE400;
	[sflag:s7] =	ssyncadd.s32 @!p0 $0xFFFFC000;
	s7 =	sadd.s32 @!p0 $0x400, s20  }
0x112: {  	[tilespmem:s13], [sflag:$0x3] =	stream.indirect.gather @!p0 [hbm4b:s2+s11], $0x80, s7, s11, $0xb8;
	[tilespmem:$0x1E400] =	vst v63  }
0x113: {  	_ =	swait.ge [sflag:s18], $0x4000  }
0x114: {  	[sflag:s18] =	ssyncset.done $0x0  }
0x115: {  	s13 =	simm.s32 $0x1A480;
	[sflag:s18] =	ssyncadd.s32 $0xFFFFC000  }
0x116: {  	v0 =	vld [tilespmem:s13+$0xFFFFFF80]  }
0x117: {  	v1 =	vld [tilespmem:s13+$0xFFFFFF90]  }
0x118: {  	v2 =	vld [tilespmem:s13+$0xFFFFFFA0]  }
0x119: {  	v3 =	vld [tilespmem:s13+$0xFFFFFFB0]  }
0x11a: {  	v4 =	vld [tilespmem:s13+$0xFFFFFFC0]  }
0x11b: {  	v5 =	vld [tilespmem:s13+$0xFFFFFFD0];
	v0 =	vmul.f32 $1.131370830e+01, v0  }
0x11c: {  	v6 =	vld [tilespmem:s13+$0xFFFFFFE0];
	v1 =	vmul.f32 $1.131370830e+01, v1  }
0x11d: {  	[tilespmem:s13+$0xFFFFFF80] =	vst v0;
	v0 =	vmul.f32 $1.131370830e+01, v2;
	v2 =	vld [tilespmem:s13+$0x0]  }
0x11e: {  	[tilespmem:s13+$0xFFFFFF90] =	vst v1;
	v1 =	vmul.f32 $1.131370830e+01, v3;
	v3 =	vld [tilespmem:s13+$0x10]  }
0x11f: {  	[tilespmem:s13+$0xFFFFFFA0] =	vst v0;
	v0 =	vmul.f32 $1.131370830e+01, v4;
	v4 =	vld [tilespmem:s13+$0x20]  }
0x120: {  	v7 =	vld [tilespmem:s13+$0x30];
	[tilespmem:s13+$0xFFFFFFB0] =	vst v1;
	v1 =	vmul.f32 $1.131370830e+01, v5  }
0x121: {  	v5 =	vmul.f32 $1.131370830e+01, v6;
	[tilespmem:s13+$0xFFFFFFC0] =	vst v0;
	v0 =	vld [tilespmem:s13+$0x40]  }
0x122: {  	[tilespmem:s13+$0xFFFFFFD0] =	vst v1;
	v1 =	vmul.f32 $1.131370830e+01, v2;
	v2 =	vld [tilespmem:s13+$0x50]  }
0x123: {  	[tilespmem:s13+$0xFFFFFFE0] =	vst v5;
	v6 =	vmul.f32 $1.131370830e+01, v3;
	v3 =	vld [tilespmem:s13+$0x60]  }
0x124: {  	[tilespmem:s13+$0x0] =	vst v1;
	v5 =	vmul.f32 $1.131370830e+01, v4;
	v4 =	vld [tilespmem:s13+$0x70]  }
0x125: {  	s7 =	simm.s32 $0x0;
	s11 =	simm.s32 $0x1A580;
	v1 =	vld [tilespmem:s13+$0xFFFFFFF0];
	[tilespmem:s13+$0x10] =	vst v6;
	v6 =	vmul.f32 $1.131370830e+01, v7  }
.LBB2_13:
0x126: {  	v7 =	vld [tilespmem:s11+$0xFFFFFF80];
	[tilespmem:s13+$0x20] =	vst v5;
	v0 =	vmul.f32 $1.131370830e+01, v0  }
0x127: {  	v5 =	vld [tilespmem:s11+$0xFFFFFF90];
	[tilespmem:s13+$0x30] =	vst v6;
	v2 =	vmul.f32 $1.131370830e+01, v2  }
0x128: {  	v6 =	vld [tilespmem:s11+$0xFFFFFFA0];
	[tilespmem:s13+$0x40] =	vst v0;
	v0 =	vmul.f32 $1.131370830e+01, v3  }
0x129: {  	v3 =	vld [tilespmem:s11+$0xFFFFFFB0];
	[tilespmem:s13+$0x50] =	vst v2;
	v2 =	vmul.f32 $1.131370830e+01, v4  }
0x12a: {  	v4 =	vld [tilespmem:s11+$0xFFFFFFC0];
	v1 =	vmul.f32 $1.131370830e+01, v1;
	[tilespmem:s13+$0x60] =	vst v0  }
0x12b: {  	v0 =	vmul.f32 $1.131370830e+01, v7;
	v7 =	vld [tilespmem:s11+$0xFFFFFFD0];
	[tilespmem:s13+$0x70] =	vst v2  }
0x12c: {  	v2 =	vmul.f32 $1.131370830e+01, v5;
	v5 =	vld [tilespmem:s11+$0xFFFFFFE0];
	[tilespmem:s13+$0xFFFFFFF0] =	vst v1;
	s13 =	smov.u32 s11  }
0x12d: {  	[tilespmem:s11+$0xFFFFFF80] =	vst v0;
	v0 =	vmul.f32 $1.131370830e+01, v6;
	v1 =	vld [tilespmem:s11+$0x0]  }
0x12e: {  	[tilespmem:s11+$0xFFFFFF90] =	vst v2;
	v2 =	vmul.f32 $1.131370830e+01, v3;
	v3 =	vld [tilespmem:s11+$0x10]  }
0x12f: {  	s7 =	sadd.s32 $0x2, s7;
	[tilespmem:s11+$0xFFFFFFA0] =	vst v0;
	v0 =	vmul.f32 $1.131370830e+01, v4;
	v4 =	vld [tilespmem:s11+$0x20]  }
0x130: {  	p1 =	slt.u32 s7, $0x7E;
	[tilespmem:s11+$0xFFFFFFB0] =	vst v2;
	v2 =	vmul.f32 $1.131370830e+01, v7;
	v6 =	vld [tilespmem:s11+$0x30]  }
.Ltmp5:
0x131: {  	[tilespmem:s11+$0xFFFFFFC0] =	vst v0;
	v5 =	vmul.f32 $1.131370830e+01, v5;
	v0 =	vld [tilespmem:s11+$0x40];
	(pc) =	sbr.rel @p1 .LBB2_13-.Ltmp5, $4  }
0x132: {  	[tilespmem:s11+$0xFFFFFFD0] =	vst v2;
	v1 =	vmul.f32 $1.131370830e+01, v1;
	v2 =	vld [tilespmem:s11+$0x50]  }
0x133: {  	[tilespmem:s11+$0xFFFFFFE0] =	vst v5;
	v7 =	vmul.f32 $1.131370830e+01, v3;
	v3 =	vld [tilespmem:s11+$0x60]  }
0x134: {  	[tilespmem:s11+$0x0] =	vst v1;
	v5 =	vmul.f32 $1.131370830e+01, v4;
	v4 =	vld [tilespmem:s11+$0x70]  }
0x135: {  	s11 =	sadd.s32 $0x100, s11;
	v1 =	vld [tilespmem:s13+$0xFFFFFFF0];
	[tilespmem:s13+$0x10] =	vst v7;
	v6 =	vmul.f32 $1.131370830e+01, v6  }
0x136: {  	[tilespmem:s13+$0x20] =	vst v5;
	v0 =	vmul.f32 $1.131370830e+01, v0  }
0x137: {  	[tilespmem:s13+$0x30] =	vst v6;
	v2 =	vmul.f32 $1.131370830e+01, v2  }
0x138: {  	[tilespmem:s13+$0x40] =	vst v0;
	v62 =	vmul.f32 $1.131370830e+01, v3  }
.Ltmp6:
0x139: {  	s7 =	sshll.u32 s14, $0xE;
	[tilespmem:s13+$0x50] =	vst v2;
	v63 =	vmul.f32 $1.131370830e+01, v4;
	(pc) =	sbr.rel @p0 .LBB2_16-.Ltmp6, $4  }
0x13a: {  	s7 =	sadd.s32 s6, s7;
	v1 =	vmul.f32 $1.131370830e+01, v1;
	[tilespmem:s13+$0x60] =	vst v62  }
0x13b: {  	s7 =	sshrl.u32 s7, $0x3;
	[tilespmem:s13+$0x70] =	vst v63  }
0x13c: {  	s7 =	sadd.s32 s3, s7;
	[tilespmem:s13+$0xFFFFFFF0] =	vst v1  }
0x13d: {  	[hbm4b:s7+s4] =	stream.linear.scatter [tilespmem:s25], [sflag:$0xC], $0x4000, $0x38;
	[tilespmem:$0x1E400] =	vst v63  }
.Ltmp7:
0x13e: {  	(pc) =	sbr.rel .LBB2_2-.Ltmp7, $4  }
0x13f: {  	_ =	swait.ge [sflag:s22], $0x4000  }
0x140: {  	[sflag:s22] =	ssyncset.done $0x0  }
0x141: {  	s7 =	sadd.s32 $0x480, s20;
	s12 =	sadd.s32 $0x1, s12;
	[sflag:s22] =	ssyncadd.s32 $0xFFFFC000  }
0x142: {  	[tilespmem:s21], [sflag:$0x4] =	stream.indirect.gather [hbm4b:s2+s15], $0x80, s7, s15, $0xb8;
	[tilespmem:$0x1E400] =	vst v63  }
.LBB2_16:
0x143: {  	_ =	swait.ge [sflag:s26], $0x4000  }
0x144: {  	[sflag:s26] =	ssyncset.done $0x0  }
0x145: {  	s7 =	simm.s32 $0x6480;
	[sflag:s26] =	ssyncadd.s32 $0xFFFFC000  }
0x146: {  	v0 =	vld [tilespmem:s7+$0xFFFFFF80]  }
0x147: {  	v1 =	vld [tilespmem:s7+$0xFFFFFF90]  }
0x148: {  	v2 =	vld [tilespmem:s7+$0xFFFFFFA0]  }
0x149: {  	v3 =	vld [tilespmem:s7+$0xFFFFFFB0]  }
0x14a: {  	v4 =	vld [tilespmem:s7+$0xFFFFFFC0]  }
0x14b: {  	v5 =	vld [tilespmem:s7+$0xFFFFFFD0];
	v0 =	vmul.f32 $1.131370830e+01, v0  }
0x14c: {  	v6 =	vld [tilespmem:s7+$0xFFFFFFE0];
	v1 =	vmul.f32 $1.131370830e+01, v1  }
0x14d: {  	[tilespmem:s7+$0xFFFFFF80] =	vst v0;
	v0 =	vmul.f32 $1.131370830e+01, v2;
	v2 =	vld [tilespmem:s7+$0x0]  }
0x14e: {  	[tilespmem:s7+$0xFFFFFF90] =	vst v1;
	v1 =	vmul.f32 $1.131370830e+01, v3;
	v3 =	vld [tilespmem:s7+$0x10]  }
0x14f: {  	[tilespmem:s7+$0xFFFFFFA0] =	vst v0;
	v0 =	vmul.f32 $1.131370830e+01, v4;
	v4 =	vld [tilespmem:s7+$0x20]  }
0x150: {  	v7 =	vld [tilespmem:s7+$0x30];
	[tilespmem:s7+$0xFFFFFFB0] =	vst v1;
	v1 =	vmul.f32 $1.131370830e+01, v5  }
0x151: {  	v5 =	vmul.f32 $1.131370830e+01, v6;
	[tilespmem:s7+$0xFFFFFFC0] =	vst v0;
	v0 =	vld [tilespmem:s7+$0x40]  }
0x152: {  	[tilespmem:s7+$0xFFFFFFD0] =	vst v1;
	v1 =	vld [tilespmem:s7+$0x50];
	v2 =	vmul.f32 $1.131370830e+01, v2  }
0x153: {  	[tilespmem:s7+$0xFFFFFFE0] =	vst v5;
	v6 =	vmul.f32 $1.131370830e+01, v3;
	v3 =	vld [tilespmem:s7+$0x60]  }
0x154: {  	[tilespmem:s7+$0x0] =	vst v2;
	v5 =	vmul.f32 $1.131370830e+01, v4;
	v4 =	vld [tilespmem:s7+$0x70]  }
0x155: {  	s11 =	simm.s32 $0x0;
	s12 =	simm.s32 $0x6580;
	v2 =	vld [tilespmem:s7+$0xFFFFFFF0];
	[tilespmem:s7+$0x10] =	vst v6;
	v6 =	vmul.f32 $1.131370830e+01, v7  }
.LBB2_17:
0x156: {  	v7 =	vld [tilespmem:s12+$0xFFFFFF80];
	[tilespmem:s7+$0x20] =	vst v5;
	v0 =	vmul.f32 $1.131370830e+01, v0  }
0x157: {  	v5 =	vld [tilespmem:s12+$0xFFFFFF90];
	[tilespmem:s7+$0x30] =	vst v6;
	v1 =	vmul.f32 $1.131370830e+01, v1  }
0x158: {  	v6 =	vld [tilespmem:s12+$0xFFFFFFA0];
	[tilespmem:s7+$0x40] =	vst v0;
	v0 =	vmul.f32 $1.131370830e+01, v3  }
0x159: {  	v3 =	vld [tilespmem:s12+$0xFFFFFFB0];
	[tilespmem:s7+$0x50] =	vst v1;
	v1 =	vmul.f32 $1.131370830e+01, v4  }
0x15a: {  	v4 =	vld [tilespmem:s12+$0xFFFFFFC0];
	v2 =	vmul.f32 $1.131370830e+01, v2;
	[tilespmem:s7+$0x60] =	vst v0  }
0x15b: {  	v0 =	vmul.f32 $1.131370830e+01, v7;
	v7 =	vld [tilespmem:s12+$0xFFFFFFD0];
	[tilespmem:s7+$0x70] =	vst v1  }
0x15c: {  	v1 =	vmul.f32 $1.131370830e+01, v5;
	v5 =	vld [tilespmem:s12+$0xFFFFFFE0];
	[tilespmem:s7+$0xFFFFFFF0] =	vst v2;
	s7 =	smov.u32 s12  }
0x15d: {  	[tilespmem:s12+$0xFFFFFF80] =	vst v0;
	v0 =	vmul.f32 $1.131370830e+01, v6;
	v2 =	vld [tilespmem:s12+$0x0]  }
0x15e: {  	[tilespmem:s12+$0xFFFFFF90] =	vst v1;
	v1 =	vmul.f32 $1.131370830e+01, v3;
	v3 =	vld [tilespmem:s12+$0x10]  }
0x15f: {  	s11 =	sadd.s32 $0x2, s11;
	[tilespmem:s12+$0xFFFFFFA0] =	vst v0;
	v0 =	vmul.f32 $1.131370830e+01, v4;
	v4 =	vld [tilespmem:s12+$0x20]  }
0x160: {  	p0 =	slt.u32 s11, $0x7E;
	[tilespmem:s12+$0xFFFFFFB0] =	vst v1;
	v1 =	vmul.f32 $1.131370830e+01, v7;
	v6 =	vld [tilespmem:s12+$0x30]  }
.Ltmp8:
0x161: {  	[tilespmem:s12+$0xFFFFFFC0] =	vst v0;
	v5 =	vmul.f32 $1.131370830e+01, v5;
	v0 =	vld [tilespmem:s12+$0x40];
	(pc) =	sbr.rel @p0 .LBB2_17-.Ltmp8, $4  }
0x162: {  	[tilespmem:s12+$0xFFFFFFD0] =	vst v1;
	v2 =	vmul.f32 $1.131370830e+01, v2;
	v1 =	vld [tilespmem:s12+$0x50]  }
0x163: {  	[tilespmem:s12+$0xFFFFFFE0] =	vst v5;
	v7 =	vmul.f32 $1.131370830e+01, v3;
	v3 =	vld [tilespmem:s12+$0x60]  }
0x164: {  	[tilespmem:s12+$0x0] =	vst v2;
	v5 =	vmul.f32 $1.131370830e+01, v4;
	v4 =	vld [tilespmem:s12+$0x70]  }
0x165: {  	s12 =	sadd.s32 $0x100, s12;
	v2 =	vld [tilespmem:s7+$0xFFFFFFF0];
	[tilespmem:s7+$0x10] =	vst v7;
	v6 =	vmul.f32 $1.131370830e+01, v6  }
0x166: {  	[tilespmem:s7+$0x20] =	vst v5;
	v0 =	vmul.f32 $1.131370830e+01, v0  }
0x167: {  	[tilespmem:s7+$0x30] =	vst v6;
	v1 =	vmul.f32 $1.131370830e+01, v1  }
0x168: {  	[tilespmem:s7+$0x40] =	vst v0;
	v0 =	vmul.f32 $1.131370830e+01, v3  }
0x169: {  	[tilespmem:s7+$0x50] =	vst v1;
	v1 =	vmul.f32 $1.131370830e+01, v4  }
0x16a: {  	v2 =	vmul.f32 $1.131370830e+01, v2;
	[tilespmem:s7+$0x60] =	vst v0  }
0x16b: {  	[tilespmem:s7+$0x70] =	vst v1  }
0x16c: {  	s24 =	rddreg [dreg:$0x5];
	[tilespmem:s7+$0xFFFFFFF0] =	vst v2  }
0x16d: {  	[hbm4b:s24+s4] =	stream.linear.scatter [tilespmem:s16], [sflag:$0x7], $0x4000, $0x38;
	[tilespmem:$0x1E400] =	vst v63  }
0x16e: {  	_ =	swait.ge [sflag:s28], $0x4000  }
0x16f: {  	[sflag:s28] =	ssyncset.done $0x0  }
0x170: {  	s7 =	simm.s32 $0xA480;
	[sflag:s28] =	ssyncadd.s32 $0xFFFFC000  }
0x171: {  	v0 =	vld [tilespmem:s7+$0xFFFFFF80]  }
0x172: {  	v1 =	vld [tilespmem:s7+$0xFFFFFF90]  }
0x173: {  	v2 =	vld [tilespmem:s7+$0xFFFFFFA0]  }
0x174: {  	v3 =	vld [tilespmem:s7+$0xFFFFFFB0]  }
0x175: {  	v4 =	vld [tilespmem:s7+$0xFFFFFFC0]  }
0x176: {  	v5 =	vld [tilespmem:s7+$0xFFFFFFD0];
	v0 =	vmul.f32 $1.131370830e+01, v0  }
0x177: {  	v6 =	vld [tilespmem:s7+$0xFFFFFFE0];
	v1 =	vmul.f32 $1.131370830e+01, v1  }
0x178: {  	[tilespmem:s7+$0xFFFFFF80] =	vst v0;
	v0 =	vmul.f32 $1.131370830e+01, v2;
	v2 =	vld [tilespmem:s7+$0x0]  }
0x179: {  	[tilespmem:s7+$0xFFFFFF90] =	vst v1;
	v1 =	vmul.f32 $1.131370830e+01, v3;
	v3 =	vld [tilespmem:s7+$0x10]  }
0x17a: {  	[tilespmem:s7+$0xFFFFFFA0] =	vst v0;
	v0 =	vmul.f32 $1.131370830e+01, v4;
	v4 =	vld [tilespmem:s7+$0x20]  }
0x17b: {  	v7 =	vld [tilespmem:s7+$0x30];
	[tilespmem:s7+$0xFFFFFFB0] =	vst v1;
	v1 =	vmul.f32 $1.131370830e+01, v5  }
0x17c: {  	v5 =	vmul.f32 $1.131370830e+01, v6;
	[tilespmem:s7+$0xFFFFFFC0] =	vst v0;
	v0 =	vld [tilespmem:s7+$0x40]  }
0x17d: {  	[tilespmem:s7+$0xFFFFFFD0] =	vst v1;
	v1 =	vld [tilespmem:s7+$0x50];
	v2 =	vmul.f32 $1.131370830e+01, v2  }
0x17e: {  	[tilespmem:s7+$0xFFFFFFE0] =	vst v5;
	v6 =	vmul.f32 $1.131370830e+01, v3;
	v3 =	vld [tilespmem:s7+$0x60]  }
0x17f: {  	[tilespmem:s7+$0x0] =	vst v2;
	v5 =	vmul.f32 $1.131370830e+01, v4;
	v4 =	vld [tilespmem:s7+$0x70]  }
0x180: {  	s11 =	simm.s32 $0x0;
	s12 =	simm.s32 $0xA580;
	v2 =	vld [tilespmem:s7+$0xFFFFFFF0];
	[tilespmem:s7+$0x10] =	vst v6;
	v6 =	vmul.f32 $1.131370830e+01, v7  }
.LBB2_19:
0x181: {  	v7 =	vld [tilespmem:s12+$0xFFFFFF80];
	[tilespmem:s7+$0x20] =	vst v5;
	v0 =	vmul.f32 $1.131370830e+01, v0  }
0x182: {  	v5 =	vld [tilespmem:s12+$0xFFFFFF90];
	[tilespmem:s7+$0x30] =	vst v6;
	v1 =	vmul.f32 $1.131370830e+01, v1  }
0x183: {  	v6 =	vld [tilespmem:s12+$0xFFFFFFA0];
	[tilespmem:s7+$0x40] =	vst v0;
	v0 =	vmul.f32 $1.131370830e+01, v3  }
0x184: {  	v3 =	vld [tilespmem:s12+$0xFFFFFFB0];
	[tilespmem:s7+$0x50] =	vst v1;
	v1 =	vmul.f32 $1.131370830e+01, v4  }
0x185: {  	v4 =	vld [tilespmem:s12+$0xFFFFFFC0];
	v2 =	vmul.f32 $1.131370830e+01, v2;
	[tilespmem:s7+$0x60] =	vst v0  }
0x186: {  	v0 =	vmul.f32 $1.131370830e+01, v7;
	v7 =	vld [tilespmem:s12+$0xFFFFFFD0];
	[tilespmem:s7+$0x70] =	vst v1  }
0x187: {  	v1 =	vmul.f32 $1.131370830e+01, v5;
	v5 =	vld [tilespmem:s12+$0xFFFFFFE0];
	[tilespmem:s7+$0xFFFFFFF0] =	vst v2;
	s7 =	smov.u32 s12  }
0x188: {  	[tilespmem:s12+$0xFFFFFF80] =	vst v0;
	v0 =	vmul.f32 $1.131370830e+01, v6;
	v2 =	vld [tilespmem:s12+$0x0]  }
0x189: {  	[tilespmem:s12+$0xFFFFFF90] =	vst v1;
	v1 =	vmul.f32 $1.131370830e+01, v3;
	v3 =	vld [tilespmem:s12+$0x10]  }
0x18a: {  	s11 =	sadd.s32 $0x2, s11;
	[tilespmem:s12+$0xFFFFFFA0] =	vst v0;
	v0 =	vmul.f32 $1.131370830e+01, v4;
	v4 =	vld [tilespmem:s12+$0x20]  }
0x18b: {  	p0 =	slt.u32 s11, $0x7E;
	[tilespmem:s12+$0xFFFFFFB0] =	vst v1;
	v1 =	vmul.f32 $1.131370830e+01, v7;
	v6 =	vld [tilespmem:s12+$0x30]  }
.Ltmp9:
0x18c: {  	[tilespmem:s12+$0xFFFFFFC0] =	vst v0;
	v5 =	vmul.f32 $1.131370830e+01, v5;
	v0 =	vld [tilespmem:s12+$0x40];
	(pc) =	sbr.rel @p0 .LBB2_19-.Ltmp9, $4  }
0x18d: {  	[tilespmem:s12+$0xFFFFFFD0] =	vst v1;
	v2 =	vmul.f32 $1.131370830e+01, v2;
	v1 =	vld [tilespmem:s12+$0x50]  }
0x18e: {  	[tilespmem:s12+$0xFFFFFFE0] =	vst v5;
	v7 =	vmul.f32 $1.131370830e+01, v3;
	v3 =	vld [tilespmem:s12+$0x60]  }
0x18f: {  	[tilespmem:s12+$0x0] =	vst v2;
	v5 =	vmul.f32 $1.131370830e+01, v4;
	v4 =	vld [tilespmem:s12+$0x70]  }
0x190: {  	s12 =	sadd.s32 $0x100, s12;
	v2 =	vld [tilespmem:s7+$0xFFFFFFF0];
	[tilespmem:s7+$0x10] =	vst v7;
	v6 =	vmul.f32 $1.131370830e+01, v6  }
0x191: {  	[tilespmem:s7+$0x20] =	vst v5;
	v0 =	vmul.f32 $1.131370830e+01, v0  }
0x192: {  	[tilespmem:s7+$0x30] =	vst v6;
	v1 =	vmul.f32 $1.131370830e+01, v1  }
0x193: {  	[tilespmem:s7+$0x40] =	vst v0;
	v62 =	vmul.f32 $1.131370830e+01, v3  }
0x194: {  	[tilespmem:s7+$0x50] =	vst v1;
	v63 =	vmul.f32 $1.131370830e+01, v4  }
0x195: {  	v2 =	vmul.f32 $1.131370830e+01, v2;
	[tilespmem:s7+$0x60] =	vst v62  }
0x196: {  	[tilespmem:s7+$0x70] =	vst v63  }
0x197: {  	s14 =	rddreg [dreg:$0x6];
	[tilespmem:s7+$0xFFFFFFF0] =	vst v2  }
0x198: {  	[hbm4b:s14+s4] =	stream.linear.scatter [tilespmem:s17], [sflag:$0x8], $0x4000, $0x38;
	[tilespmem:$0x1E400] =	vst v63  }
0x199: {  	_ =	swait.ge [sflag:s30], $0x4000  }
0x19a: {  	[sflag:s30] =	ssyncset.done $0x0  }
0x19b: {  	[sflag:s30] =	ssyncadd.s32 $0xFFFFC000  }
0x19c: {  	_ =	swait.ge [sflag:s1], $0x4000  }
0x19d: {  	[sflag:s1] =	ssyncset.done $0x0  }
0x19e: {  	s19 =	simm.s32 $0x9;
	[sflag:s1] =	ssyncadd.s32 $0xFFFFC000  }
0x19f: {  	_ =	swait.ge [sflag:s19], $0x4000  }
0x1a0: {  	[sflag:s19] =	ssyncset.done $0x0  }
0x1a1: {  	[sflag:s19] =	ssyncadd.s32 $0xFFFFC000  }
0x1a2: {  	_ =	swait.ge [sflag:s22], $0x4000  }
0x1a3: {  	[sflag:s22] =	ssyncset.done $0x0  }
0x1a4: {  	s20 =	simm.s32 $0xB;
	[sflag:s22] =	ssyncadd.s32 $0xFFFFC000  }
0x1a5: {  	_ =	swait.ge [sflag:s20], $0x4000  }
0x1a6: {  	[sflag:s20] =	ssyncset.done $0x0  }
0x1a7: {  	s11 =	simm.s32 $0xC;
	[sflag:s20] =	ssyncadd.s32 $0xFFFFC000  }
0x1a8: {  	_ =	swait.ge [sflag:s11], $0x4000  }
0x1a9: {  	s12 =	rddreg [dreg:$0x8]  }
0x1aa: {  	s24 =	rddreg [dreg:$0x7];
	s12 =	sadd.s32 $0x1, s12  }
0x1ab: {  	p0 =	sne.s32 s12, s24  }
.Ltmp10:
0x1ac: {  	_ = 	snop;
	(pc) =	sbr.rel @p0 .LBB2_1-.Ltmp10, $3  }
0x1ad: {  	_ =	sdelay $0x1  }
0x1ae: {  	[sflag:s11] =	ssyncset.done $0x0  }
0x1af: {  	[sflag:s11] =	ssyncadd.s32 $0xFFFFC000  }
0x1b0: {  	_ =	sfence.sel $0x180000  }
0x1b1: {  	[bflag:$0x0] =	sbarrier.arrive $0xFFFF  }
0x1b2: {  	_ =	strace $0x90000047  }
0x1b3: {  	s0 =	stileid.u32;
	[bflag:$0x2] =	sbarrier.arrive $0xFFFF  }
0x1b4: {  	p0 =	sne.s32 s0, $0x0;
	s0 =	rddreg [dreg:$0x3]  }
0x1b5: {  	s0 =	sadd.s32 @!p0 $0x100000, s0  }
0x1b6: {  	[sflag:s0] =	ssyncadd.tile.s32 @!p0 $0x1;
	_ =	shalt  }
.Lfunc_end2:
_tile_overlayer_lowered:
.L_overlay_start_2:
0x1b7: {  	(tag) =	ssettag $0x2  }
0x1b8: {  	s0 =	rddreg [dreg:$0x0];
	s2 =	stileid.u32  }
0x1b9: {  	s1 =	rddreg [dreg:$0x1];
	p0 =	sne.s32 s2, $0x0  }
0x1ba: {  	s3 =	rddreg [dreg:$0x2];
	[bflag:$0x3] =	sbarrier.arrive $0xFFFF;
	s2 =	simm.s32 @!p0 $0x1C0D  }
0x1bb: {  	[timem:s3], [sflag:s2] =	dma.local @!p0 [hbm:s0], s1  }
0x1bc: {  	s0 =	simm.s32 @!p0 $0xD  }
0x1bd: {  	_ =	swait.ge @!p0 [sflag:s0], s1  }
0x1be: {  	s1 =	ssub.s32 @!p0 $0x0, s1;
	[sflag:s0] =	ssyncset.done @!p0 $0x0  }
0x1bf: {  	[sflag:s0] =	ssyncadd.s32 @!p0 s1  }
0x1c0: {  	[bflag:$0x3] =	sbarrier.arrive $0xFFFF  }
0x1c1: {  	_ =	shalt  }

</sc_bundles>
